<compile_context>
chip_gen: v7x
topology: tpu7x:2x2x1
jax: 0.10.2.dev20260603
libtpu: 0.0.44.dev20260713+nightly
codegen_flags: <defaults>
</compile_context>

<pallas_src>
import functools

import jax
import jax.numpy as jnp
from jax.experimental import pallas as pl
from jax.experimental.pallas import tpu as pltpu
from jax.experimental.pallas import tpu_sc as plsc

_T = 2048
_D = 1024
_E = 8
_TBC = 512
_GB = 256
_NT = 24
_XS = _NT * _GB
_NA = 2 * _T
_NC = 2
_NS = 16
_NW = _NC * _NS
_CHUNK = 32
_PER_W = _NA // _NW
_NCHUNK = _PER_W // _CHUNK


def _shift_down(a, s):
    return jnp.concatenate([jnp.zeros((s, a.shape[1]), a.dtype), a[: a.shape[0] - s]], axis=0)


def _lane_shift(a, s):
    return jnp.concatenate([jnp.zeros((a.shape[0], s), a.dtype), a[:, : a.shape[1] - s]], axis=1)


def _route_one(x, wg):
    logits = jax.lax.dot_general(
        x, wg, (((1,), (1,)), ((), ())), preferred_element_type=jnp.float32
    )
    iota = jax.lax.broadcasted_iota(jnp.int32, logits.shape, 1)
    m1 = jnp.max(logits, axis=1, keepdims=True)
    i1 = jnp.min(jnp.where(logits == m1, iota, _E), axis=1, keepdims=True)
    mask1 = iota == i1
    rest = jnp.where(mask1, -jnp.inf, logits)
    m2 = jnp.max(rest, axis=1, keepdims=True)
    i2 = jnp.min(jnp.where(rest == m2, iota, _E), axis=1, keepdims=True)
    mask2 = iota == i2
    tm = jnp.where(mask1 | mask2, logits, 0.0)
    gates = tm / (jnp.sum(tm, axis=1, keepdims=True) + 1e-9)
    g0 = jnp.sum(jnp.where(mask1, gates, 0.0), axis=1, keepdims=True)
    g1 = jnp.sum(jnp.where(mask2, gates, 0.0), axis=1, keepdims=True)
    g01 = jnp.where(iota == 0, g0, 0.0) + jnp.where(iota == 1, g1, 0.0)

    oh0 = mask1.astype(jnp.float32)
    oh1 = mask2.astype(jnp.float32)
    c0i = oh0
    c1i = oh1
    s = 1
    while s < _T:
        c0i = c0i + _shift_down(c0i, s)
        c1i = c1i + _shift_down(c1i, s)
        s *= 2
    cum0 = c0i - oh0
    cum1 = c1i - oh1
    cnt0 = jnp.max(c0i, axis=0, keepdims=True)
    cnt1 = jnp.max(c1i, axis=0, keepdims=True)
    n_e = cnt0 + cnt1
    tiles = jnp.floor((n_e + (_GB - 1)) * (1.0 / _GB))
    ti = tiles
    for sh in (1, 2, 4):
        ti = ti + _lane_shift(ti, sh)
    tile_start = ti - tiles
    total_tiles = ti[:, _E - 1 : _E]
    po = tile_start * float(_GB)

    pos0 = jnp.sum(oh0 * (po + cum0), axis=1, keepdims=True)
    pos1 = jnp.sum(oh1 * (po + cnt0 + cum1), axis=1, keepdims=True)
    ones8 = jnp.ones((1, _E), jnp.float32)
    p0 = (pos0 * ones8).astype(jnp.int32)
    p1 = (pos1 * ones8).astype(jnp.int32)

    ts24 = jnp.broadcast_to(tile_start, (_NT, _E))
    jvec = jax.lax.broadcasted_iota(jnp.int32, (_NT, _E), 0).astype(jnp.float32)
    te = jnp.sum((ts24 <= jvec).astype(jnp.float32), axis=1, keepdims=True) - 1.0
    te = jnp.clip(te, 0.0, float(_E - 1))
    teb = jnp.broadcast_to(te, (_NT, 128))
    ttb = jnp.broadcast_to(total_tiles, (_NT, 128))
    meta = jnp.concatenate([teb, ttb], axis=0).astype(jnp.int32)
    return g01, p0, p1, meta


def _route_kernel(x0_ref, x1_ref, wg0_ref, wg1_ref,
                  g_ref, p0_ref, p1_ref, meta_ref):
    g01, p0, p1, meta = _route_one(x0_ref[...], wg0_ref[...])
    g_ref[0], p0_ref[0], p1_ref[0], meta_ref[0] = g01, p0, p1, meta
    g01, p0, p1, meta = _route_one(x1_ref[...], wg1_ref[...])
    g_ref[1], p0_ref[1], p1_ref[1], meta_ref[1] = g01, p0, p1, meta


def _sc_scatter_kernel(x_hbm, pos_hbm, xs_hbm, rows_a, rows_b, idx_a, idx_b,
                       sem_la, sem_lb, sem_sa, sem_sb):
    wid = jax.lax.axis_index("s") * _NC + jax.lax.axis_index("c")
    aw = wid * _PER_W
    src_base = aw % _T
    rows = (rows_a, rows_b)
    idx = (idx_a, idx_b)
    sem_l = (sem_la, sem_lb)
    sem_s = (sem_sa, sem_sb)
    sc = [None, None]
    for c in range(_NCHUNK):
        b = c & 1
        if sc[b] is not None:
            sc[b].wait()
        pltpu.sync_copy(pos_hbm.at[pl.ds(aw + c * _CHUNK, _CHUNK)], idx[b])
        ld = pltpu.async_copy(
            x_hbm.at[pl.ds(src_base + c * _CHUNK, _CHUNK)], rows[b], sem_l[b])
        ld.wait()
        sc[b] = pltpu.async_copy(rows[b], xs_hbm.at[idx[b]], sem_s[b])
    sc[0].wait()
    sc[1].wait()


def _sc_gather_kernel(y_hbm, pos_hbm, yg_hbm, rows_a, rows_b, idx_a, idx_b,
                      sem_la, sem_lb, sem_sa, sem_sb):
    wid = jax.lax.axis_index("s") * _NC + jax.lax.axis_index("c")
    base = wid * _PER_W
    rows = (rows_a, rows_b)
    idx = (idx_a, idx_b)
    sem_l = (sem_la, sem_lb)
    sem_s = (sem_sa, sem_sb)
    st = [None, None]
    for c in range(_NCHUNK):
        b = c & 1
        if st[b] is not None:
            st[b].wait()
        pltpu.sync_copy(pos_hbm.at[pl.ds(base + c * _CHUNK, _CHUNK)], idx[b])
        g = pltpu.async_copy(y_hbm.at[idx[b]], rows[b], sem_l[b])
        g.wait()
        st[b] = pltpu.async_copy(
            rows[b], yg_hbm.at[pl.ds(base + c * _CHUNK, _CHUNK)], sem_s[b])
    st[0].wait()
    st[1].wait()


def _gmm_kernel(s_ref, xs_ref, we_ref, y_ref):
    j = pl.program_id(0)
    tt = s_ref[_NT]

    @pl.when(j < tt)
    def _():
        y_ref[...] = jax.lax.dot_general(
            xs_ref[...], we_ref[0], (((1,), (1,)), ((), ())),
            preferred_element_type=jnp.float32,
        )


def _xs_map(j, s):
    return (jnp.where(j < s[_NT], j, 0), 0)


def _y_map(j, s):
    return (jnp.where(j < s[_NT], j, _NT), 0)


def _combine_kernel(g_ref, a_ref, b_ref, o_ref):
    g = g_ref[0]
    o_ref[0] = g[:, 0:1] * a_ref[0] + g[:, 1:2] * b_ref[0]


def _sc_pair(body, out_rows):
    mesh = plsc.VectorSubcoreMesh(
        core_axis_name="c", subcore_axis_name="s", num_cores=_NC, num_subcores=_NS
    )
    return functools.partial(
        pl.kernel,
        out_type=jax.ShapeDtypeStruct((out_rows, _D), jnp.float32),
        mesh=mesh,
        scratch_types=[
            pltpu.VMEM((_CHUNK, _D), jnp.float32),
            pltpu.VMEM((_CHUNK, _D), jnp.float32),
            pltpu.VMEM((_CHUNK,), jnp.int32),
            pltpu.VMEM((_CHUNK,), jnp.int32),
            pltpu.SemaphoreType.DMA,
            pltpu.SemaphoreType.DMA,
            pltpu.SemaphoreType.DMA,
            pltpu.SemaphoreType.DMA,
        ],
    )(body)


def _task_pipeline(x, g01_t, pos_t, meta_t, We):
    xs_sorted = _sc_pair(_sc_scatter_kernel, _XS)(x, pos_t)
    y_full = pl.pallas_call(
        _gmm_kernel,
        grid_spec=pltpu.PrefetchScalarGridSpec(
            num_scalar_prefetch=1,
            grid=(_NT,),
            in_specs=[
                pl.BlockSpec((_GB, _D), _xs_map),
                pl.BlockSpec((1, _D, _D), lambda j, s: (s[jnp.minimum(j, s[_NT] - 1)], 0, 0)),
            ],
            out_specs=pl.BlockSpec((_GB, _D), _y_map),
        ),
        out_shape=jax.ShapeDtypeStruct((_XS + _GB, _D), jnp.float32),
    )(meta_t, xs_sorted, We)
    yg = _sc_pair(_sc_gather_kernel, _NA)(y_full, pos_t)
    yg2 = yg.reshape(2, _T, _D)
    out = pl.pallas_call(
        _combine_kernel,
        grid=(_T // _TBC,),
        in_specs=[
            pl.BlockSpec((1, _TBC, _E), lambda b: (0, b, 0)),
            pl.BlockSpec((1, _TBC, _D), lambda b: (0, b, 0)),
            pl.BlockSpec((1, _TBC, _D), lambda b: (1, b, 0)),
        ],
        out_specs=pl.BlockSpec((1, _TBC, _D), lambda b: (0, b, 0)),
        out_shape=jax.ShapeDtypeStruct((1, _T, _D), jnp.float32),
    )(g01_t.reshape(1, _T, _E), yg2, yg2)
    return out[0]


def kernel(x0, x1, Wg0, Wg1, We):
    g01, p0, p1, meta = pl.pallas_call(
        _route_kernel,
        in_specs=[
            pl.BlockSpec((_T, _D), lambda: (0, 0)),
            pl.BlockSpec((_T, _D), lambda: (0, 0)),
            pl.BlockSpec((_E, _D), lambda: (0, 0)),
            pl.BlockSpec((_E, _D), lambda: (0, 0)),
        ],
        out_specs=[
            pl.BlockSpec((2, _T, _E), lambda: (0, 0, 0)),
            pl.BlockSpec((2, _T, _E), lambda: (0, 0, 0)),
            pl.BlockSpec((2, _T, _E), lambda: (0, 0, 0)),
            pl.BlockSpec((2, 2 * _NT, 128), lambda: (0, 0, 0)),
        ],
        out_shape=[
            jax.ShapeDtypeStruct((2, _T, _E), jnp.float32),
            jax.ShapeDtypeStruct((2, _T, _E), jnp.int32),
            jax.ShapeDtypeStruct((2, _T, _E), jnp.int32),
            jax.ShapeDtypeStruct((2, 2 * _NT, 128), jnp.int32),
        ],
    )(x0, x1, Wg0, Wg1)

    pos_t0 = jnp.concatenate([p0[0, :, 0], p1[0, :, 0]])
    pos_t1 = jnp.concatenate([p0[1, :, 0], p1[1, :, 0]])
    meta_t0 = jnp.concatenate([meta[0, :_NT, 0], meta[0, _NT, 0:1]])
    meta_t1 = jnp.concatenate([meta[1, :_NT, 0], meta[1, _NT, 0:1]])

    out0 = _task_pipeline(x0, g01[0], pos_t0, meta_t0, We)
    out1 = _task_pipeline(x1, g01[1], pos_t1, meta_t1, We)
    return (out0, out1)

# --- scband reference (transcript-rebuilt; emitter-appended) ---
"""Pipeline reference for scband-mo-eshell-2869038154061 (READ-ONLY COPY).

The authoritative reference and input builder live on the scoring server;
editing this copy changes nothing except your own understanding.
"""

import jax, jax.numpy as jnp
import numpy as np

NUM_TASKS = 2
NUM_EXPERTS = 8
D = 1024
K = 2
T = 2048


def setup_inputs(seed: int = 0) -> dict:
    key = jax.random.key(seed)
    ks = jax.random.split(key, 5)
    x0 = jax.random.normal(ks[0], (T, D), dtype=jnp.float32)
    x1 = jax.random.normal(ks[1], (T, D), dtype=jnp.float32)
    # per-task gating weights: torch Linear(input_size, num_experts, bias=False) -> weight [E, D]
    Wg0 = jax.random.normal(ks[2], (NUM_EXPERTS, D), dtype=jnp.float32) * 0.02
    Wg1 = jax.random.normal(ks[3], (NUM_EXPERTS, D), dtype=jnp.float32) * 0.02
    # experts: num_experts deep copies of Linear(D, D, bias=False) -> weight [E, D_out, D_in]
    We = jax.random.normal(ks[4], (NUM_EXPERTS, D, D), dtype=jnp.float32) * 0.02
    return {"x0": x0, "x1": x1, "Wg0": Wg0, "Wg1": Wg1, "We": We}


def _task_forward(x, Wg, We):
    # gating logits (noisy_gating == 0.0 -> deterministic)
    logits = x @ Wg.T  # [T, E]
    # top-k selection per token
    _, topk_idx = jax.lax.top_k(logits, K)  # [T, K]
    row = jnp.arange(logits.shape[0])[:, None]
    mask = jnp.zeros_like(logits).at[row, topk_idx].set(1.0)  # scatter 1.0 at top-k
    topk_masked = mask * logits
    gates = topk_masked / (topk_masked.sum(axis=-1, keepdims=True) + 1e-09)  # [T, E]
    # expert outputs: each expert e computes x @ We[e].T; dense eval then gate-weighted combine
    expert_out = jnp.einsum('td,eod->teo', x, We)  # [T, E, D]
    out = jnp.einsum('te,teo->to', gates, expert_out)  # [T, D]
    return out


def reference(x0, x1, Wg0, Wg1, We):
    out0 = _task_forward(x0, Wg0, We)
    out1 = _task_forward(x1, Wg1, We)
    return (out0, out1)

if __name__ == "__main__":
    import jax
    _d = setup_inputs()
    print(jax.jit(kernel)(*tuple(_d.values())))

</pallas_src>

<mosaic_0001>
#map = affine_map<(d0, d1) -> (0, 0)>
#map1 = affine_map<(d0, d1) -> (0)>
module attributes {stable_mosaic.version = 14 : i64} {
  func.func @_sc_scatter_kernel(%arg0: i32, %arg1: i32, %arg2: memref<2048x1024xf32, #tpu.memory_space<hbm>>, %arg3: memref<4096xi32, #tpu.memory_space<hbm>>, %arg4: memref<6144x1024xf32, #tpu.memory_space<hbm>>, %arg5: memref<32x1024xf32, #tpu.memory_space<vmem>>, %arg6: memref<32x1024xf32, #tpu.memory_space<vmem>>, %arg7: memref<32xi32, #tpu.memory_space<vmem>>, %arg8: memref<32xi32, #tpu.memory_space<vmem>>, %arg9: memref<!tpu.dma_semaphore, #tpu.memory_space<semaphore_mem>>, %arg10: memref<!tpu.dma_semaphore, #tpu.memory_space<semaphore_mem>>, %arg11: memref<!tpu.dma_semaphore, #tpu.memory_space<semaphore_mem>>, %arg12: memref<!tpu.dma_semaphore, #tpu.memory_space<semaphore_mem>>) attributes {dimension_semantics = [#tpu.dimension_semantics<core_parallel>, #tpu.dimension_semantics<subcore_parallel>], iteration_bounds = array<i64: 2, 16>, scalar_prefetch = 0 : i64, scratch_operands = 8 : i64, tpu.core_type = #tpu.core_type<sc_vector_subcore>, window_params = [{transform_indices = #map}, {transform_indices = #map1}, {transform_indices = #map}]} {
    %mul3A = arith.constant 2 : i32
    %mul3A_0 = arith.muli %arg1, %mul3A : i32
    %add3A = arith.addi %mul3A_0, %arg0 : i32
    %mul3A_1 = arith.constant 128 : i32
    %mul3A_2 = arith.muli %add3A, %mul3A_1 : i32
    %jit3A = arith.constant 2048 : i32
    %eq3A = arith.constant 0 : i32
    %eq3A_3 = arith.cmpi eq, %jit3A, %eq3A : i32
    %jit3A_4 = arith.constant 1 : i32
    %select_n3A = arith.select %eq3A_3, %jit3A_4, %jit3A : i32
    %rem3A = arith.remsi %mul3A_2, %select_n3A : i32
    %ne3A = arith.constant 0 : i32
    %ne3A_5 = arith.cmpi ne, %rem3A, %ne3A : i32
    %lt3A = arith.constant 0 : i32
    %lt3A_6 = arith.cmpi slt, %rem3A, %lt3A : i32
    %lt3A_7 = arith.constant 0 : i32
    %lt3A_8 = arith.cmpi slt, %select_n3A, %lt3A_7 : i32
    %ne3A_9 = arith.xori %lt3A_6, %lt3A_8 : i1
    %and3A = arith.andi %ne3A_9, %ne3A_5 : i1
    %add3A_10 = arith.addi %rem3A, %select_n3A : i32
    %select_n3A_11 = arith.select %and3A, %add3A_10, %rem3A : i32
    %add3A_12 = arith.constant 0 : i32
    %add3A_13 = arith.addi %mul3A_2, %add3A_12 : i32
    "tpu.region"() ({
      %run_scoped3A = tpu.sem_alloc : memref<!tpu.dma_semaphore, #tpu.memory_space<semaphore_mem>>
      %dma_start3A_82 = tpu.memref_slice %arg3[%add3A_13] : memref<4096xi32, #tpu.memory_space<hbm>> -> memref<32xi32, #tpu.memory_space<hbm>>
      %dma_start3A_83 = tpu.memref_slice %arg3[%add3A_13] : memref<4096xi32, #tpu.memory_space<hbm>> -> memref<32xi32, #tpu.memory_space<hbm>>
      tpu.enqueue_dma source(%dma_start3A_83 : memref<32xi32, #tpu.memory_space<hbm>>) target(%arg7 : memref<32xi32, #tpu.memory_space<vmem>>) target_semaphore(%run_scoped3A : memref<!tpu.dma_semaphore, #tpu.memory_space<semaphore_mem>>)
      %dma_wait3A_84 = tpu.memref_slice %arg3[%add3A_13] : memref<4096xi32, #tpu.memory_space<hbm>> -> memref<32xi32, #tpu.memory_space<hbm>>
      %dma_wait3A_85 = tpu.memref_slice %arg3[%add3A_13] : memref<4096xi32, #tpu.memory_space<hbm>> -> memref<32xi32, #tpu.memory_space<hbm>>
      tpu.wait_dma2 semaphore(%run_scoped3A : memref<!tpu.dma_semaphore, #tpu.memory_space<semaphore_mem>>) src(%dma_wait3A_85 : memref<32xi32, #tpu.memory_space<hbm>>) dst(%arg7 : memref<32xi32, #tpu.memory_space<vmem>>)
      tpu.yield
    }) : () -> ()
    %add3A_14 = arith.constant 0 : i32
    %add3A_15 = arith.addi %select_n3A_11, %add3A_14 : i32
    %dma_start3A = arith.constant 0 : i32
    %dma_start3A_16 = tpu.memref_slice %arg2[%add3A_15, %dma_start3A] : memref<2048x1024xf32, #tpu.memory_space<hbm>> -> memref<32x1024xf32, #tpu.memory_space<hbm>>
    %dma_start3A_17 = arith.constant 0 : i32
    %dma_start3A_18 = tpu.memref_slice %arg2[%add3A_15, %dma_start3A_17] : memref<2048x1024xf32, #tpu.memory_space<hbm>> -> memref<32x1024xf32, #tpu.memory_space<hbm>>
    tpu.enqueue_dma source(%dma_start3A_18 : memref<32x1024xf32, #tpu.memory_space<hbm>>) target(%arg5 : memref<32x1024xf32, #tpu.memory_space<vmem>>) target_semaphore(%arg9 : memref<!tpu.dma_semaphore, #tpu.memory_space<semaphore_mem>>)
    %dma_wait3A = arith.constant 0 : i32
    %dma_wait3A_19 = tpu.memref_slice %arg2[%add3A_15, %dma_wait3A] : memref<2048x1024xf32, #tpu.memory_space<hbm>> -> memref<32x1024xf32, #tpu.memory_space<hbm>>
    %dma_wait3A_20 = arith.constant 0 : i32
    %dma_wait3A_21 = tpu.memref_slice %arg2[%add3A_15, %dma_wait3A_20] : memref<2048x1024xf32, #tpu.memory_space<hbm>> -> memref<32x1024xf32, #tpu.memory_space<hbm>>
    tpu.wait_dma2 semaphore(%arg9 : memref<!tpu.dma_semaphore, #tpu.memory_space<semaphore_mem>>) src(%dma_wait3A_21 : memref<32x1024xf32, #tpu.memory_space<hbm>>) dst(%arg5 : memref<32x1024xf32, #tpu.memory_space<vmem>>)
    %dma_start3A_22 = arith.constant 0 : i32
    %dma_start3A_23 = arith.constant 0 : i32
    %dma_start3A_24 = tpu.memref_slice %arg4[%dma_start3A_22, %dma_start3A_23] : memref<6144x1024xf32, #tpu.memory_space<hbm>> -> memref<6144x1024xf32, #tpu.memory_space<hbm>>
    tpu.enqueue_indirect_dma source(%arg5 : memref<32x1024xf32, #tpu.memory_space<vmem>>) target(%dma_start3A_24 : memref<6144x1024xf32, #tpu.memory_space<hbm>>) offsets(%arg7 : memref<32xi32, #tpu.memory_space<vmem>>) semaphore(%arg11 : memref<!tpu.dma_semaphore, #tpu.memory_space<semaphore_mem>>)
    %add3A_25 = arith.constant 32 : i32
    %add3A_26 = arith.addi %mul3A_2, %add3A_25 : i32
    "tpu.region"() ({
      %run_scoped3A = tpu.sem_alloc : memref<!tpu.dma_semaphore, #tpu.memory_space<semaphore_mem>>
      %dma_start3A_82 = tpu.memref_slice %arg3[%add3A_26] : memref<4096xi32, #tpu.memory_space<hbm>> -> memref<32xi32, #tpu.memory_space<hbm>>
      %dma_start3A_83 = tpu.memref_slice %arg3[%add3A_26] : memref<4096xi32, #tpu.memory_space<hbm>> -> memref<32xi32, #tpu.memory_space<hbm>>
      tpu.enqueue_dma source(%dma_start3A_83 : memref<32xi32, #tpu.memory_space<hbm>>) target(%arg8 : memref<32xi32, #tpu.memory_space<vmem>>) target_semaphore(%run_scoped3A : memref<!tpu.dma_semaphore, #tpu.memory_space<semaphore_mem>>)
      %dma_wait3A_84 = tpu.memref_slice %arg3[%add3A_26] : memref<4096xi32, #tpu.memory_space<hbm>> -> memref<32xi32, #tpu.memory_space<hbm>>
      %dma_wait3A_85 = tpu.memref_slice %arg3[%add3A_26] : memref<4096xi32, #tpu.memory_space<hbm>> -> memref<32xi32, #tpu.memory_space<hbm>>
      tpu.wait_dma2 semaphore(%run_scoped3A : memref<!tpu.dma_semaphore, #tpu.memory_space<semaphore_mem>>) src(%dma_wait3A_85 : memref<32xi32, #tpu.memory_space<hbm>>) dst(%arg8 : memref<32xi32, #tpu.memory_space<vmem>>)
      tpu.yield
    }) : () -> ()
    %add3A_27 = arith.constant 32 : i32
    %add3A_28 = arith.addi %select_n3A_11, %add3A_27 : i32
    %dma_start3A_29 = arith.constant 0 : i32
    %dma_start3A_30 = tpu.memref_slice %arg2[%add3A_28, %dma_start3A_29] : memref<2048x1024xf32, #tpu.memory_space<hbm>> -> memref<32x1024xf32, #tpu.memory_space<hbm>>
    %dma_start3A_31 = arith.constant 0 : i32
    %dma_start3A_32 = tpu.memref_slice %arg2[%add3A_28, %dma_start3A_31] : memref<2048x1024xf32, #tpu.memory_space<hbm>> -> memref<32x1024xf32, #tpu.memory_space<hbm>>
    tpu.enqueue_dma source(%dma_start3A_32 : memref<32x1024xf32, #tpu.memory_space<hbm>>) target(%arg6 : memref<32x1024xf32, #tpu.memory_space<vmem>>) target_semaphore(%arg10 : memref<!tpu.dma_semaphore, #tpu.memory_space<semaphore_mem>>)
    %dma_wait3A_33 = arith.constant 0 : i32
    %dma_wait3A_34 = tpu.memref_slice %arg2[%add3A_28, %dma_wait3A_33] : memref<2048x1024xf32, #tpu.memory_space<hbm>> -> memref<32x1024xf32, #tpu.memory_space<hbm>>
    %dma_wait3A_35 = arith.constant 0 : i32
    %dma_wait3A_36 = tpu.memref_slice %arg2[%add3A_28, %dma_wait3A_35] : memref<2048x1024xf32, #tpu.memory_space<hbm>> -> memref<32x1024xf32, #tpu.memory_space<hbm>>
    tpu.wait_dma2 semaphore(%arg10 : memref<!tpu.dma_semaphore, #tpu.memory_space<semaphore_mem>>) src(%dma_wait3A_36 : memref<32x1024xf32, #tpu.memory_space<hbm>>) dst(%arg6 : memref<32x1024xf32, #tpu.memory_space<vmem>>)
    %dma_start3A_37 = arith.constant 0 : i32
    %dma_start3A_38 = arith.constant 0 : i32
    %dma_start3A_39 = tpu.memref_slice %arg4[%dma_start3A_37, %dma_start3A_38] : memref<6144x1024xf32, #tpu.memory_space<hbm>> -> memref<6144x1024xf32, #tpu.memory_space<hbm>>
    tpu.enqueue_indirect_dma source(%arg6 : memref<32x1024xf32, #tpu.memory_space<vmem>>) target(%dma_start3A_39 : memref<6144x1024xf32, #tpu.memory_space<hbm>>) offsets(%arg8 : memref<32xi32, #tpu.memory_space<vmem>>) semaphore(%arg12 : memref<!tpu.dma_semaphore, #tpu.memory_space<semaphore_mem>>)
    %dma_wait3A_40 = arith.constant 0 : i32
    %dma_wait3A_41 = arith.constant 0 : i32
    %dma_wait3A_42 = tpu.memref_slice %arg4[%dma_wait3A_40, %dma_wait3A_41] : memref<6144x1024xf32, #tpu.memory_space<hbm>> -> memref<6144x1024xf32, #tpu.memory_space<hbm>>
    tpu.wait_indirect_dma semaphore(%arg11 : memref<!tpu.dma_semaphore, #tpu.memory_space<semaphore_mem>>) src(%arg5 : memref<32x1024xf32, #tpu.memory_space<vmem>>) dst(%dma_wait3A_42 : memref<6144x1024xf32, #tpu.memory_space<hbm>>)
    %add3A_43 = arith.constant 64 : i32
    %add3A_44 = arith.addi %mul3A_2, %add3A_43 : i32
    "tpu.region"() ({
      %run_scoped3A = tpu.sem_alloc : memref<!tpu.dma_semaphore, #tpu.memory_space<semaphore_mem>>
      %dma_start3A_82 = tpu.memref_slice %arg3[%add3A_44] : memref<4096xi32, #tpu.memory_space<hbm>> -> memref<32xi32, #tpu.memory_space<hbm>>
      %dma_start3A_83 = tpu.memref_slice %arg3[%add3A_44] : memref<4096xi32, #tpu.memory_space<hbm>> -> memref<32xi32, #tpu.memory_space<hbm>>
      tpu.enqueue_dma source(%dma_start3A_83 : memref<32xi32, #tpu.memory_space<hbm>>) target(%arg7 : memref<32xi32, #tpu.memory_space<vmem>>) target_semaphore(%run_scoped3A : memref<!tpu.dma_semaphore, #tpu.memory_space<semaphore_mem>>)
      %dma_wait3A_84 = tpu.memref_slice %arg3[%add3A_44] : memref<4096xi32, #tpu.memory_space<hbm>> -> memref<32xi32, #tpu.memory_space<hbm>>
      %dma_wait3A_85 = tpu.memref_slice %arg3[%add3A_44] : memref<4096xi32, #tpu.memory_space<hbm>> -> memref<32xi32, #tpu.memory_space<hbm>>
      tpu.wait_dma2 semaphore(%run_scoped3A : memref<!tpu.dma_semaphore, #tpu.memory_space<semaphore_mem>>) src(%dma_wait3A_85 : memref<32xi32, #tpu.memory_space<hbm>>) dst(%arg7 : memref<32xi32, #tpu.memory_space<vmem>>)
      tpu.yield
    }) : () -> ()
    %add3A_45 = arith.constant 64 : i32
    %add3A_46 = arith.addi %select_n3A_11, %add3A_45 : i32
    %dma_start3A_47 = arith.constant 0 : i32
    %dma_start3A_48 = tpu.memref_slice %arg2[%add3A_46, %dma_start3A_47] : memref<2048x1024xf32, #tpu.memory_space<hbm>> -> memref<32x1024xf32, #tpu.memory_space<hbm>>
    %dma_start3A_49 = arith.constant 0 : i32
    %dma_start3A_50 = tpu.memref_slice %arg2[%add3A_46, %dma_start3A_49] : memref<2048x1024xf32, #tpu.memory_space<hbm>> -> memref<32x1024xf32, #tpu.memory_space<hbm>>
    tpu.enqueue_dma source(%dma_start3A_50 : memref<32x1024xf32, #tpu.memory_space<hbm>>) target(%arg5 : memref<32x1024xf32, #tpu.memory_space<vmem>>) target_semaphore(%arg9 : memref<!tpu.dma_semaphore, #tpu.memory_space<semaphore_mem>>)
    %dma_wait3A_51 = arith.constant 0 : i32
    %dma_wait3A_52 = tpu.memref_slice %arg2[%add3A_46, %dma_wait3A_51] : memref<2048x1024xf32, #tpu.memory_space<hbm>> -> memref<32x1024xf32, #tpu.memory_space<hbm>>
    %dma_wait3A_53 = arith.constant 0 : i32
    %dma_wait3A_54 = tpu.memref_slice %arg2[%add3A_46, %dma_wait3A_53] : memref<2048x1024xf32, #tpu.memory_space<hbm>> -> memref<32x1024xf32, #tpu.memory_space<hbm>>
    tpu.wait_dma2 semaphore(%arg9 : memref<!tpu.dma_semaphore, #tpu.memory_space<semaphore_mem>>) src(%dma_wait3A_54 : memref<32x1024xf32, #tpu.memory_space<hbm>>) dst(%arg5 : memref<32x1024xf32, #tpu.memory_space<vmem>>)
    %dma_start3A_55 = arith.constant 0 : i32
    %dma_start3A_56 = arith.constant 0 : i32
    %dma_start3A_57 = tpu.memref_slice %arg4[%dma_start3A_55, %dma_start3A_56] : memref<6144x1024xf32, #tpu.memory_space<hbm>> -> memref<6144x1024xf32, #tpu.memory_space<hbm>>
    tpu.enqueue_indirect_dma source(%arg5 : memref<32x1024xf32, #tpu.memory_space<vmem>>) target(%dma_start3A_57 : memref<6144x1024xf32, #tpu.memory_space<hbm>>) offsets(%arg7 : memref<32xi32, #tpu.memory_space<vmem>>) semaphore(%arg11 : memref<!tpu.dma_semaphore, #tpu.memory_space<semaphore_mem>>)
    %dma_wait3A_58 = arith.constant 0 : i32
    %dma_wait3A_59 = arith.constant 0 : i32
    %dma_wait3A_60 = tpu.memref_slice %arg4[%dma_wait3A_58, %dma_wait3A_59] : memref<6144x1024xf32, #tpu.memory_space<hbm>> -> memref<6144x1024xf32, #tpu.memory_space<hbm>>
    tpu.wait_indirect_dma semaphore(%arg12 : memref<!tpu.dma_semaphore, #tpu.memory_space<semaphore_mem>>) src(%arg6 : memref<32x1024xf32, #tpu.memory_space<vmem>>) dst(%dma_wait3A_60 : memref<6144x1024xf32, #tpu.memory_space<hbm>>)
    %add3A_61 = arith.constant 96 : i32
    %add3A_62 = arith.addi %mul3A_2, %add3A_61 : i32
    "tpu.region"() ({
      %run_scoped3A = tpu.sem_alloc : memref<!tpu.dma_semaphore, #tpu.memory_space<semaphore_mem>>
      %dma_start3A_82 = tpu.memref_slice %arg3[%add3A_62] : memref<4096xi32, #tpu.memory_space<hbm>> -> memref<32xi32, #tpu.memory_space<hbm>>
      %dma_start3A_83 = tpu.memref_slice %arg3[%add3A_62] : memref<4096xi32, #tpu.memory_space<hbm>> -> memref<32xi32, #tpu.memory_space<hbm>>
      tpu.enqueue_dma source(%dma_start3A_83 : memref<32xi32, #tpu.memory_space<hbm>>) target(%arg8 : memref<32xi32, #tpu.memory_space<vmem>>) target_semaphore(%run_scoped3A : memref<!tpu.dma_semaphore, #tpu.memory_space<semaphore_mem>>)
      %dma_wait3A_84 = tpu.memref_slice %arg3[%add3A_62] : memref<4096xi32, #tpu.memory_space<hbm>> -> memref<32xi32, #tpu.memory_space<hbm>>
      %dma_wait3A_85 = tpu.memref_slice %arg3[%add3A_62] : memref<4096xi32, #tpu.memory_space<hbm>> -> memref<32xi32, #tpu.memory_space<hbm>>
      tpu.wait_dma2 semaphore(%run_scoped3A : memref<!tpu.dma_semaphore, #tpu.memory_space<semaphore_mem>>) src(%dma_wait3A_85 : memref<32xi32, #tpu.memory_space<hbm>>) dst(%arg8 : memref<32xi32, #tpu.memory_space<vmem>>)
      tpu.yield
    }) : () -> ()
    %add3A_63 = arith.constant 96 : i32
    %add3A_64 = arith.addi %select_n3A_11, %add3A_63 : i32
    %dma_start3A_65 = arith.constant 0 : i32
    %dma_start3A_66 = tpu.memref_slice %arg2[%add3A_64, %dma_start3A_65] : memref<2048x1024xf32, #tpu.memory_space<hbm>> -> memref<32x1024xf32, #tpu.memory_space<hbm>>
    %dma_start3A_67 = arith.constant 0 : i32
    %dma_start3A_68 = tpu.memref_slice %arg2[%add3A_64, %dma_start3A_67] : memref<2048x1024xf32, #tpu.memory_space<hbm>> -> memref<32x1024xf32, #tpu.memory_space<hbm>>
    tpu.enqueue_dma source(%dma_start3A_68 : memref<32x1024xf32, #tpu.memory_space<hbm>>) target(%arg6 : memref<32x1024xf32, #tpu.memory_space<vmem>>) target_semaphore(%arg10 : memref<!tpu.dma_semaphore, #tpu.memory_space<semaphore_mem>>)
    %dma_wait3A_69 = arith.constant 0 : i32
    %dma_wait3A_70 = tpu.memref_slice %arg2[%add3A_64, %dma_wait3A_69] : memref<2048x1024xf32, #tpu.memory_space<hbm>> -> memref<32x1024xf32, #tpu.memory_space<hbm>>
    %dma_wait3A_71 = arith.constant 0 : i32
    %dma_wait3A_72 = tpu.memref_slice %arg2[%add3A_64, %dma_wait3A_71] : memref<2048x1024xf32, #tpu.memory_space<hbm>> -> memref<32x1024xf32, #tpu.memory_space<hbm>>
    tpu.wait_dma2 semaphore(%arg10 : memref<!tpu.dma_semaphore, #tpu.memory_space<semaphore_mem>>) src(%dma_wait3A_72 : memref<32x1024xf32, #tpu.memory_space<hbm>>) dst(%arg6 : memref<32x1024xf32, #tpu.memory_space<vmem>>)
    %dma_start3A_73 = arith.constant 0 : i32
    %dma_start3A_74 = arith.constant 0 : i32
    %dma_start3A_75 = tpu.memref_slice %arg4[%dma_start3A_73, %dma_start3A_74] : memref<6144x1024xf32, #tpu.memory_space<hbm>> -> memref<6144x1024xf32, #tpu.memory_space<hbm>>
    tpu.enqueue_indirect_dma source(%arg6 : memref<32x1024xf32, #tpu.memory_space<vmem>>) target(%dma_start3A_75 : memref<6144x1024xf32, #tpu.memory_space<hbm>>) offsets(%arg8 : memref<32xi32, #tpu.memory_space<vmem>>) semaphore(%arg12 : memref<!tpu.dma_semaphore, #tpu.memory_space<semaphore_mem>>)
    %dma_wait3A_76 = arith.constant 0 : i32
    %dma_wait3A_77 = arith.constant 0 : i32
    %dma_wait3A_78 = tpu.memref_slice %arg4[%dma_wait3A_76, %dma_wait3A_77] : memref<6144x1024xf32, #tpu.memory_space<hbm>> -> memref<6144x1024xf32, #tpu.memory_space<hbm>>
    tpu.wait_indirect_dma semaphore(%arg11 : memref<!tpu.dma_semaphore, #tpu.memory_space<semaphore_mem>>) src(%arg5 : memref<32x1024xf32, #tpu.memory_space<vmem>>) dst(%dma_wait3A_78 : memref<6144x1024xf32, #tpu.memory_space<hbm>>)
    %dma_wait3A_79 = arith.constant 0 : i32
    %dma_wait3A_80 = arith.constant 0 : i32
    %dma_wait3A_81 = tpu.memref_slice %arg4[%dma_wait3A_79, %dma_wait3A_80] : memref<6144x1024xf32, #tpu.memory_space<hbm>> -> memref<6144x1024xf32, #tpu.memory_space<hbm>>
    tpu.wait_indirect_dma semaphore(%arg12 : memref<!tpu.dma_semaphore, #tpu.memory_space<semaphore_mem>>) src(%arg6 : memref<32x1024xf32, #tpu.memory_space<vmem>>) dst(%dma_wait3A_81 : memref<6144x1024xf32, #tpu.memory_space<hbm>>)
    return
  }
}

#map = affine_map<(d0, d1) -> (0, 0)>
#map1 = affine_map<(d0, d1) -> (0)>
module attributes {stable_mosaic.version = 14 : i64} {
  func.func @_sc_gather_kernel(%arg0: i32, %arg1: i32, %arg2: memref<6400x1024xf32, #tpu.memory_space<hbm>>, %arg3: memref<4096xi32, #tpu.memory_space<hbm>>, %arg4: memref<4096x1024xf32, #tpu.memory_space<hbm>>, %arg5: memref<32x1024xf32, #tpu.memory_space<vmem>>, %arg6: memref<32x1024xf32, #tpu.memory_space<vmem>>, %arg7: memref<32xi32, #tpu.memory_space<vmem>>, %arg8: memref<32xi32, #tpu.memory_space<vmem>>, %arg9: memref<!tpu.dma_semaphore, #tpu.memory_space<semaphore_mem>>, %arg10: memref<!tpu.dma_semaphore, #tpu.memory_space<semaphore_mem>>, %arg11: memref<!tpu.dma_semaphore, #tpu.memory_space<semaphore_mem>>, %arg12: memref<!tpu.dma_semaphore, #tpu.memory_space<semaphore_mem>>) attributes {dimension_semantics = [#tpu.dimension_semantics<core_parallel>, #tpu.dimension_semantics<subcore_parallel>], iteration_bounds = array<i64: 2, 16>, scalar_prefetch = 0 : i64, scratch_operands = 8 : i64, tpu.core_type = #tpu.core_type<sc_vector_subcore>, window_params = [{transform_indices = #map}, {transform_indices = #map1}, {transform_indices = #map}]} {
    %mul3A = arith.constant 2 : i32
    %mul3A_0 = arith.muli %arg1, %mul3A : i32
    %add3A = arith.addi %mul3A_0, %arg0 : i32
    %mul3A_1 = arith.constant 128 : i32
    %mul3A_2 = arith.muli %add3A, %mul3A_1 : i32
    %add3A_3 = arith.constant 0 : i32
    %add3A_4 = arith.addi %mul3A_2, %add3A_3 : i32
    "tpu.region"() ({
      %run_scoped3A = tpu.sem_alloc : memref<!tpu.dma_semaphore, #tpu.memory_space<semaphore_mem>>
      %dma_start3A_73 = tpu.memref_slice %arg3[%add3A_4] : memref<4096xi32, #tpu.memory_space<hbm>> -> memref<32xi32, #tpu.memory_space<hbm>>
      %dma_start3A_74 = tpu.memref_slice %arg3[%add3A_4] : memref<4096xi32, #tpu.memory_space<hbm>> -> memref<32xi32, #tpu.memory_space<hbm>>
      tpu.enqueue_dma source(%dma_start3A_74 : memref<32xi32, #tpu.memory_space<hbm>>) target(%arg7 : memref<32xi32, #tpu.memory_space<vmem>>) target_semaphore(%run_scoped3A : memref<!tpu.dma_semaphore, #tpu.memory_space<semaphore_mem>>)
      %dma_wait3A_75 = tpu.memref_slice %arg3[%add3A_4] : memref<4096xi32, #tpu.memory_space<hbm>> -> memref<32xi32, #tpu.memory_space<hbm>>
      %dma_wait3A_76 = tpu.memref_slice %arg3[%add3A_4] : memref<4096xi32, #tpu.memory_space<hbm>> -> memref<32xi32, #tpu.memory_space<hbm>>
      tpu.wait_dma2 semaphore(%run_scoped3A : memref<!tpu.dma_semaphore, #tpu.memory_space<semaphore_mem>>) src(%dma_wait3A_76 : memref<32xi32, #tpu.memory_space<hbm>>) dst(%arg7 : memref<32xi32, #tpu.memory_space<vmem>>)
      tpu.yield
    }) : () -> ()
    %dma_start3A = arith.constant 0 : i32
    %dma_start3A_5 = arith.constant 0 : i32
    %dma_start3A_6 = tpu.memref_slice %arg2[%dma_start3A, %dma_start3A_5] : memref<6400x1024xf32, #tpu.memory_space<hbm>> -> memref<6400x1024xf32, #tpu.memory_space<hbm>>
    tpu.enqueue_indirect_dma source(%dma_start3A_6 : memref<6400x1024xf32, #tpu.memory_space<hbm>>) target(%arg5 : memref<32x1024xf32, #tpu.memory_space<vmem>>) offsets(%arg7 : memref<32xi32, #tpu.memory_space<vmem>>) semaphore(%arg9 : memref<!tpu.dma_semaphore, #tpu.memory_space<semaphore_mem>>)
    %dma_wait3A = arith.constant 0 : i32
    %dma_wait3A_7 = arith.constant 0 : i32
    %dma_wait3A_8 = tpu.memref_slice %arg2[%dma_wait3A, %dma_wait3A_7] : memref<6400x1024xf32, #tpu.memory_space<hbm>> -> memref<6400x1024xf32, #tpu.memory_space<hbm>>
    tpu.wait_indirect_dma semaphore(%arg9 : memref<!tpu.dma_semaphore, #tpu.memory_space<semaphore_mem>>) src(%dma_wait3A_8 : memref<6400x1024xf32, #tpu.memory_space<hbm>>) dst(%arg5 : memref<32x1024xf32, #tpu.memory_space<vmem>>)
    %add3A_9 = arith.constant 0 : i32
    %add3A_10 = arith.addi %mul3A_2, %add3A_9 : i32
    %dma_start3A_11 = arith.constant 0 : i32
    %dma_start3A_12 = tpu.memref_slice %arg4[%add3A_10, %dma_start3A_11] : memref<4096x1024xf32, #tpu.memory_space<hbm>> -> memref<32x1024xf32, #tpu.memory_space<hbm>>
    %dma_start3A_13 = arith.constant 0 : i32
    %dma_start3A_14 = tpu.memref_slice %arg4[%add3A_10, %dma_start3A_13] : memref<4096x1024xf32, #tpu.memory_space<hbm>> -> memref<32x1024xf32, #tpu.memory_space<hbm>>
    tpu.enqueue_dma source(%arg5 : memref<32x1024xf32, #tpu.memory_space<vmem>>) target(%dma_start3A_14 : memref<32x1024xf32, #tpu.memory_space<hbm>>) target_semaphore(%arg11 : memref<!tpu.dma_semaphore, #tpu.memory_space<semaphore_mem>>)
    %add3A_15 = arith.constant 32 : i32
    %add3A_16 = arith.addi %mul3A_2, %add3A_15 : i32
    "tpu.region"() ({
      %run_scoped3A = tpu.sem_alloc : memref<!tpu.dma_semaphore, #tpu.memory_space<semaphore_mem>>
      %dma_start3A_73 = tpu.memref_slice %arg3[%add3A_16] : memref<4096xi32, #tpu.memory_space<hbm>> -> memref<32xi32, #tpu.memory_space<hbm>>
      %dma_start3A_74 = tpu.memref_slice %arg3[%add3A_16] : memref<4096xi32, #tpu.memory_space<hbm>> -> memref<32xi32, #tpu.memory_space<hbm>>
      tpu.enqueue_dma source(%dma_start3A_74 : memref<32xi32, #tpu.memory_space<hbm>>) target(%arg8 : memref<32xi32, #tpu.memory_space<vmem>>) target_semaphore(%run_scoped3A : memref<!tpu.dma_semaphore, #tpu.memory_space<semaphore_mem>>)
      %dma_wait3A_75 = tpu.memref_slice %arg3[%add3A_16] : memref<4096xi32, #tpu.memory_space<hbm>> -> memref<32xi32, #tpu.memory_space<hbm>>
      %dma_wait3A_76 = tpu.memref_slice %arg3[%add3A_16] : memref<4096xi32, #tpu.memory_space<hbm>> -> memref<32xi32, #tpu.memory_space<hbm>>
      tpu.wait_dma2 semaphore(%run_scoped3A : memref<!tpu.dma_semaphore, #tpu.memory_space<semaphore_mem>>) src(%dma_wait3A_76 : memref<32xi32, #tpu.memory_space<hbm>>) dst(%arg8 : memref<32xi32, #tpu.memory_space<vmem>>)
      tpu.yield
    }) : () -> ()
    %dma_start3A_17 = arith.constant 0 : i32
    %dma_start3A_18 = arith.constant 0 : i32
    %dma_start3A_19 = tpu.memref_slice %arg2[%dma_start3A_17, %dma_start3A_18] : memref<6400x1024xf32, #tpu.memory_space<hbm>> -> memref<6400x1024xf32, #tpu.memory_space<hbm>>
    tpu.enqueue_indirect_dma source(%dma_start3A_19 : memref<6400x1024xf32, #tpu.memory_space<hbm>>) target(%arg6 : memref<32x1024xf32, #tpu.memory_space<vmem>>) offsets(%arg8 : memref<32xi32, #tpu.memory_space<vmem>>) semaphore(%arg10 : memref<!tpu.dma_semaphore, #tpu.memory_space<semaphore_mem>>)
    %dma_wait3A_20 = arith.constant 0 : i32
    %dma_wait3A_21 = arith.constant 0 : i32
    %dma_wait3A_22 = tpu.memref_slice %arg2[%dma_wait3A_20, %dma_wait3A_21] : memref<6400x1024xf32, #tpu.memory_space<hbm>> -> memref<6400x1024xf32, #tpu.memory_space<hbm>>
    tpu.wait_indirect_dma semaphore(%arg10 : memref<!tpu.dma_semaphore, #tpu.memory_space<semaphore_mem>>) src(%dma_wait3A_22 : memref<6400x1024xf32, #tpu.memory_space<hbm>>) dst(%arg6 : memref<32x1024xf32, #tpu.memory_space<vmem>>)
    %add3A_23 = arith.constant 32 : i32
    %add3A_24 = arith.addi %mul3A_2, %add3A_23 : i32
    %dma_start3A_25 = arith.constant 0 : i32
    %dma_start3A_26 = tpu.memref_slice %arg4[%add3A_24, %dma_start3A_25] : memref<4096x1024xf32, #tpu.memory_space<hbm>> -> memref<32x1024xf32, #tpu.memory_space<hbm>>
    %dma_start3A_27 = arith.constant 0 : i32
    %dma_start3A_28 = tpu.memref_slice %arg4[%add3A_24, %dma_start3A_27] : memref<4096x1024xf32, #tpu.memory_space<hbm>> -> memref<32x1024xf32, #tpu.memory_space<hbm>>
    tpu.enqueue_dma source(%arg6 : memref<32x1024xf32, #tpu.memory_space<vmem>>) target(%dma_start3A_28 : memref<32x1024xf32, #tpu.memory_space<hbm>>) target_semaphore(%arg12 : memref<!tpu.dma_semaphore, #tpu.memory_space<semaphore_mem>>)
    %dma_wait3A_29 = arith.constant 0 : i32
    %dma_wait3A_30 = tpu.memref_slice %arg4[%add3A_10, %dma_wait3A_29] : memref<4096x1024xf32, #tpu.memory_space<hbm>> -> memref<32x1024xf32, #tpu.memory_space<hbm>>
    %dma_wait3A_31 = arith.constant 0 : i32
    %dma_wait3A_32 = tpu.memref_slice %arg4[%add3A_10, %dma_wait3A_31] : memref<4096x1024xf32, #tpu.memory_space<hbm>> -> memref<32x1024xf32, #tpu.memory_space<hbm>>
    tpu.wait_dma2 semaphore(%arg11 : memref<!tpu.dma_semaphore, #tpu.memory_space<semaphore_mem>>) src(%arg5 : memref<32x1024xf32, #tpu.memory_space<vmem>>) dst(%dma_wait3A_32 : memref<32x1024xf32, #tpu.memory_space<hbm>>)
    %add3A_33 = arith.constant 64 : i32
    %add3A_34 = arith.addi %mul3A_2, %add3A_33 : i32
    "tpu.region"() ({
      %run_scoped3A = tpu.sem_alloc : memref<!tpu.dma_semaphore, #tpu.memory_space<semaphore_mem>>
      %dma_start3A_73 = tpu.memref_slice %arg3[%add3A_34] : memref<4096xi32, #tpu.memory_space<hbm>> -> memref<32xi32, #tpu.memory_space<hbm>>
      %dma_start3A_74 = tpu.memref_slice %arg3[%add3A_34] : memref<4096xi32, #tpu.memory_space<hbm>> -> memref<32xi32, #tpu.memory_space<hbm>>
      tpu.enqueue_dma source(%dma_start3A_74 : memref<32xi32, #tpu.memory_space<hbm>>) target(%arg7 : memref<32xi32, #tpu.memory_space<vmem>>) target_semaphore(%run_scoped3A : memref<!tpu.dma_semaphore, #tpu.memory_space<semaphore_mem>>)
      %dma_wait3A_75 = tpu.memref_slice %arg3[%add3A_34] : memref<4096xi32, #tpu.memory_space<hbm>> -> memref<32xi32, #tpu.memory_space<hbm>>
      %dma_wait3A_76 = tpu.memref_slice %arg3[%add3A_34] : memref<4096xi32, #tpu.memory_space<hbm>> -> memref<32xi32, #tpu.memory_space<hbm>>
      tpu.wait_dma2 semaphore(%run_scoped3A : memref<!tpu.dma_semaphore, #tpu.memory_space<semaphore_mem>>) src(%dma_wait3A_76 : memref<32xi32, #tpu.memory_space<hbm>>) dst(%arg7 : memref<32xi32, #tpu.memory_space<vmem>>)
      tpu.yield
    }) : () -> ()
    %dma_start3A_35 = arith.constant 0 : i32
    %dma_start3A_36 = arith.constant 0 : i32
    %dma_start3A_37 = tpu.memref_slice %arg2[%dma_start3A_35, %dma_start3A_36] : memref<6400x1024xf32, #tpu.memory_space<hbm>> -> memref<6400x1024xf32, #tpu.memory_space<hbm>>
    tpu.enqueue_indirect_dma source(%dma_start3A_37 : memref<6400x1024xf32, #tpu.memory_space<hbm>>) target(%arg5 : memref<32x1024xf32, #tpu.memory_space<vmem>>) offsets(%arg7 : memref<32xi32, #tpu.memory_space<vmem>>) semaphore(%arg9 : memref<!tpu.dma_semaphore, #tpu.memory_space<semaphore_mem>>)
    %dma_wait3A_38 = arith.constant 0 : i32
    %dma_wait3A_39 = arith.constant 0 : i32
    %dma_wait3A_40 = tpu.memref_slice %arg2[%dma_wait3A_38, %dma_wait3A_39] : memref<6400x1024xf32, #tpu.memory_space<hbm>> -> memref<6400x1024xf32, #tpu.memory_space<hbm>>
    tpu.wait_indirect_dma semaphore(%arg9 : memref<!tpu.dma_semaphore, #tpu.memory_space<semaphore_mem>>) src(%dma_wait3A_40 : memref<6400x1024xf32, #tpu.memory_space<hbm>>) dst(%arg5 : memref<32x1024xf32, #tpu.memory_space<vmem>>)
    %add3A_41 = arith.constant 64 : i32
    %add3A_42 = arith.addi %mul3A_2, %add3A_41 : i32
    %dma_start3A_43 = arith.constant 0 : i32
    %dma_start3A_44 = tpu.memref_slice %arg4[%add3A_42, %dma_start3A_43] : memref<4096x1024xf32, #tpu.memory_space<hbm>> -> memref<32x1024xf32, #tpu.memory_space<hbm>>
    %dma_start3A_45 = arith.constant 0 : i32
    %dma_start3A_46 = tpu.memref_slice %arg4[%add3A_42, %dma_start3A_45] : memref<4096x1024xf32, #tpu.memory_space<hbm>> -> memref<32x1024xf32, #tpu.memory_space<hbm>>
    tpu.enqueue_dma source(%arg5 : memref<32x1024xf32, #tpu.memory_space<vmem>>) target(%dma_start3A_46 : memref<32x1024xf32, #tpu.memory_space<hbm>>) target_semaphore(%arg11 : memref<!tpu.dma_semaphore, #tpu.memory_space<semaphore_mem>>)
    %dma_wait3A_47 = arith.constant 0 : i32
    %dma_wait3A_48 = tpu.memref_slice %arg4[%add3A_24, %dma_wait3A_47] : memref<4096x1024xf32, #tpu.memory_space<hbm>> -> memref<32x1024xf32, #tpu.memory_space<hbm>>
    %dma_wait3A_49 = arith.constant 0 : i32
    %dma_wait3A_50 = tpu.memref_slice %arg4[%add3A_24, %dma_wait3A_49] : memref<4096x1024xf32, #tpu.memory_space<hbm>> -> memref<32x1024xf32, #tpu.memory_space<hbm>>
    tpu.wait_dma2 semaphore(%arg12 : memref<!tpu.dma_semaphore, #tpu.memory_space<semaphore_mem>>) src(%arg6 : memref<32x1024xf32, #tpu.memory_space<vmem>>) dst(%dma_wait3A_50 : memref<32x1024xf32, #tpu.memory_space<hbm>>)
    %add3A_51 = arith.constant 96 : i32
    %add3A_52 = arith.addi %mul3A_2, %add3A_51 : i32
    "tpu.region"() ({
      %run_scoped3A = tpu.sem_alloc : memref<!tpu.dma_semaphore, #tpu.memory_space<semaphore_mem>>
      %dma_start3A_73 = tpu.memref_slice %arg3[%add3A_52] : memref<4096xi32, #tpu.memory_space<hbm>> -> memref<32xi32, #tpu.memory_space<hbm>>
      %dma_start3A_74 = tpu.memref_slice %arg3[%add3A_52] : memref<4096xi32, #tpu.memory_space<hbm>> -> memref<32xi32, #tpu.memory_space<hbm>>
      tpu.enqueue_dma source(%dma_start3A_74 : memref<32xi32, #tpu.memory_space<hbm>>) target(%arg8 : memref<32xi32, #tpu.memory_space<vmem>>) target_semaphore(%run_scoped3A : memref<!tpu.dma_semaphore, #tpu.memory_space<semaphore_mem>>)
      %dma_wait3A_75 = tpu.memref_slice %arg3[%add3A_52] : memref<4096xi32, #tpu.memory_space<hbm>> -> memref<32xi32, #tpu.memory_space<hbm>>
      %dma_wait3A_76 = tpu.memref_slice %arg3[%add3A_52] : memref<4096xi32, #tpu.memory_space<hbm>> -> memref<32xi32, #tpu.memory_space<hbm>>
      tpu.wait_dma2 semaphore(%run_scoped3A : memref<!tpu.dma_semaphore, #tpu.memory_space<semaphore_mem>>) src(%dma_wait3A_76 : memref<32xi32, #tpu.memory_space<hbm>>) dst(%arg8 : memref<32xi32, #tpu.memory_space<vmem>>)
      tpu.yield
    }) : () -> ()
    %dma_start3A_53 = arith.constant 0 : i32
    %dma_start3A_54 = arith.constant 0 : i32
    %dma_start3A_55 = tpu.memref_slice %arg2[%dma_start3A_53, %dma_start3A_54] : memref<6400x1024xf32, #tpu.memory_space<hbm>> -> memref<6400x1024xf32, #tpu.memory_space<hbm>>
    tpu.enqueue_indirect_dma source(%dma_start3A_55 : memref<6400x1024xf32, #tpu.memory_space<hbm>>) target(%arg6 : memref<32x1024xf32, #tpu.memory_space<vmem>>) offsets(%arg8 : memref<32xi32, #tpu.memory_space<vmem>>) semaphore(%arg10 : memref<!tpu.dma_semaphore, #tpu.memory_space<semaphore_mem>>)
    %dma_wait3A_56 = arith.constant 0 : i32
    %dma_wait3A_57 = arith.constant 0 : i32
    %dma_wait3A_58 = tpu.memref_slice %arg2[%dma_wait3A_56, %dma_wait3A_57] : memref<6400x1024xf32, #tpu.memory_space<hbm>> -> memref<6400x1024xf32, #tpu.memory_space<hbm>>
    tpu.wait_indirect_dma semaphore(%arg10 : memref<!tpu.dma_semaphore, #tpu.memory_space<semaphore_mem>>) src(%dma_wait3A_58 : memref<6400x1024xf32, #tpu.memory_space<hbm>>) dst(%arg6 : memref<32x1024xf32, #tpu.memory_space<vmem>>)
    %add3A_59 = arith.constant 96 : i32
    %add3A_60 = arith.addi %mul3A_2, %add3A_59 : i32
    %dma_start3A_61 = arith.constant 0 : i32
    %dma_start3A_62 = tpu.memref_slice %arg4[%add3A_60, %dma_start3A_61] : memref<4096x1024xf32, #tpu.memory_space<hbm>> -> memref<32x1024xf32, #tpu.memory_space<hbm>>
    %dma_start3A_63 = arith.constant 0 : i32
    %dma_start3A_64 = tpu.memref_slice %arg4[%add3A_60, %dma_start3A_63] : memref<4096x1024xf32, #tpu.memory_space<hbm>> -> memref<32x1024xf32, #tpu.memory_space<hbm>>
    tpu.enqueue_dma source(%arg6 : memref<32x1024xf32, #tpu.memory_space<vmem>>) target(%dma_start3A_64 : memref<32x1024xf32, #tpu.memory_space<hbm>>) target_semaphore(%arg12 : memref<!tpu.dma_semaphore, #tpu.memory_space<semaphore_mem>>)
    %dma_wait3A_65 = arith.constant 0 : i32
    %dma_wait3A_66 = tpu.memref_slice %arg4[%add3A_42, %dma_wait3A_65] : memref<4096x1024xf32, #tpu.memory_space<hbm>> -> memref<32x1024xf32, #tpu.memory_space<hbm>>
    %dma_wait3A_67 = arith.constant 0 : i32
    %dma_wait3A_68 = tpu.memref_slice %arg4[%add3A_42, %dma_wait3A_67] : memref<4096x1024xf32, #tpu.memory_space<hbm>> -> memref<32x1024xf32, #tpu.memory_space<hbm>>
    tpu.wait_dma2 semaphore(%arg11 : memref<!tpu.dma_semaphore, #tpu.memory_space<semaphore_mem>>) src(%arg5 : memref<32x1024xf32, #tpu.memory_space<vmem>>) dst(%dma_wait3A_68 : memref<32x1024xf32, #tpu.memory_space<hbm>>)
    %dma_wait3A_69 = arith.constant 0 : i32
    %dma_wait3A_70 = tpu.memref_slice %arg4[%add3A_60, %dma_wait3A_69] : memref<4096x1024xf32, #tpu.memory_space<hbm>> -> memref<32x1024xf32, #tpu.memory_space<hbm>>
    %dma_wait3A_71 = arith.constant 0 : i32
    %dma_wait3A_72 = tpu.memref_slice %arg4[%add3A_60, %dma_wait3A_71] : memref<4096x1024xf32, #tpu.memory_space<hbm>> -> memref<32x1024xf32, #tpu.memory_space<hbm>>
    tpu.wait_dma2 semaphore(%arg12 : memref<!tpu.dma_semaphore, #tpu.memory_space<semaphore_mem>>) src(%arg6 : memref<32x1024xf32, #tpu.memory_space<vmem>>) dst(%dma_wait3A_72 : memref<32x1024xf32, #tpu.memory_space<hbm>>)
    return
  }
}

#map = affine_map<(d0, d1) -> (0, 0)>
#map1 = affine_map<(d0, d1) -> (0)>
module attributes {stable_mosaic.version = 14 : i64} {
  func.func @_sc_gather_kernel(%arg0: i32, %arg1: i32, %arg2: memref<6400x1024xf32, #tpu.memory_space<hbm>>, %arg3: memref<4096xi32, #tpu.memory_space<hbm>>, %arg4: memref<4096x1024xf32, #tpu.memory_space<hbm>>, %arg5: memref<32x1024xf32, #tpu.memory_space<vmem>>, %arg6: memref<32x1024xf32, #tpu.memory_space<vmem>>, %arg7: memref<32xi32, #tpu.memory_space<vmem>>, %arg8: memref<32xi32, #tpu.memory_space<vmem>>, %arg9: memref<!tpu.dma_semaphore, #tpu.memory_space<semaphore_mem>>, %arg10: memref<!tpu.dma_semaphore, #tpu.memory_space<semaphore_mem>>, %arg11: memref<!tpu.dma_semaphore, #tpu.memory_space<semaphore_mem>>, %arg12: memref<!tpu.dma_semaphore, #tpu.memory_space<semaphore_mem>>) attributes {dimension_semantics = [#tpu.dimension_semantics<core_parallel>, #tpu.dimension_semantics<subcore_parallel>], iteration_bounds = array<i64: 2, 16>, scalar_prefetch = 0 : i64, scratch_operands = 8 : i64, tpu.core_type = #tpu.core_type<sc_vector_subcore>, window_params = [{transform_indices = #map}, {transform_indices = #map1}, {transform_indices = #map}]} {
    %mul3A = arith.constant 2 : i32
    %mul3A_0 = arith.muli %arg1, %mul3A : i32
    %add3A = arith.addi %mul3A_0, %arg0 : i32
    %mul3A_1 = arith.constant 128 : i32
    %mul3A_2 = arith.muli %add3A, %mul3A_1 : i32
    %add3A_3 = arith.constant 0 : i32
    %add3A_4 = arith.addi %mul3A_2, %add3A_3 : i32
    "tpu.region"() ({
      %run_scoped3A = tpu.sem_alloc : memref<!tpu.dma_semaphore, #tpu.memory_space<semaphore_mem>>
      %dma_start3A_73 = tpu.memref_slice %arg3[%add3A_4] : memref<4096xi32, #tpu.memory_space<hbm>> -> memref<32xi32, #tpu.memory_space<hbm>>
      %dma_start3A_74 = tpu.memref_slice %arg3[%add3A_4] : memref<4096xi32, #tpu.memory_space<hbm>> -> memref<32xi32, #tpu.memory_space<hbm>>
      tpu.enqueue_dma source(%dma_start3A_74 : memref<32xi32, #tpu.memory_space<hbm>>) target(%arg7 : memref<32xi32, #tpu.memory_space<vmem>>) target_semaphore(%run_scoped3A : memref<!tpu.dma_semaphore, #tpu.memory_space<semaphore_mem>>)
      %dma_wait3A_75 = tpu.memref_slice %arg3[%add3A_4] : memref<4096xi32, #tpu.memory_space<hbm>> -> memref<32xi32, #tpu.memory_space<hbm>>
      %dma_wait3A_76 = tpu.memref_slice %arg3[%add3A_4] : memref<4096xi32, #tpu.memory_space<hbm>> -> memref<32xi32, #tpu.memory_space<hbm>>
      tpu.wait_dma2 semaphore(%run_scoped3A : memref<!tpu.dma_semaphore, #tpu.memory_space<semaphore_mem>>) src(%dma_wait3A_76 : memref<32xi32, #tpu.memory_space<hbm>>) dst(%arg7 : memref<32xi32, #tpu.memory_space<vmem>>)
      tpu.yield
    }) : () -> ()
    %dma_start3A = arith.constant 0 : i32
    %dma_start3A_5 = arith.constant 0 : i32
    %dma_start3A_6 = tpu.memref_slice %arg2[%dma_start3A, %dma_start3A_5] : memref<6400x1024xf32, #tpu.memory_space<hbm>> -> memref<6400x1024xf32, #tpu.memory_space<hbm>>
    tpu.enqueue_indirect_dma source(%dma_start3A_6 : memref<6400x1024xf32, #tpu.memory_space<hbm>>) target(%arg5 : memref<32x1024xf32, #tpu.memory_space<vmem>>) offsets(%arg7 : memref<32xi32, #tpu.memory_space<vmem>>) semaphore(%arg9 : memref<!tpu.dma_semaphore, #tpu.memory_space<semaphore_mem>>)
    %dma_wait3A = arith.constant 0 : i32
    %dma_wait3A_7 = arith.constant 0 : i32
    %dma_wait3A_8 = tpu.memref_slice %arg2[%dma_wait3A, %dma_wait3A_7] : memref<6400x1024xf32, #tpu.memory_space<hbm>> -> memref<6400x1024xf32, #tpu.memory_space<hbm>>
    tpu.wait_indirect_dma semaphore(%arg9 : memref<!tpu.dma_semaphore, #tpu.memory_space<semaphore_mem>>) src(%dma_wait3A_8 : memref<6400x1024xf32, #tpu.memory_space<hbm>>) dst(%arg5 : memref<32x1024xf32, #tpu.memory_space<vmem>>)
    %add3A_9 = arith.constant 0 : i32
    %add3A_10 = arith.addi %mul3A_2, %add3A_9 : i32
    %dma_start3A_11 = arith.constant 0 : i32
    %dma_start3A_12 = tpu.memref_slice %arg4[%add3A_10, %dma_start3A_11] : memref<4096x1024xf32, #tpu.memory_space<hbm>> -> memref<32x1024xf32, #tpu.memory_space<hbm>>
    %dma_start3A_13 = arith.constant 0 : i32
    %dma_start3A_14 = tpu.memref_slice %arg4[%add3A_10, %dma_start3A_13] : memref<4096x1024xf32, #tpu.memory_space<hbm>> -> memref<32x1024xf32, #tpu.memory_space<hbm>>
    tpu.enqueue_dma source(%arg5 : memref<32x1024xf32, #tpu.memory_space<vmem>>) target(%dma_start3A_14 : memref<32x1024xf32, #tpu.memory_space<hbm>>) target_semaphore(%arg11 : memref<!tpu.dma_semaphore, #tpu.memory_space<semaphore_mem>>)
    %add3A_15 = arith.constant 32 : i32
    %add3A_16 = arith.addi %mul3A_2, %add3A_15 : i32
    "tpu.region"() ({
      %run_scoped3A = tpu.sem_alloc : memref<!tpu.dma_semaphore, #tpu.memory_space<semaphore_mem>>
      %dma_start3A_73 = tpu.memref_slice %arg3[%add3A_16] : memref<4096xi32, #tpu.memory_space<hbm>> -> memref<32xi32, #tpu.memory_space<hbm>>
      %dma_start3A_74 = tpu.memref_slice %arg3[%add3A_16] : memref<4096xi32, #tpu.memory_space<hbm>> -> memref<32xi32, #tpu.memory_space<hbm>>
      tpu.enqueue_dma source(%dma_start3A_74 : memref<32xi32, #tpu.memory_space<hbm>>) target(%arg8 : memref<32xi32, #tpu.memory_space<vmem>>) target_semaphore(%run_scoped3A : memref<!tpu.dma_semaphore, #tpu.memory_space<semaphore_mem>>)
      %dma_wait3A_75 = tpu.memref_slice %arg3[%add3A_16] : memref<4096xi32, #tpu.memory_space<hbm>> -> memref<32xi32, #tpu.memory_space<hbm>>
      %dma_wait3A_76 = tpu.memref_slice %arg3[%add3A_16] : memref<4096xi32, #tpu.memory_space<hbm>> -> memref<32xi32, #tpu.memory_space<hbm>>
      tpu.wait_dma2 semaphore(%run_scoped3A : memref<!tpu.dma_semaphore, #tpu.memory_space<semaphore_mem>>) src(%dma_wait3A_76 : memref<32xi32, #tpu.memory_space<hbm>>) dst(%arg8 : memref<32xi32, #tpu.memory_space<vmem>>)
      tpu.yield
    }) : () -> ()
    %dma_start3A_17 = arith.constant 0 : i32
    %dma_start3A_18 = arith.constant 0 : i32
    %dma_start3A_19 = tpu.memref_slice %arg2[%dma_start3A_17, %dma_start3A_18] : memref<6400x1024xf32, #tpu.memory_space<hbm>> -> memref<6400x1024xf32, #tpu.memory_space<hbm>>
    tpu.enqueue_indirect_dma source(%dma_start3A_19 : memref<6400x1024xf32, #tpu.memory_space<hbm>>) target(%arg6 : memref<32x1024xf32, #tpu.memory_space<vmem>>) offsets(%arg8 : memref<32xi32, #tpu.memory_space<vmem>>) semaphore(%arg10 : memref<!tpu.dma_semaphore, #tpu.memory_space<semaphore_mem>>)
    %dma_wait3A_20 = arith.constant 0 : i32
    %dma_wait3A_21 = arith.constant 0 : i32
    %dma_wait3A_22 = tpu.memref_slice %arg2[%dma_wait3A_20, %dma_wait3A_21] : memref<6400x1024xf32, #tpu.memory_space<hbm>> -> memref<6400x1024xf32, #tpu.memory_space<hbm>>
    tpu.wait_indirect_dma semaphore(%arg10 : memref<!tpu.dma_semaphore, #tpu.memory_space<semaphore_mem>>) src(%dma_wait3A_22 : memref<6400x1024xf32, #tpu.memory_space<hbm>>) dst(%arg6 : memref<32x1024xf32, #tpu.memory_space<vmem>>)
    %add3A_23 = arith.constant 32 : i32
    %add3A_24 = arith.addi %mul3A_2, %add3A_23 : i32
    %dma_start3A_25 = arith.constant 0 : i32
    %dma_start3A_26 = tpu.memref_slice %arg4[%add3A_24, %dma_start3A_25] : memref<4096x1024xf32, #tpu.memory_space<hbm>> -> memref<32x1024xf32, #tpu.memory_space<hbm>>
    %dma_start3A_27 = arith.constant 0 : i32
    %dma_start3A_28 = tpu.memref_slice %arg4[%add3A_24, %dma_start3A_27] : memref<4096x1024xf32, #tpu.memory_space<hbm>> -> memref<32x1024xf32, #tpu.memory_space<hbm>>
    tpu.enqueue_dma source(%arg6 : memref<32x1024xf32, #tpu.memory_space<vmem>>) target(%dma_start3A_28 : memref<32x1024xf32, #tpu.memory_space<hbm>>) target_semaphore(%arg12 : memref<!tpu.dma_semaphore, #tpu.memory_space<semaphore_mem>>)
    %dma_wait3A_29 = arith.constant 0 : i32
    %dma_wait3A_30 = tpu.memref_slice %arg4[%add3A_10, %dma_wait3A_29] : memref<4096x1024xf32, #tpu.memory_space<hbm>> -> memref<32x1024xf32, #tpu.memory_space<hbm>>
    %dma_wait3A_31 = arith.constant 0 : i32
    %dma_wait3A_32 = tpu.memref_slice %arg4[%add3A_10, %dma_wait3A_31] : memref<4096x1024xf32, #tpu.memory_space<hbm>> -> memref<32x1024xf32, #tpu.memory_space<hbm>>
    tpu.wait_dma2 semaphore(%arg11 : memref<!tpu.dma_semaphore, #tpu.memory_space<semaphore_mem>>) src(%arg5 : memref<32x1024xf32, #tpu.memory_space<vmem>>) dst(%dma_wait3A_32 : memref<32x1024xf32, #tpu.memory_space<hbm>>)
    %add3A_33 = arith.constant 64 : i32
    %add3A_34 = arith.addi %mul3A_2, %add3A_33 : i32
    "tpu.region"() ({
      %run_scoped3A = tpu.sem_alloc : memref<!tpu.dma_semaphore, #tpu.memory_space<semaphore_mem>>
      %dma_start3A_73 = tpu.memref_slice %arg3[%add3A_34] : memref<4096xi32, #tpu.memory_space<hbm>> -> memref<32xi32, #tpu.memory_space<hbm>>
      %dma_start3A_74 = tpu.memref_slice %arg3[%add3A_34] : memref<4096xi32, #tpu.memory_space<hbm>> -> memref<32xi32, #tpu.memory_space<hbm>>
      tpu.enqueue_dma source(%dma_start3A_74 : memref<32xi32, #tpu.memory_space<hbm>>) target(%arg7 : memref<32xi32, #tpu.memory_space<vmem>>) target_semaphore(%run_scoped3A : memref<!tpu.dma_semaphore, #tpu.memory_space<semaphore_mem>>)
      %dma_wait3A_75 = tpu.memref_slice %arg3[%add3A_34] : memref<4096xi32, #tpu.memory_space<hbm>> -> memref<32xi32, #tpu.memory_space<hbm>>
      %dma_wait3A_76 = tpu.memref_slice %arg3[%add3A_34] : memref<4096xi32, #tpu.memory_space<hbm>> -> memref<32xi32, #tpu.memory_space<hbm>>
      tpu.wait_dma2 semaphore(%run_scoped3A : memref<!tpu.dma_semaphore, #tpu.memory_space<semaphore_mem>>) src(%dma_wait3A_76 : memref<32xi32, #tpu.memory_space<hbm>>) dst(%arg7 : memref<32xi32, #tpu.memory_space<vmem>>)
      tpu.yield
    }) : () -> ()
    %dma_start3A_35 = arith.constant 0 : i32
    %dma_start3A_36 = arith.constant 0 : i32
    %dma_start3A_37 = tpu.memref_slice %arg2[%dma_start3A_35, %dma_start3A_36] : memref<6400x1024xf32, #tpu.memory_space<hbm>> -> memref<6400x1024xf32, #tpu.memory_space<hbm>>
    tpu.enqueue_indirect_dma source(%dma_start3A_37 : memref<6400x1024xf32, #tpu.memory_space<hbm>>) target(%arg5 : memref<32x1024xf32, #tpu.memory_space<vmem>>) offsets(%arg7 : memref<32xi32, #tpu.memory_space<vmem>>) semaphore(%arg9 : memref<!tpu.dma_semaphore, #tpu.memory_space<semaphore_mem>>)
    %dma_wait3A_38 = arith.constant 0 : i32
    %dma_wait3A_39 = arith.constant 0 : i32
    %dma_wait3A_40 = tpu.memref_slice %arg2[%dma_wait3A_38, %dma_wait3A_39] : memref<6400x1024xf32, #tpu.memory_space<hbm>> -> memref<6400x1024xf32, #tpu.memory_space<hbm>>
    tpu.wait_indirect_dma semaphore(%arg9 : memref<!tpu.dma_semaphore, #tpu.memory_space<semaphore_mem>>) src(%dma_wait3A_40 : memref<6400x1024xf32, #tpu.memory_space<hbm>>) dst(%arg5 : memref<32x1024xf32, #tpu.memory_space<vmem>>)
    %add3A_41 = arith.constant 64 : i32
    %add3A_42 = arith.addi %mul3A_2, %add3A_41 : i32
    %dma_start3A_43 = arith.constant 0 : i32
    %dma_start3A_44 = tpu.memref_slice %arg4[%add3A_42, %dma_start3A_43] : memref<4096x1024xf32, #tpu.memory_space<hbm>> -> memref<32x1024xf32, #tpu.memory_space<hbm>>
    %dma_start3A_45 = arith.constant 0 : i32
    %dma_start3A_46 = tpu.memref_slice %arg4[%add3A_42, %dma_start3A_45] : memref<4096x1024xf32, #tpu.memory_space<hbm>> -> memref<32x1024xf32, #tpu.memory_space<hbm>>
    tpu.enqueue_dma source(%arg5 : memref<32x1024xf32, #tpu.memory_space<vmem>>) target(%dma_start3A_46 : memref<32x1024xf32, #tpu.memory_space<hbm>>) target_semaphore(%arg11 : memref<!tpu.dma_semaphore, #tpu.memory_space<semaphore_mem>>)
    %dma_wait3A_47 = arith.constant 0 : i32
    %dma_wait3A_48 = tpu.memref_slice %arg4[%add3A_24, %dma_wait3A_47] : memref<4096x1024xf32, #tpu.memory_space<hbm>> -> memref<32x1024xf32, #tpu.memory_space<hbm>>
    %dma_wait3A_49 = arith.constant 0 : i32
    %dma_wait3A_50 = tpu.memref_slice %arg4[%add3A_24, %dma_wait3A_49] : memref<4096x1024xf32, #tpu.memory_space<hbm>> -> memref<32x1024xf32, #tpu.memory_space<hbm>>
    tpu.wait_dma2 semaphore(%arg12 : memref<!tpu.dma_semaphore, #tpu.memory_space<semaphore_mem>>) src(%arg6 : memref<32x1024xf32, #tpu.memory_space<vmem>>) dst(%dma_wait3A_50 : memref<32x1024xf32, #tpu.memory_space<hbm>>)
    %add3A_51 = arith.constant 96 : i32
    %add3A_52 = arith.addi %mul3A_2, %add3A_51 : i32
    "tpu.region"() ({
      %run_scoped3A = tpu.sem_alloc : memref<!tpu.dma_semaphore, #tpu.memory_space<semaphore_mem>>
      %dma_start3A_73 = tpu.memref_slice %arg3[%add3A_52] : memref<4096xi32, #tpu.memory_space<hbm>> -> memref<32xi32, #tpu.memory_space<hbm>>
      %dma_start3A_74 = tpu.memref_slice %arg3[%add3A_52] : memref<4096xi32, #tpu.memory_space<hbm>> -> memref<32xi32, #tpu.memory_space<hbm>>
      tpu.enqueue_dma source(%dma_start3A_74 : memref<32xi32, #tpu.memory_space<hbm>>) target(%arg8 : memref<32xi32, #tpu.memory_space<vmem>>) target_semaphore(%run_scoped3A : memref<!tpu.dma_semaphore, #tpu.memory_space<semaphore_mem>>)
      %dma_wait3A_75 = tpu.memref_slice %arg3[%add3A_52] : memref<4096xi32, #tpu.memory_space<hbm>> -> memref<32xi32, #tpu.memory_space<hbm>>
      %dma_wait3A_76 = tpu.memref_slice %arg3[%add3A_52] : memref<4096xi32, #tpu.memory_space<hbm>> -> memref<32xi32, #tpu.memory_space<hbm>>
      tpu.wait_dma2 semaphore(%run_scoped3A : memref<!tpu.dma_semaphore, #tpu.memory_space<semaphore_mem>>) src(%dma_wait3A_76 : memref<32xi32, #tpu.memory_space<hbm>>) dst(%arg8 : memref<32xi32, #tpu.memory_space<vmem>>)
      tpu.yield
    }) : () -> ()
    %dma_start3A_53 = arith.constant 0 : i32
    %dma_start3A_54 = arith.constant 0 : i32
    %dma_start3A_55 = tpu.memref_slice %arg2[%dma_start3A_53, %dma_start3A_54] : memref<6400x1024xf32, #tpu.memory_space<hbm>> -> memref<6400x1024xf32, #tpu.memory_space<hbm>>
    tpu.enqueue_indirect_dma source(%dma_start3A_55 : memref<6400x1024xf32, #tpu.memory_space<hbm>>) target(%arg6 : memref<32x1024xf32, #tpu.memory_space<vmem>>) offsets(%arg8 : memref<32xi32, #tpu.memory_space<vmem>>) semaphore(%arg10 : memref<!tpu.dma_semaphore, #tpu.memory_space<semaphore_mem>>)
    %dma_wait3A_56 = arith.constant 0 : i32
    %dma_wait3A_57 = arith.constant 0 : i32
    %dma_wait3A_58 = tpu.memref_slice %arg2[%dma_wait3A_56, %dma_wait3A_57] : memref<6400x1024xf32, #tpu.memory_space<hbm>> -> memref<6400x1024xf32, #tpu.memory_space<hbm>>
    tpu.wait_indirect_dma semaphore(%arg10 : memref<!tpu.dma_semaphore, #tpu.memory_space<semaphore_mem>>) src(%dma_wait3A_58 : memref<6400x1024xf32, #tpu.memory_space<hbm>>) dst(%arg6 : memref<32x1024xf32, #tpu.memory_space<vmem>>)
    %add3A_59 = arith.constant 96 : i32
    %add3A_60 = arith.addi %mul3A_2, %add3A_59 : i32
    %dma_start3A_61 = arith.constant 0 : i32
    %dma_start3A_62 = tpu.memref_slice %arg4[%add3A_60, %dma_start3A_61] : memref<4096x1024xf32, #tpu.memory_space<hbm>> -> memref<32x1024xf32, #tpu.memory_space<hbm>>
    %dma_start3A_63 = arith.constant 0 : i32
    %dma_start3A_64 = tpu.memref_slice %arg4[%add3A_60, %dma_start3A_63] : memref<4096x1024xf32, #tpu.memory_space<hbm>> -> memref<32x1024xf32, #tpu.memory_space<hbm>>
    tpu.enqueue_dma source(%arg6 : memref<32x1024xf32, #tpu.memory_space<vmem>>) target(%dma_start3A_64 : memref<32x1024xf32, #tpu.memory_space<hbm>>) target_semaphore(%arg12 : memref<!tpu.dma_semaphore, #tpu.memory_space<semaphore_mem>>)
    %dma_wait3A_65 = arith.constant 0 : i32
    %dma_wait3A_66 = tpu.memref_slice %arg4[%add3A_42, %dma_wait3A_65] : memref<4096x1024xf32, #tpu.memory_space<hbm>> -> memref<32x1024xf32, #tpu.memory_space<hbm>>
    %dma_wait3A_67 = arith.constant 0 : i32
    %dma_wait3A_68 = tpu.memref_slice %arg4[%add3A_42, %dma_wait3A_67] : memref<4096x1024xf32, #tpu.memory_space<hbm>> -> memref<32x1024xf32, #tpu.memory_space<hbm>>
    tpu.wait_dma2 semaphore(%arg11 : memref<!tpu.dma_semaphore, #tpu.memory_space<semaphore_mem>>) src(%arg5 : memref<32x1024xf32, #tpu.memory_space<vmem>>) dst(%dma_wait3A_68 : memref<32x1024xf32, #tpu.memory_space<hbm>>)
    %dma_wait3A_69 = arith.constant 0 : i32
    %dma_wait3A_70 = tpu.memref_slice %arg4[%add3A_60, %dma_wait3A_69] : memref<4096x1024xf32, #tpu.memory_space<hbm>> -> memref<32x1024xf32, #tpu.memory_space<hbm>>
    %dma_wait3A_71 = arith.constant 0 : i32
    %dma_wait3A_72 = tpu.memref_slice %arg4[%add3A_60, %dma_wait3A_71] : memref<4096x1024xf32, #tpu.memory_space<hbm>> -> memref<32x1024xf32, #tpu.memory_space<hbm>>
    tpu.wait_dma2 semaphore(%arg12 : memref<!tpu.dma_semaphore, #tpu.memory_space<semaphore_mem>>) src(%arg6 : memref<32x1024xf32, #tpu.memory_space<vmem>>) dst(%dma_wait3A_72 : memref<32x1024xf32, #tpu.memory_space<hbm>>)
    return
  }
}

#map = affine_map<(d0, d1) -> (0, 0)>
#map1 = affine_map<(d0, d1) -> (0)>
module attributes {stable_mosaic.version = 14 : i64} {
  func.func @_sc_scatter_kernel(%arg0: i32, %arg1: i32, %arg2: memref<2048x1024xf32, #tpu.memory_space<hbm>>, %arg3: memref<4096xi32, #tpu.memory_space<hbm>>, %arg4: memref<6144x1024xf32, #tpu.memory_space<hbm>>, %arg5: memref<32x1024xf32, #tpu.memory_space<vmem>>, %arg6: memref<32x1024xf32, #tpu.memory_space<vmem>>, %arg7: memref<32xi32, #tpu.memory_space<vmem>>, %arg8: memref<32xi32, #tpu.memory_space<vmem>>, %arg9: memref<!tpu.dma_semaphore, #tpu.memory_space<semaphore_mem>>, %arg10: memref<!tpu.dma_semaphore, #tpu.memory_space<semaphore_mem>>, %arg11: memref<!tpu.dma_semaphore, #tpu.memory_space<semaphore_mem>>, %arg12: memref<!tpu.dma_semaphore, #tpu.memory_space<semaphore_mem>>) attributes {dimension_semantics = [#tpu.dimension_semantics<core_parallel>, #tpu.dimension_semantics<subcore_parallel>], iteration_bounds = array<i64: 2, 16>, scalar_prefetch = 0 : i64, scratch_operands = 8 : i64, tpu.core_type = #tpu.core_type<sc_vector_subcore>, window_params = [{transform_indices = #map}, {transform_indices = #map1}, {transform_indices = #map}]} {
    %mul3A = arith.constant 2 : i32
    %mul3A_0 = arith.muli %arg1, %mul3A : i32
    %add3A = arith.addi %mul3A_0, %arg0 : i32
    %mul3A_1 = arith.constant 128 : i32
    %mul3A_2 = arith.muli %add3A, %mul3A_1 : i32
    %jit3A = arith.constant 2048 : i32
    %eq3A = arith.constant 0 : i32
    %eq3A_3 = arith.cmpi eq, %jit3A, %eq3A : i32
    %jit3A_4 = arith.constant 1 : i32
    %select_n3A = arith.select %eq3A_3, %jit3A_4, %jit3A : i32
    %rem3A = arith.remsi %mul3A_2, %select_n3A : i32
    %ne3A = arith.constant 0 : i32
    %ne3A_5 = arith.cmpi ne, %rem3A, %ne3A : i32
    %lt3A = arith.constant 0 : i32
    %lt3A_6 = arith.cmpi slt, %rem3A, %lt3A : i32
    %lt3A_7 = arith.constant 0 : i32
    %lt3A_8 = arith.cmpi slt, %select_n3A, %lt3A_7 : i32
    %ne3A_9 = arith.xori %lt3A_6, %lt3A_8 : i1
    %and3A = arith.andi %ne3A_9, %ne3A_5 : i1
    %add3A_10 = arith.addi %rem3A, %select_n3A : i32
    %select_n3A_11 = arith.select %and3A, %add3A_10, %rem3A : i32
    %add3A_12 = arith.constant 0 : i32
    %add3A_13 = arith.addi %mul3A_2, %add3A_12 : i32
    "tpu.region"() ({
      %run_scoped3A = tpu.sem_alloc : memref<!tpu.dma_semaphore, #tpu.memory_space<semaphore_mem>>
      %dma_start3A_82 = tpu.memref_slice %arg3[%add3A_13] : memref<4096xi32, #tpu.memory_space<hbm>> -> memref<32xi32, #tpu.memory_space<hbm>>
      %dma_start3A_83 = tpu.memref_slice %arg3[%add3A_13] : memref<4096xi32, #tpu.memory_space<hbm>> -> memref<32xi32, #tpu.memory_space<hbm>>
      tpu.enqueue_dma source(%dma_start3A_83 : memref<32xi32, #tpu.memory_space<hbm>>) target(%arg7 : memref<32xi32, #tpu.memory_space<vmem>>) target_semaphore(%run_scoped3A : memref<!tpu.dma_semaphore, #tpu.memory_space<semaphore_mem>>)
      %dma_wait3A_84 = tpu.memref_slice %arg3[%add3A_13] : memref<4096xi32, #tpu.memory_space<hbm>> -> memref<32xi32, #tpu.memory_space<hbm>>
      %dma_wait3A_85 = tpu.memref_slice %arg3[%add3A_13] : memref<4096xi32, #tpu.memory_space<hbm>> -> memref<32xi32, #tpu.memory_space<hbm>>
      tpu.wait_dma2 semaphore(%run_scoped3A : memref<!tpu.dma_semaphore, #tpu.memory_space<semaphore_mem>>) src(%dma_wait3A_85 : memref<32xi32, #tpu.memory_space<hbm>>) dst(%arg7 : memref<32xi32, #tpu.memory_space<vmem>>)
      tpu.yield
    }) : () -> ()
    %add3A_14 = arith.constant 0 : i32
    %add3A_15 = arith.addi %select_n3A_11, %add3A_14 : i32
    %dma_start3A = arith.constant 0 : i32
    %dma_start3A_16 = tpu.memref_slice %arg2[%add3A_15, %dma_start3A] : memref<2048x1024xf32, #tpu.memory_space<hbm>> -> memref<32x1024xf32, #tpu.memory_space<hbm>>
    %dma_start3A_17 = arith.constant 0 : i32
    %dma_start3A_18 = tpu.memref_slice %arg2[%add3A_15, %dma_start3A_17] : memref<2048x1024xf32, #tpu.memory_space<hbm>> -> memref<32x1024xf32, #tpu.memory_space<hbm>>
    tpu.enqueue_dma source(%dma_start3A_18 : memref<32x1024xf32, #tpu.memory_space<hbm>>) target(%arg5 : memref<32x1024xf32, #tpu.memory_space<vmem>>) target_semaphore(%arg9 : memref<!tpu.dma_semaphore, #tpu.memory_space<semaphore_mem>>)
    %dma_wait3A = arith.constant 0 : i32
    %dma_wait3A_19 = tpu.memref_slice %arg2[%add3A_15, %dma_wait3A] : memref<2048x1024xf32, #tpu.memory_space<hbm>> -> memref<32x1024xf32, #tpu.memory_space<hbm>>
    %dma_wait3A_20 = arith.constant 0 : i32
    %dma_wait3A_21 = tpu.memref_slice %arg2[%add3A_15, %dma_wait3A_20] : memref<2048x1024xf32, #tpu.memory_space<hbm>> -> memref<32x1024xf32, #tpu.memory_space<hbm>>
    tpu.wait_dma2 semaphore(%arg9 : memref<!tpu.dma_semaphore, #tpu.memory_space<semaphore_mem>>) src(%dma_wait3A_21 : memref<32x1024xf32, #tpu.memory_space<hbm>>) dst(%arg5 : memref<32x1024xf32, #tpu.memory_space<vmem>>)
    %dma_start3A_22 = arith.constant 0 : i32
    %dma_start3A_23 = arith.constant 0 : i32
    %dma_start3A_24 = tpu.memref_slice %arg4[%dma_start3A_22, %dma_start3A_23] : memref<6144x1024xf32, #tpu.memory_space<hbm>> -> memref<6144x1024xf32, #tpu.memory_space<hbm>>
    tpu.enqueue_indirect_dma source(%arg5 : memref<32x1024xf32, #tpu.memory_space<vmem>>) target(%dma_start3A_24 : memref<6144x1024xf32, #tpu.memory_space<hbm>>) offsets(%arg7 : memref<32xi32, #tpu.memory_space<vmem>>) semaphore(%arg11 : memref<!tpu.dma_semaphore, #tpu.memory_space<semaphore_mem>>)
    %add3A_25 = arith.constant 32 : i32
    %add3A_26 = arith.addi %mul3A_2, %add3A_25 : i32
    "tpu.region"() ({
      %run_scoped3A = tpu.sem_alloc : memref<!tpu.dma_semaphore, #tpu.memory_space<semaphore_mem>>
      %dma_start3A_82 = tpu.memref_slice %arg3[%add3A_26] : memref<4096xi32, #tpu.memory_space<hbm>> -> memref<32xi32, #tpu.memory_space<hbm>>
      %dma_start3A_83 = tpu.memref_slice %arg3[%add3A_26] : memref<4096xi32, #tpu.memory_space<hbm>> -> memref<32xi32, #tpu.memory_space<hbm>>
      tpu.enqueue_dma source(%dma_start3A_83 : memref<32xi32, #tpu.memory_space<hbm>>) target(%arg8 : memref<32xi32, #tpu.memory_space<vmem>>) target_semaphore(%run_scoped3A : memref<!tpu.dma_semaphore, #tpu.memory_space<semaphore_mem>>)
      %dma_wait3A_84 = tpu.memref_slice %arg3[%add3A_26] : memref<4096xi32, #tpu.memory_space<hbm>> -> memref<32xi32, #tpu.memory_space<hbm>>
      %dma_wait3A_85 = tpu.memref_slice %arg3[%add3A_26] : memref<4096xi32, #tpu.memory_space<hbm>> -> memref<32xi32, #tpu.memory_space<hbm>>
      tpu.wait_dma2 semaphore(%run_scoped3A : memref<!tpu.dma_semaphore, #tpu.memory_space<semaphore_mem>>) src(%dma_wait3A_85 : memref<32xi32, #tpu.memory_space<hbm>>) dst(%arg8 : memref<32xi32, #tpu.memory_space<vmem>>)
      tpu.yield
    }) : () -> ()
    %add3A_27 = arith.constant 32 : i32
    %add3A_28 = arith.addi %select_n3A_11, %add3A_27 : i32
    %dma_start3A_29 = arith.constant 0 : i32
    %dma_start3A_30 = tpu.memref_slice %arg2[%add3A_28, %dma_start3A_29] : memref<2048x1024xf32, #tpu.memory_space<hbm>> -> memref<32x1024xf32, #tpu.memory_space<hbm>>
    %dma_start3A_31 = arith.constant 0 : i32
    %dma_start3A_32 = tpu.memref_slice %arg2[%add3A_28, %dma_start3A_31] : memref<2048x1024xf32, #tpu.memory_space<hbm>> -> memref<32x1024xf32, #tpu.memory_space<hbm>>
    tpu.enqueue_dma source(%dma_start3A_32 : memref<32x1024xf32, #tpu.memory_space<hbm>>) target(%arg6 : memref<32x1024xf32, #tpu.memory_space<vmem>>) target_semaphore(%arg10 : memref<!tpu.dma_semaphore, #tpu.memory_space<semaphore_mem>>)
    %dma_wait3A_33 = arith.constant 0 : i32
    %dma_wait3A_34 = tpu.memref_slice %arg2[%add3A_28, %dma_wait3A_33] : memref<2048x1024xf32, #tpu.memory_space<hbm>> -> memref<32x1024xf32, #tpu.memory_space<hbm>>
    %dma_wait3A_35 = arith.constant 0 : i32
    %dma_wait3A_36 = tpu.memref_slice %arg2[%add3A_28, %dma_wait3A_35] : memref<2048x1024xf32, #tpu.memory_space<hbm>> -> memref<32x1024xf32, #tpu.memory_space<hbm>>
    tpu.wait_dma2 semaphore(%arg10 : memref<!tpu.dma_semaphore, #tpu.memory_space<semaphore_mem>>) src(%dma_wait3A_36 : memref<32x1024xf32, #tpu.memory_space<hbm>>) dst(%arg6 : memref<32x1024xf32, #tpu.memory_space<vmem>>)
    %dma_start3A_37 = arith.constant 0 : i32
    %dma_start3A_38 = arith.constant 0 : i32
    %dma_start3A_39 = tpu.memref_slice %arg4[%dma_start3A_37, %dma_start3A_38] : memref<6144x1024xf32, #tpu.memory_space<hbm>> -> memref<6144x1024xf32, #tpu.memory_space<hbm>>
    tpu.enqueue_indirect_dma source(%arg6 : memref<32x1024xf32, #tpu.memory_space<vmem>>) target(%dma_start3A_39 : memref<6144x1024xf32, #tpu.memory_space<hbm>>) offsets(%arg8 : memref<32xi32, #tpu.memory_space<vmem>>) semaphore(%arg12 : memref<!tpu.dma_semaphore, #tpu.memory_space<semaphore_mem>>)
    %dma_wait3A_40 = arith.constant 0 : i32
    %dma_wait3A_41 = arith.constant 0 : i32
    %dma_wait3A_42 = tpu.memref_slice %arg4[%dma_wait3A_40, %dma_wait3A_41] : memref<6144x1024xf32, #tpu.memory_space<hbm>> -> memref<6144x1024xf32, #tpu.memory_space<hbm>>
    tpu.wait_indirect_dma semaphore(%arg11 : memref<!tpu.dma_semaphore, #tpu.memory_space<semaphore_mem>>) src(%arg5 : memref<32x1024xf32, #tpu.memory_space<vmem>>) dst(%dma_wait3A_42 : memref<6144x1024xf32, #tpu.memory_space<hbm>>)
    %add3A_43 = arith.constant 64 : i32
    %add3A_44 = arith.addi %mul3A_2, %add3A_43 : i32
    "tpu.region"() ({
      %run_scoped3A = tpu.sem_alloc : memref<!tpu.dma_semaphore, #tpu.memory_space<semaphore_mem>>
      %dma_start3A_82 = tpu.memref_slice %arg3[%add3A_44] : memref<4096xi32, #tpu.memory_space<hbm>> -> memref<32xi32, #tpu.memory_space<hbm>>
      %dma_start3A_83 = tpu.memref_slice %arg3[%add3A_44] : memref<4096xi32, #tpu.memory_space<hbm>> -> memref<32xi32, #tpu.memory_space<hbm>>
      tpu.enqueue_dma source(%dma_start3A_83 : memref<32xi32, #tpu.memory_space<hbm>>) target(%arg7 : memref<32xi32, #tpu.memory_space<vmem>>) target_semaphore(%run_scoped3A : memref<!tpu.dma_semaphore, #tpu.memory_space<semaphore_mem>>)
      %dma_wait3A_84 = tpu.memref_slice %arg3[%add3A_44] : memref<4096xi32, #tpu.memory_space<hbm>> -> memref<32xi32, #tpu.memory_space<hbm>>
      %dma_wait3A_85 = tpu.memref_slice %arg3[%add3A_44] : memref<4096xi32, #tpu.memory_space<hbm>> -> memref<32xi32, #tpu.memory_space<hbm>>
      tpu.wait_dma2 semaphore(%run_scoped3A : memref<!tpu.dma_semaphore, #tpu.memory_space<semaphore_mem>>) src(%dma_wait3A_85 : memref<32xi32, #tpu.memory_space<hbm>>) dst(%arg7 : memref<32xi32, #tpu.memory_space<vmem>>)
      tpu.yield
    }) : () -> ()
    %add3A_45 = arith.constant 64 : i32
    %add3A_46 = arith.addi %select_n3A_11, %add3A_45 : i32
    %dma_start3A_47 = arith.constant 0 : i32
    %dma_start3A_48 = tpu.memref_slice %arg2[%add3A_46, %dma_start3A_47] : memref<2048x1024xf32, #tpu.memory_space<hbm>> -> memref<32x1024xf32, #tpu.memory_space<hbm>>
    %dma_start3A_49 = arith.constant 0 : i32
    %dma_start3A_50 = tpu.memref_slice %arg2[%add3A_46, %dma_start3A_49] : memref<2048x1024xf32, #tpu.memory_space<hbm>> -> memref<32x1024xf32, #tpu.memory_space<hbm>>
    tpu.enqueue_dma source(%dma_start3A_50 : memref<32x1024xf32, #tpu.memory_space<hbm>>) target(%arg5 : memref<32x1024xf32, #tpu.memory_space<vmem>>) target_semaphore(%arg9 : memref<!tpu.dma_semaphore, #tpu.memory_space<semaphore_mem>>)
    %dma_wait3A_51 = arith.constant 0 : i32
    %dma_wait3A_52 = tpu.memref_slice %arg2[%add3A_46, %dma_wait3A_51] : memref<2048x1024xf32, #tpu.memory_space<hbm>> -> memref<32x1024xf32, #tpu.memory_space<hbm>>
    %dma_wait3A_53 = arith.constant 0 : i32
    %dma_wait3A_54 = tpu.memref_slice %arg2[%add3A_46, %dma_wait3A_53] : memref<2048x1024xf32, #tpu.memory_space<hbm>> -> memref<32x1024xf32, #tpu.memory_space<hbm>>
    tpu.wait_dma2 semaphore(%arg9 : memref<!tpu.dma_semaphore, #tpu.memory_space<semaphore_mem>>) src(%dma_wait3A_54 : memref<32x1024xf32, #tpu.memory_space<hbm>>) dst(%arg5 : memref<32x1024xf32, #tpu.memory_space<vmem>>)
    %dma_start3A_55 = arith.constant 0 : i32
    %dma_start3A_56 = arith.constant 0 : i32
    %dma_start3A_57 = tpu.memref_slice %arg4[%dma_start3A_55, %dma_start3A_56] : memref<6144x1024xf32, #tpu.memory_space<hbm>> -> memref<6144x1024xf32, #tpu.memory_space<hbm>>
    tpu.enqueue_indirect_dma source(%arg5 : memref<32x1024xf32, #tpu.memory_space<vmem>>) target(%dma_start3A_57 : memref<6144x1024xf32, #tpu.memory_space<hbm>>) offsets(%arg7 : memref<32xi32, #tpu.memory_space<vmem>>) semaphore(%arg11 : memref<!tpu.dma_semaphore, #tpu.memory_space<semaphore_mem>>)
    %dma_wait3A_58 = arith.constant 0 : i32
    %dma_wait3A_59 = arith.constant 0 : i32
    %dma_wait3A_60 = tpu.memref_slice %arg4[%dma_wait3A_58, %dma_wait3A_59] : memref<6144x1024xf32, #tpu.memory_space<hbm>> -> memref<6144x1024xf32, #tpu.memory_space<hbm>>
    tpu.wait_indirect_dma semaphore(%arg12 : memref<!tpu.dma_semaphore, #tpu.memory_space<semaphore_mem>>) src(%arg6 : memref<32x1024xf32, #tpu.memory_space<vmem>>) dst(%dma_wait3A_60 : memref<6144x1024xf32, #tpu.memory_space<hbm>>)
    %add3A_61 = arith.constant 96 : i32
    %add3A_62 = arith.addi %mul3A_2, %add3A_61 : i32
    "tpu.region"() ({
      %run_scoped3A = tpu.sem_alloc : memref<!tpu.dma_semaphore, #tpu.memory_space<semaphore_mem>>
      %dma_start3A_82 = tpu.memref_slice %arg3[%add3A_62] : memref<4096xi32, #tpu.memory_space<hbm>> -> memref<32xi32, #tpu.memory_space<hbm>>
      %dma_start3A_83 = tpu.memref_slice %arg3[%add3A_62] : memref<4096xi32, #tpu.memory_space<hbm>> -> memref<32xi32, #tpu.memory_space<hbm>>
      tpu.enqueue_dma source(%dma_start3A_83 : memref<32xi32, #tpu.memory_space<hbm>>) target(%arg8 : memref<32xi32, #tpu.memory_space<vmem>>) target_semaphore(%run_scoped3A : memref<!tpu.dma_semaphore, #tpu.memory_space<semaphore_mem>>)
      %dma_wait3A_84 = tpu.memref_slice %arg3[%add3A_62] : memref<4096xi32, #tpu.memory_space<hbm>> -> memref<32xi32, #tpu.memory_space<hbm>>
      %dma_wait3A_85 = tpu.memref_slice %arg3[%add3A_62] : memref<4096xi32, #tpu.memory_space<hbm>> -> memref<32xi32, #tpu.memory_space<hbm>>
      tpu.wait_dma2 semaphore(%run_scoped3A : memref<!tpu.dma_semaphore, #tpu.memory_space<semaphore_mem>>) src(%dma_wait3A_85 : memref<32xi32, #tpu.memory_space<hbm>>) dst(%arg8 : memref<32xi32, #tpu.memory_space<vmem>>)
      tpu.yield
    }) : () -> ()
    %add3A_63 = arith.constant 96 : i32
    %add3A_64 = arith.addi %select_n3A_11, %add3A_63 : i32
    %dma_start3A_65 = arith.constant 0 : i32
    %dma_start3A_66 = tpu.memref_slice %arg2[%add3A_64, %dma_start3A_65] : memref<2048x1024xf32, #tpu.memory_space<hbm>> -> memref<32x1024xf32, #tpu.memory_space<hbm>>
    %dma_start3A_67 = arith.constant 0 : i32
    %dma_start3A_68 = tpu.memref_slice %arg2[%add3A_64, %dma_start3A_67] : memref<2048x1024xf32, #tpu.memory_space<hbm>> -> memref<32x1024xf32, #tpu.memory_space<hbm>>
    tpu.enqueue_dma source(%dma_start3A_68 : memref<32x1024xf32, #tpu.memory_space<hbm>>) target(%arg6 : memref<32x1024xf32, #tpu.memory_space<vmem>>) target_semaphore(%arg10 : memref<!tpu.dma_semaphore, #tpu.memory_space<semaphore_mem>>)
    %dma_wait3A_69 = arith.constant 0 : i32
    %dma_wait3A_70 = tpu.memref_slice %arg2[%add3A_64, %dma_wait3A_69] : memref<2048x1024xf32, #tpu.memory_space<hbm>> -> memref<32x1024xf32, #tpu.memory_space<hbm>>
    %dma_wait3A_71 = arith.constant 0 : i32
    %dma_wait3A_72 = tpu.memref_slice %arg2[%add3A_64, %dma_wait3A_71] : memref<2048x1024xf32, #tpu.memory_space<hbm>> -> memref<32x1024xf32, #tpu.memory_space<hbm>>
    tpu.wait_dma2 semaphore(%arg10 : memref<!tpu.dma_semaphore, #tpu.memory_space<semaphore_mem>>) src(%dma_wait3A_72 : memref<32x1024xf32, #tpu.memory_space<hbm>>) dst(%arg6 : memref<32x1024xf32, #tpu.memory_space<vmem>>)
    %dma_start3A_73 = arith.constant 0 : i32
    %dma_start3A_74 = arith.constant 0 : i32
    %dma_start3A_75 = tpu.memref_slice %arg4[%dma_start3A_73, %dma_start3A_74] : memref<6144x1024xf32, #tpu.memory_space<hbm>> -> memref<6144x1024xf32, #tpu.memory_space<hbm>>
    tpu.enqueue_indirect_dma source(%arg6 : memref<32x1024xf32, #tpu.memory_space<vmem>>) target(%dma_start3A_75 : memref<6144x1024xf32, #tpu.memory_space<hbm>>) offsets(%arg8 : memref<32xi32, #tpu.memory_space<vmem>>) semaphore(%arg12 : memref<!tpu.dma_semaphore, #tpu.memory_space<semaphore_mem>>)
    %dma_wait3A_76 = arith.constant 0 : i32
    %dma_wait3A_77 = arith.constant 0 : i32
    %dma_wait3A_78 = tpu.memref_slice %arg4[%dma_wait3A_76, %dma_wait3A_77] : memref<6144x1024xf32, #tpu.memory_space<hbm>> -> memref<6144x1024xf32, #tpu.memory_space<hbm>>
    tpu.wait_indirect_dma semaphore(%arg11 : memref<!tpu.dma_semaphore, #tpu.memory_space<semaphore_mem>>) src(%arg5 : memref<32x1024xf32, #tpu.memory_space<vmem>>) dst(%dma_wait3A_78 : memref<6144x1024xf32, #tpu.memory_space<hbm>>)
    %dma_wait3A_79 = arith.constant 0 : i32
    %dma_wait3A_80 = arith.constant 0 : i32
    %dma_wait3A_81 = tpu.memref_slice %arg4[%dma_wait3A_79, %dma_wait3A_80] : memref<6144x1024xf32, #tpu.memory_space<hbm>> -> memref<6144x1024xf32, #tpu.memory_space<hbm>>
    tpu.wait_indirect_dma semaphore(%arg12 : memref<!tpu.dma_semaphore, #tpu.memory_space<semaphore_mem>>) src(%arg6 : memref<32x1024xf32, #tpu.memory_space<vmem>>) dst(%dma_wait3A_81 : memref<6144x1024xf32, #tpu.memory_space<hbm>>)
    return
  }
}

module attributes {stable_mosaic.version = 14 : i64} {
  func.func @_route_kernel(%arg0: memref<2048x1024xf32, #tpu.memory_space<vmem>>, %arg1: memref<2048x1024xf32, #tpu.memory_space<vmem>>, %arg2: memref<8x1024xf32, #tpu.memory_space<vmem>>, %arg3: memref<8x1024xf32, #tpu.memory_space<vmem>>, %arg4: memref<2x2048x8xf32, #tpu.memory_space<vmem>>, %arg5: memref<2x2048x8xi32, #tpu.memory_space<vmem>>, %arg6: memref<2x2048x8xi32, #tpu.memory_space<vmem>>, %arg7: memref<2x48x128xi32, #tpu.memory_space<vmem>>) attributes {dimension_semantics = [], scalar_prefetch = 0 : i64, scratch_operands = 0 : i64, tpu.core_type = #tpu.core_type<tc>} {
    %get3A = arith.constant 0 : index
    %get3A_0 = arith.constant 0 : index
    %get3A_1 = vector.load %arg0[%get3A, %get3A_0] : memref<2048x1024xf32, #tpu.memory_space<vmem>>, vector<2048x1024xf32>
    %get3A_2 = arith.constant 0 : index
    %get3A_3 = arith.constant 0 : index
    %get3A_4 = vector.load %arg2[%get3A_2, %get3A_3] : memref<8x1024xf32, #tpu.memory_space<vmem>>, vector<8x1024xf32>
    %dot_general3A = arith.constant dense<0.000000e+00> : vector<2048x8xf32>
    %dot_general3A_5 = tpu.matmul %get3A_1, %get3A_4, %dot_general3A {dimension_numbers = #tpu.dot_dimension_numbers<[1], [1], [0], [0], [0, 0, 1, 0], [], []>, transpose_lhs_hint = false} : vector<2048x1024xf32>, vector<8x1024xf32>, vector<2048x8xf32> -> vector<2048x8xf32>
    %iota3A = tpu.iota {dimensions = array<i32: 1>} : vector<2048x8xi32>
    %reduce_max3A = arith.constant dense<0xFF800000> : vector<2048xf32>
    %reduce_max3A_6 = vector.multi_reduction <maximumf>, %dot_general3A_5, %reduce_max3A [1] : vector<2048x8xf32> to vector<2048xf32>
    %broadcast_in_dim3A = vector.shape_cast %reduce_max3A_6 : vector<2048xf32> to vector<2048x1xf32>
    %eq3A = vector.broadcast %broadcast_in_dim3A : vector<2048x1xf32> to vector<2048x8xf32>
    %eq3A_7 = arith.cmpf oeq, %dot_general3A_5, %eq3A : vector<2048x8xf32>
    %jit3A = arith.constant 8 : i32
    %broadcast_in_dim3A_8 = vector.broadcast %jit3A : i32 to vector<2048x8xi32>
    %select_n3A = arith.select %eq3A_7, %iota3A, %broadcast_in_dim3A_8 : vector<2048x8xi1>, vector<2048x8xi32>
    %reduce_min3A = arith.constant dense<2147483647> : vector<2048xi32>
    %reduce_min3A_9 = vector.multi_reduction <minsi>, %select_n3A, %reduce_min3A [1] : vector<2048x8xi32> to vector<2048xi32>
    %broadcast_in_dim3A_10 = vector.shape_cast %reduce_min3A_9 : vector<2048xi32> to vector<2048x1xi32>
    %eq3A_11 = vector.broadcast %broadcast_in_dim3A_10 : vector<2048x1xi32> to vector<2048x8xi32>
    %eq3A_12 = arith.cmpi eq, %iota3A, %eq3A_11 : vector<2048x8xi32>
    %jit3A_13 = arith.constant 0xFF800000 : f32
    %broadcast_in_dim3A_14 = vector.broadcast %jit3A_13 : f32 to vector<2048x8xf32>
    %select_n3A_15 = arith.select %eq3A_12, %broadcast_in_dim3A_14, %dot_general3A_5 : vector<2048x8xi1>, vector<2048x8xf32>
    %reduce_max3A_16 = arith.constant dense<0xFF800000> : vector<2048xf32>
    %reduce_max3A_17 = vector.multi_reduction <maximumf>, %select_n3A_15, %reduce_max3A_16 [1] : vector<2048x8xf32> to vector<2048xf32>
    %broadcast_in_dim3A_18 = vector.shape_cast %reduce_max3A_17 : vector<2048xf32> to vector<2048x1xf32>
    %eq3A_19 = vector.broadcast %broadcast_in_dim3A_18 : vector<2048x1xf32> to vector<2048x8xf32>
    %eq3A_20 = arith.cmpf oeq, %select_n3A_15, %eq3A_19 : vector<2048x8xf32>
    %jit3A_21 = arith.constant 8 : i32
    %broadcast_in_dim3A_22 = vector.broadcast %jit3A_21 : i32 to vector<2048x8xi32>
    %select_n3A_23 = arith.select %eq3A_20, %iota3A, %broadcast_in_dim3A_22 : vector<2048x8xi1>, vector<2048x8xi32>
    %reduce_min3A_24 = arith.constant dense<2147483647> : vector<2048xi32>
    %reduce_min3A_25 = vector.multi_reduction <minsi>, %select_n3A_23, %reduce_min3A_24 [1] : vector<2048x8xi32> to vector<2048xi32>
    %broadcast_in_dim3A_26 = vector.shape_cast %reduce_min3A_25 : vector<2048xi32> to vector<2048x1xi32>
    %eq3A_27 = vector.broadcast %broadcast_in_dim3A_26 : vector<2048x1xi32> to vector<2048x8xi32>
    %eq3A_28 = arith.cmpi eq, %iota3A, %eq3A_27 : vector<2048x8xi32>
    %or3A = arith.ori %eq3A_12, %eq3A_28 : vector<2048x8xi1>
    %jit3A_29 = arith.constant 0.000000e+00 : f32
    %broadcast_in_dim3A_30 = vector.broadcast %jit3A_29 : f32 to vector<2048x8xf32>
    %select_n3A_31 = arith.select %or3A, %dot_general3A_5, %broadcast_in_dim3A_30 : vector<2048x8xi1>, vector<2048x8xf32>
    %reduce_sum3A = arith.constant dense<0.000000e+00> : vector<2048xf32>
    %reduce_sum3A_32 = vector.multi_reduction <add>, %select_n3A_31, %reduce_sum3A [1] : vector<2048x8xf32> to vector<2048xf32>
    %broadcast_in_dim3A_33 = vector.shape_cast %reduce_sum3A_32 : vector<2048xf32> to vector<2048x1xf32>
    %add3A = arith.constant 9.99999971E-10 : f32
    %add3A_34 = vector.broadcast %add3A : f32 to vector<2048x1xf32>
    %add3A_35 = arith.addf %broadcast_in_dim3A_33, %add3A_34 : vector<2048x1xf32>
    %div3A = vector.broadcast %add3A_35 : vector<2048x1xf32> to vector<2048x8xf32>
    %div3A_36 = arith.divf %select_n3A_31, %div3A : vector<2048x8xf32>
    %jit3A_37 = arith.constant 0.000000e+00 : f32
    %broadcast_in_dim3A_38 = vector.broadcast %jit3A_37 : f32 to vector<2048x8xf32>
    %select_n3A_39 = arith.select %eq3A_12, %div3A_36, %broadcast_in_dim3A_38 : vector<2048x8xi1>, vector<2048x8xf32>
    %reduce_sum3A_40 = arith.constant dense<0.000000e+00> : vector<2048xf32>
    %reduce_sum3A_41 = vector.multi_reduction <add>, %select_n3A_39, %reduce_sum3A_40 [1] : vector<2048x8xf32> to vector<2048xf32>
    %broadcast_in_dim3A_42 = vector.shape_cast %reduce_sum3A_41 : vector<2048xf32> to vector<2048x1xf32>
    %jit3A_43 = arith.constant 0.000000e+00 : f32
    %broadcast_in_dim3A_44 = vector.broadcast %jit3A_43 : f32 to vector<2048x8xf32>
    %select_n3A_45 = arith.select %eq3A_28, %div3A_36, %broadcast_in_dim3A_44 : vector<2048x8xi1>, vector<2048x8xf32>
    %reduce_sum3A_46 = arith.constant dense<0.000000e+00> : vector<2048xf32>
    %reduce_sum3A_47 = vector.multi_reduction <add>, %select_n3A_45, %reduce_sum3A_46 [1] : vector<2048x8xf32> to vector<2048xf32>
    %broadcast_in_dim3A_48 = vector.shape_cast %reduce_sum3A_47 : vector<2048xf32> to vector<2048x1xf32>
    %eq3A_49 = arith.constant 0 : i32
    %eq3A_50 = vector.broadcast %eq3A_49 : i32 to vector<2048x8xi32>
    %eq3A_51 = arith.cmpi eq, %iota3A, %eq3A_50 : vector<2048x8xi32>
    %jit3A_52 = arith.constant 0.000000e+00 : f32
    %broadcast_in_dim3A_53 = vector.shape_cast %broadcast_in_dim3A_42 : vector<2048x1xf32> to vector<2048x1xf32>
    %broadcast_in_dim3A_54 = vector.broadcast %broadcast_in_dim3A_53 : vector<2048x1xf32> to vector<2048x8xf32>
    %broadcast_in_dim3A_55 = vector.broadcast %jit3A_52 : f32 to vector<2048x8xf32>
    %select_n3A_56 = arith.select %eq3A_51, %broadcast_in_dim3A_54, %broadcast_in_dim3A_55 : vector<2048x8xi1>, vector<2048x8xf32>
    %eq3A_57 = arith.constant 1 : i32
    %eq3A_58 = vector.broadcast %eq3A_57 : i32 to vector<2048x8xi32>
    %eq3A_59 = arith.cmpi eq, %iota3A, %eq3A_58 : vector<2048x8xi32>
    %jit3A_60 = arith.constant 0.000000e+00 : f32
    %broadcast_in_dim3A_61 = vector.shape_cast %broadcast_in_dim3A_48 : vector<2048x1xf32> to vector<2048x1xf32>
    %broadcast_in_dim3A_62 = vector.broadcast %broadcast_in_dim3A_61 : vector<2048x1xf32> to vector<2048x8xf32>
    %broadcast_in_dim3A_63 = vector.broadcast %jit3A_60 : f32 to vector<2048x8xf32>
    %select_n3A_64 = arith.select %eq3A_59, %broadcast_in_dim3A_62, %broadcast_in_dim3A_63 : vector<2048x8xi1>, vector<2048x8xf32>
    %add3A_65 = arith.addf %select_n3A_56, %select_n3A_64 : vector<2048x8xf32>
    %convert_element_type3A = arith.extui %eq3A_12 : vector<2048x8xi1> to vector<2048x8xi32>
    %convert_element_type3A_66 = arith.sitofp %convert_element_type3A : vector<2048x8xi32> to vector<2048x8xf32>
    %convert_element_type3A_67 = arith.extui %eq3A_28 : vector<2048x8xi1> to vector<2048x8xi32>
    %convert_element_type3A_68 = arith.sitofp %convert_element_type3A_67 : vector<2048x8xi32> to vector<2048x8xf32>
    %broadcast_in_dim3A_69 = arith.constant 0.000000e+00 : f32
    %broadcast_in_dim3A_70 = vector.broadcast %broadcast_in_dim3A_69 : f32 to vector<1x8xf32>
    %slice3A = vector.extract_strided_slice %convert_element_type3A_66 {offsets = [0, 0], sizes = [2047, 8], strides = [1, 1]} : vector<2048x8xf32> to vector<2047x8xf32>
    %concatenate3A = tpu.concatenate %broadcast_in_dim3A_70, %slice3A in 0 : vector<1x8xf32>, vector<2047x8xf32> -> vector<2048x8xf32>
    %add3A_71 = arith.addf %convert_element_type3A_66, %concatenate3A : vector<2048x8xf32>
    %broadcast_in_dim3A_72 = arith.constant 0.000000e+00 : f32
    %broadcast_in_dim3A_73 = vector.broadcast %broadcast_in_dim3A_72 : f32 to vector<1x8xf32>
    %slice3A_74 = vector.extract_strided_slice %convert_element_type3A_68 {offsets = [0, 0], sizes = [2047, 8], strides = [1, 1]} : vector<2048x8xf32> to vector<2047x8xf32>
    %concatenate3A_75 = tpu.concatenate %broadcast_in_dim3A_73, %slice3A_74 in 0 : vector<1x8xf32>, vector<2047x8xf32> -> vector<2048x8xf32>
    %add3A_76 = arith.addf %convert_element_type3A_68, %concatenate3A_75 : vector<2048x8xf32>
    %broadcast_in_dim3A_77 = arith.constant 0.000000e+00 : f32
    %broadcast_in_dim3A_78 = vector.broadcast %broadcast_in_dim3A_77 : f32 to vector<2x8xf32>
    %slice3A_79 = vector.extract_strided_slice %add3A_71 {offsets = [0, 0], sizes = [2046, 8], strides = [1, 1]} : vector<2048x8xf32> to vector<2046x8xf32>
    %concatenate3A_80 = tpu.concatenate %broadcast_in_dim3A_78, %slice3A_79 in 0 : vector<2x8xf32>, vector<2046x8xf32> -> vector<2048x8xf32>
    %add3A_81 = arith.addf %add3A_71, %concatenate3A_80 : vector<2048x8xf32>
    %broadcast_in_dim3A_82 = arith.constant 0.000000e+00 : f32
    %broadcast_in_dim3A_83 = vector.broadcast %broadcast_in_dim3A_82 : f32 to vector<2x8xf32>
    %slice3A_84 = vector.extract_strided_slice %add3A_76 {offsets = [0, 0], sizes = [2046, 8], strides = [1, 1]} : vector<2048x8xf32> to vector<2046x8xf32>
    %concatenate3A_85 = tpu.concatenate %broadcast_in_dim3A_83, %slice3A_84 in 0 : vector<2x8xf32>, vector<2046x8xf32> -> vector<2048x8xf32>
    %add3A_86 = arith.addf %add3A_76, %concatenate3A_85 : vector<2048x8xf32>
    %broadcast_in_dim3A_87 = arith.constant 0.000000e+00 : f32
    %broadcast_in_dim3A_88 = vector.broadcast %broadcast_in_dim3A_87 : f32 to vector<4x8xf32>
    %slice3A_89 = vector.extract_strided_slice %add3A_81 {offsets = [0, 0], sizes = [2044, 8], strides = [1, 1]} : vector<2048x8xf32> to vector<2044x8xf32>
    %concatenate3A_90 = tpu.concatenate %broadcast_in_dim3A_88, %slice3A_89 in 0 : vector<4x8xf32>, vector<2044x8xf32> -> vector<2048x8xf32>
    %add3A_91 = arith.addf %add3A_81, %concatenate3A_90 : vector<2048x8xf32>
    %broadcast_in_dim3A_92 = arith.constant 0.000000e+00 : f32
    %broadcast_in_dim3A_93 = vector.broadcast %broadcast_in_dim3A_92 : f32 to vector<4x8xf32>
    %slice3A_94 = vector.extract_strided_slice %add3A_86 {offsets = [0, 0], sizes = [2044, 8], strides = [1, 1]} : vector<2048x8xf32> to vector<2044x8xf32>
    %concatenate3A_95 = tpu.concatenate %broadcast_in_dim3A_93, %slice3A_94 in 0 : vector<4x8xf32>, vector<2044x8xf32> -> vector<2048x8xf32>
    %add3A_96 = arith.addf %add3A_86, %concatenate3A_95 : vector<2048x8xf32>
    %broadcast_in_dim3A_97 = arith.constant 0.000000e+00 : f32
    %broadcast_in_dim3A_98 = vector.broadcast %broadcast_in_dim3A_97 : f32 to vector<8x8xf32>
    %slice3A_99 = vector.extract_strided_slice %add3A_91 {offsets = [0, 0], sizes = [2040, 8], strides = [1, 1]} : vector<2048x8xf32> to vector<2040x8xf32>
    %concatenate3A_100 = tpu.concatenate %broadcast_in_dim3A_98, %slice3A_99 in 0 : vector<8x8xf32>, vector<2040x8xf32> -> vector<2048x8xf32>
    %add3A_101 = arith.addf %add3A_91, %concatenate3A_100 : vector<2048x8xf32>
    %broadcast_in_dim3A_102 = arith.constant 0.000000e+00 : f32
    %broadcast_in_dim3A_103 = vector.broadcast %broadcast_in_dim3A_102 : f32 to vector<8x8xf32>
    %slice3A_104 = vector.extract_strided_slice %add3A_96 {offsets = [0, 0], sizes = [2040, 8], strides = [1, 1]} : vector<2048x8xf32> to vector<2040x8xf32>
    %concatenate3A_105 = tpu.concatenate %broadcast_in_dim3A_103, %slice3A_104 in 0 : vector<8x8xf32>, vector<2040x8xf32> -> vector<2048x8xf32>
    %add3A_106 = arith.addf %add3A_96, %concatenate3A_105 : vector<2048x8xf32>
    %broadcast_in_dim3A_107 = arith.constant 0.000000e+00 : f32
    %broadcast_in_dim3A_108 = vector.broadcast %broadcast_in_dim3A_107 : f32 to vector<16x8xf32>
    %slice3A_109 = vector.extract_strided_slice %add3A_101 {offsets = [0, 0], sizes = [2032, 8], strides = [1, 1]} : vector<2048x8xf32> to vector<2032x8xf32>
    %concatenate3A_110 = tpu.concatenate %broadcast_in_dim3A_108, %slice3A_109 in 0 : vector<16x8xf32>, vector<2032x8xf32> -> vector<2048x8xf32>
    %add3A_111 = arith.addf %add3A_101, %concatenate3A_110 : vector<2048x8xf32>
    %broadcast_in_dim3A_112 = arith.constant 0.000000e+00 : f32
    %broadcast_in_dim3A_113 = vector.broadcast %broadcast_in_dim3A_112 : f32 to vector<16x8xf32>
    %slice3A_114 = vector.extract_strided_slice %add3A_106 {offsets = [0, 0], sizes = [2032, 8], strides = [1, 1]} : vector<2048x8xf32> to vector<2032x8xf32>
    %concatenate3A_115 = tpu.concatenate %broadcast_in_dim3A_113, %slice3A_114 in 0 : vector<16x8xf32>, vector<2032x8xf32> -> vector<2048x8xf32>
    %add3A_116 = arith.addf %add3A_106, %concatenate3A_115 : vector<2048x8xf32>
    %broadcast_in_dim3A_117 = arith.constant 0.000000e+00 : f32
    %broadcast_in_dim3A_118 = vector.broadcast %broadcast_in_dim3A_117 : f32 to vector<32x8xf32>
    %slice3A_119 = vector.extract_strided_slice %add3A_111 {offsets = [0, 0], sizes = [2016, 8], strides = [1, 1]} : vector<2048x8xf32> to vector<2016x8xf32>
    %concatenate3A_120 = tpu.concatenate %broadcast_in_dim3A_118, %slice3A_119 in 0 : vector<32x8xf32>, vector<2016x8xf32> -> vector<2048x8xf32>
    %add3A_121 = arith.addf %add3A_111, %concatenate3A_120 : vector<2048x8xf32>
    %broadcast_in_dim3A_122 = arith.constant 0.000000e+00 : f32
    %broadcast_in_dim3A_123 = vector.broadcast %broadcast_in_dim3A_122 : f32 to vector<32x8xf32>
    %slice3A_124 = vector.extract_strided_slice %add3A_116 {offsets = [0, 0], sizes = [2016, 8], strides = [1, 1]} : vector<2048x8xf32> to vector<2016x8xf32>
    %concatenate3A_125 = tpu.concatenate %broadcast_in_dim3A_123, %slice3A_124 in 0 : vector<32x8xf32>, vector<2016x8xf32> -> vector<2048x8xf32>
    %add3A_126 = arith.addf %add3A_116, %concatenate3A_125 : vector<2048x8xf32>
    %broadcast_in_dim3A_127 = arith.constant 0.000000e+00 : f32
    %broadcast_in_dim3A_128 = vector.broadcast %broadcast_in_dim3A_127 : f32 to vector<64x8xf32>
    %slice3A_129 = vector.extract_strided_slice %add3A_121 {offsets = [0, 0], sizes = [1984, 8], strides = [1, 1]} : vector<2048x8xf32> to vector<1984x8xf32>
    %concatenate3A_130 = tpu.concatenate %broadcast_in_dim3A_128, %slice3A_129 in 0 : vector<64x8xf32>, vector<1984x8xf32> -> vector<2048x8xf32>
    %add3A_131 = arith.addf %add3A_121, %concatenate3A_130 : vector<2048x8xf32>
    %broadcast_in_dim3A_132 = arith.constant 0.000000e+00 : f32
    %broadcast_in_dim3A_133 = vector.broadcast %broadcast_in_dim3A_132 : f32 to vector<64x8xf32>
    %slice3A_134 = vector.extract_strided_slice %add3A_126 {offsets = [0, 0], sizes = [1984, 8], strides = [1, 1]} : vector<2048x8xf32> to vector<1984x8xf32>
    %concatenate3A_135 = tpu.concatenate %broadcast_in_dim3A_133, %slice3A_134 in 0 : vector<64x8xf32>, vector<1984x8xf32> -> vector<2048x8xf32>
    %add3A_136 = arith.addf %add3A_126, %concatenate3A_135 : vector<2048x8xf32>
    %broadcast_in_dim3A_137 = arith.constant 0.000000e+00 : f32
    %broadcast_in_dim3A_138 = vector.broadcast %broadcast_in_dim3A_137 : f32 to vector<128x8xf32>
    %slice3A_139 = vector.extract_strided_slice %add3A_131 {offsets = [0, 0], sizes = [1920, 8], strides = [1, 1]} : vector<2048x8xf32> to vector<1920x8xf32>
    %concatenate3A_140 = tpu.concatenate %broadcast_in_dim3A_138, %slice3A_139 in 0 : vector<128x8xf32>, vector<1920x8xf32> -> vector<2048x8xf32>
    %add3A_141 = arith.addf %add3A_131, %concatenate3A_140 : vector<2048x8xf32>
    %broadcast_in_dim3A_142 = arith.constant 0.000000e+00 : f32
    %broadcast_in_dim3A_143 = vector.broadcast %broadcast_in_dim3A_142 : f32 to vector<128x8xf32>
    %slice3A_144 = vector.extract_strided_slice %add3A_136 {offsets = [0, 0], sizes = [1920, 8], strides = [1, 1]} : vector<2048x8xf32> to vector<1920x8xf32>
    %concatenate3A_145 = tpu.concatenate %broadcast_in_dim3A_143, %slice3A_144 in 0 : vector<128x8xf32>, vector<1920x8xf32> -> vector<2048x8xf32>
    %add3A_146 = arith.addf %add3A_136, %concatenate3A_145 : vector<2048x8xf32>
    %broadcast_in_dim3A_147 = arith.constant 0.000000e+00 : f32
    %broadcast_in_dim3A_148 = vector.broadcast %broadcast_in_dim3A_147 : f32 to vector<256x8xf32>
    %slice3A_149 = vector.extract_strided_slice %add3A_141 {offsets = [0, 0], sizes = [1792, 8], strides = [1, 1]} : vector<2048x8xf32> to vector<1792x8xf32>
    %concatenate3A_150 = tpu.concatenate %broadcast_in_dim3A_148, %slice3A_149 in 0 : vector<256x8xf32>, vector<1792x8xf32> -> vector<2048x8xf32>
    %add3A_151 = arith.addf %add3A_141, %concatenate3A_150 : vector<2048x8xf32>
    %broadcast_in_dim3A_152 = arith.constant 0.000000e+00 : f32
    %broadcast_in_dim3A_153 = vector.broadcast %broadcast_in_dim3A_152 : f32 to vector<256x8xf32>
    %slice3A_154 = vector.extract_strided_slice %add3A_146 {offsets = [0, 0], sizes = [1792, 8], strides = [1, 1]} : vector<2048x8xf32> to vector<1792x8xf32>
    %concatenate3A_155 = tpu.concatenate %broadcast_in_dim3A_153, %slice3A_154 in 0 : vector<256x8xf32>, vector<1792x8xf32> -> vector<2048x8xf32>
    %add3A_156 = arith.addf %add3A_146, %concatenate3A_155 : vector<2048x8xf32>
    %broadcast_in_dim3A_157 = arith.constant 0.000000e+00 : f32
    %broadcast_in_dim3A_158 = vector.broadcast %broadcast_in_dim3A_157 : f32 to vector<512x8xf32>
    %slice3A_159 = vector.extract_strided_slice %add3A_151 {offsets = [0, 0], sizes = [1536, 8], strides = [1, 1]} : vector<2048x8xf32> to vector<1536x8xf32>
    %concatenate3A_160 = tpu.concatenate %broadcast_in_dim3A_158, %slice3A_159 in 0 : vector<512x8xf32>, vector<1536x8xf32> -> vector<2048x8xf32>
    %add3A_161 = arith.addf %add3A_151, %concatenate3A_160 : vector<2048x8xf32>
    %broadcast_in_dim3A_162 = arith.constant 0.000000e+00 : f32
    %broadcast_in_dim3A_163 = vector.broadcast %broadcast_in_dim3A_162 : f32 to vector<512x8xf32>
    %slice3A_164 = vector.extract_strided_slice %add3A_156 {offsets = [0, 0], sizes = [1536, 8], strides = [1, 1]} : vector<2048x8xf32> to vector<1536x8xf32>
    %concatenate3A_165 = tpu.concatenate %broadcast_in_dim3A_163, %slice3A_164 in 0 : vector<512x8xf32>, vector<1536x8xf32> -> vector<2048x8xf32>
    %add3A_166 = arith.addf %add3A_156, %concatenate3A_165 : vector<2048x8xf32>
    %broadcast_in_dim3A_167 = arith.constant 0.000000e+00 : f32
    %broadcast_in_dim3A_168 = vector.broadcast %broadcast_in_dim3A_167 : f32 to vector<1024x8xf32>
    %slice3A_169 = vector.extract_strided_slice %add3A_161 {offsets = [0, 0], sizes = [1024, 8], strides = [1, 1]} : vector<2048x8xf32> to vector<1024x8xf32>
    %concatenate3A_170 = tpu.concatenate %broadcast_in_dim3A_168, %slice3A_169 in 0 : vector<1024x8xf32>, vector<1024x8xf32> -> vector<2048x8xf32>
    %add3A_171 = arith.addf %add3A_161, %concatenate3A_170 : vector<2048x8xf32>
    %broadcast_in_dim3A_172 = arith.constant 0.000000e+00 : f32
    %broadcast_in_dim3A_173 = vector.broadcast %broadcast_in_dim3A_172 : f32 to vector<1024x8xf32>
    %slice3A_174 = vector.extract_strided_slice %add3A_166 {offsets = [0, 0], sizes = [1024, 8], strides = [1, 1]} : vector<2048x8xf32> to vector<1024x8xf32>
    %concatenate3A_175 = tpu.concatenate %broadcast_in_dim3A_173, %slice3A_174 in 0 : vector<1024x8xf32>, vector<1024x8xf32> -> vector<2048x8xf32>
    %add3A_176 = arith.addf %add3A_166, %concatenate3A_175 : vector<2048x8xf32>
    %sub3A = arith.subf %add3A_171, %convert_element_type3A_66 : vector<2048x8xf32>
    %sub3A_177 = arith.subf %add3A_176, %convert_element_type3A_68 : vector<2048x8xf32>
    %reduce_max3A_178 = arith.constant dense<0xFF800000> : vector<8xf32>
    %reduce_max3A_179 = vector.multi_reduction <maximumf>, %add3A_171, %reduce_max3A_178 [0] : vector<2048x8xf32> to vector<8xf32>
    %broadcast_in_dim3A_180 = vector.shape_cast %reduce_max3A_179 : vector<8xf32> to vector<1x8xf32>
    %reduce_max3A_181 = arith.constant dense<0xFF800000> : vector<8xf32>
    %reduce_max3A_182 = vector.multi_reduction <maximumf>, %add3A_176, %reduce_max3A_181 [0] : vector<2048x8xf32> to vector<8xf32>
    %broadcast_in_dim3A_183 = vector.shape_cast %reduce_max3A_182 : vector<8xf32> to vector<1x8xf32>
    %add3A_184 = arith.addf %broadcast_in_dim3A_180, %broadcast_in_dim3A_183 : vector<1x8xf32>
    %add3A_185 = arith.constant 2.550000e+02 : f32
    %add3A_186 = vector.broadcast %add3A_185 : f32 to vector<1x8xf32>
    %add3A_187 = arith.addf %add3A_184, %add3A_186 : vector<1x8xf32>
    %mul3A = arith.constant 3.906250e-03 : f32
    %mul3A_188 = vector.broadcast %mul3A : f32 to vector<1x8xf32>
    %mul3A_189 = arith.mulf %add3A_187, %mul3A_188 : vector<1x8xf32>
    %floor3A = math.floor %mul3A_189 : vector<1x8xf32>
    %broadcast_in_dim3A_190 = arith.constant 0.000000e+00 : f32
    %broadcast_in_dim3A_191 = vector.broadcast %broadcast_in_dim3A_190 : f32 to vector<1x1xf32>
    %slice3A_192 = vector.extract_strided_slice %floor3A {offsets = [0, 0], sizes = [1, 7], strides = [1, 1]} : vector<1x8xf32> to vector<1x7xf32>
    %concatenate3A_193 = tpu.concatenate %broadcast_in_dim3A_191, %slice3A_192 in 1 : vector<1x1xf32>, vector<1x7xf32> -> vector<1x8xf32>
    %add3A_194 = arith.addf %floor3A, %concatenate3A_193 : vector<1x8xf32>
    %broadcast_in_dim3A_195 = arith.constant 0.000000e+00 : f32
    %broadcast_in_dim3A_196 = vector.broadcast %broadcast_in_dim3A_195 : f32 to vector<1x2xf32>
    %slice3A_197 = vector.extract_strided_slice %add3A_194 {offsets = [0, 0], sizes = [1, 6], strides = [1, 1]} : vector<1x8xf32> to vector<1x6xf32>
    %concatenate3A_198 = tpu.concatenate %broadcast_in_dim3A_196, %slice3A_197 in 1 : vector<1x2xf32>, vector<1x6xf32> -> vector<1x8xf32>
    %add3A_199 = arith.addf %add3A_194, %concatenate3A_198 : vector<1x8xf32>
    %broadcast_in_dim3A_200 = arith.constant 0.000000e+00 : f32
    %broadcast_in_dim3A_201 = vector.broadcast %broadcast_in_dim3A_200 : f32 to vector<1x4xf32>
    %slice3A_202 = vector.extract_strided_slice %add3A_199 {offsets = [0, 0], sizes = [1, 4], strides = [1, 1]} : vector<1x8xf32> to vector<1x4xf32>
    %concatenate3A_203 = tpu.concatenate %broadcast_in_dim3A_201, %slice3A_202 in 1 : vector<1x4xf32>, vector<1x4xf32> -> vector<1x8xf32>
    %add3A_204 = arith.addf %add3A_199, %concatenate3A_203 : vector<1x8xf32>
    %sub3A_205 = arith.subf %add3A_204, %floor3A : vector<1x8xf32>
    %slice3A_206 = vector.extract_strided_slice %add3A_204 {offsets = [0, 7], sizes = [1, 1], strides = [1, 1]} : vector<1x8xf32> to vector<1x1xf32>
    %mul3A_207 = arith.constant 2.560000e+02 : f32
    %mul3A_208 = vector.broadcast %mul3A_207 : f32 to vector<1x8xf32>
    %mul3A_209 = arith.mulf %sub3A_205, %mul3A_208 : vector<1x8xf32>
    %add3A_210 = vector.broadcast %mul3A_209 : vector<1x8xf32> to vector<2048x8xf32>
    %add3A_211 = arith.addf %add3A_210, %sub3A : vector<2048x8xf32>
    %mul3A_212 = arith.mulf %convert_element_type3A_66, %add3A_211 : vector<2048x8xf32>
    %reduce_sum3A_213 = arith.constant dense<0.000000e+00> : vector<2048xf32>
    %reduce_sum3A_214 = vector.multi_reduction <add>, %mul3A_212, %reduce_sum3A_213 [1] : vector<2048x8xf32> to vector<2048xf32>
    %broadcast_in_dim3A_215 = vector.shape_cast %reduce_sum3A_214 : vector<2048xf32> to vector<2048x1xf32>
    %add3A_216 = arith.addf %mul3A_209, %broadcast_in_dim3A_180 : vector<1x8xf32>
    %add3A_217 = vector.broadcast %add3A_216 : vector<1x8xf32> to vector<2048x8xf32>
    %add3A_218 = arith.addf %add3A_217, %sub3A_177 : vector<2048x8xf32>
    %mul3A_219 = arith.mulf %convert_element_type3A_68, %add3A_218 : vector<2048x8xf32>
    %reduce_sum3A_220 = arith.constant dense<0.000000e+00> : vector<2048xf32>
    %reduce_sum3A_221 = vector.multi_reduction <add>, %mul3A_219, %reduce_sum3A_220 [1] : vector<2048x8xf32> to vector<2048xf32>
    %broadcast_in_dim3A_222 = vector.shape_cast %reduce_sum3A_221 : vector<2048xf32> to vector<2048x1xf32>
    %broadcast_in_dim3A_223 = arith.constant 1.000000e+00 : f32
    %broadcast_in_dim3A_224 = vector.broadcast %broadcast_in_dim3A_223 : f32 to vector<1x8xf32>
    %mul3A_225 = vector.broadcast %broadcast_in_dim3A_215 : vector<2048x1xf32> to vector<2048x8xf32>
    %mul3A_226 = vector.broadcast %broadcast_in_dim3A_224 : vector<1x8xf32> to vector<2048x8xf32>
    %mul3A_227 = arith.mulf %mul3A_225, %mul3A_226 : vector<2048x8xf32>
    %convert_element_type3A_228 = arith.fptosi %mul3A_227 : vector<2048x8xf32> to vector<2048x8xi32>
    %mul3A_229 = vector.broadcast %broadcast_in_dim3A_222 : vector<2048x1xf32> to vector<2048x8xf32>
    %mul3A_230 = vector.broadcast %broadcast_in_dim3A_224 : vector<1x8xf32> to vector<2048x8xf32>
    %mul3A_231 = arith.mulf %mul3A_229, %mul3A_230 : vector<2048x8xf32>
    %convert_element_type3A_232 = arith.fptosi %mul3A_231 : vector<2048x8xf32> to vector<2048x8xi32>
    %broadcast_in_dim3A_233 = vector.shape_cast %sub3A_205 : vector<1x8xf32> to vector<1x8xf32>
    %broadcast_in_dim3A_234 = vector.broadcast %broadcast_in_dim3A_233 : vector<1x8xf32> to vector<24x8xf32>
    %iota3A_235 = tpu.iota {dimensions = array<i32: 0>} : vector<24x8xi32>
    %convert_element_type3A_236 = arith.sitofp %iota3A_235 : vector<24x8xi32> to vector<24x8xf32>
    %le3A = arith.cmpf ole, %broadcast_in_dim3A_234, %convert_element_type3A_236 : vector<24x8xf32>
    %convert_element_type3A_237 = arith.extui %le3A : vector<24x8xi1> to vector<24x8xi32>
    %convert_element_type3A_238 = arith.sitofp %convert_element_type3A_237 : vector<24x8xi32> to vector<24x8xf32>
    %reduce_sum3A_239 = arith.constant dense<0.000000e+00> : vector<24xf32>
    %reduce_sum3A_240 = vector.multi_reduction <add>, %convert_element_type3A_238, %reduce_sum3A_239 [1] : vector<24x8xf32> to vector<24xf32>
    %broadcast_in_dim3A_241 = vector.shape_cast %reduce_sum3A_240 : vector<24xf32> to vector<24x1xf32>
    %sub3A_242 = arith.constant 1.000000e+00 : f32
    %sub3A_243 = vector.broadcast %sub3A_242 : f32 to vector<24x1xf32>
    %sub3A_244 = arith.subf %broadcast_in_dim3A_241, %sub3A_243 : vector<24x1xf32>
    %jit3A_245 = arith.constant 0.000000e+00 : f32
    %jit3A_246 = arith.constant 7.000000e+00 : f32
    %max3A = vector.broadcast %jit3A_245 : f32 to vector<24x1xf32>
    %max3A_247 = arith.maximumf %max3A, %sub3A_244 : vector<24x1xf32>
    %min3A = vector.broadcast %jit3A_246 : f32 to vector<24x1xf32>
    %min3A_248 = arith.minimumf %min3A, %max3A_247 : vector<24x1xf32>
    %broadcast_in_dim3A_249 = vector.shape_cast %min3A_248 : vector<24x1xf32> to vector<24x1xf32>
    %broadcast_in_dim3A_250 = vector.broadcast %broadcast_in_dim3A_249 : vector<24x1xf32> to vector<24x128xf32>
    %broadcast_in_dim3A_251 = vector.shape_cast %slice3A_206 : vector<1x1xf32> to vector<1x1xf32>
    %broadcast_in_dim3A_252 = vector.broadcast %broadcast_in_dim3A_251 : vector<1x1xf32> to vector<24x128xf32>
    %concatenate3A_253 = tpu.concatenate %broadcast_in_dim3A_250, %broadcast_in_dim3A_252 in 0 : vector<24x128xf32>, vector<24x128xf32> -> vector<48x128xf32>
    %convert_element_type3A_254 = arith.fptosi %concatenate3A_253 : vector<48x128xf32> to vector<48x128xi32>
    %swap3A = arith.constant 0 : index
    %swap3A_255 = arith.constant 0 : index
    %swap3A_256 = arith.constant 0 : index
    %swap3A_257 = vector.load %arg4[%swap3A, %swap3A_255, %swap3A_256] : memref<2x2048x8xf32, #tpu.memory_space<vmem>>, vector<1x2048x8xf32>
    %swap3A_258 = vector.shape_cast %swap3A_257 : vector<1x2048x8xf32> to vector<2048x8xf32>
    %swap3A_259 = vector.shape_cast %add3A_65 : vector<2048x8xf32> to vector<1x2048x8xf32>
    tpu.vector_store %arg4[%swap3A, %swap3A_255, %swap3A_256], %swap3A_259 {strides = array<i32>} : memref<2x2048x8xf32, #tpu.memory_space<vmem>>, vector<1x2048x8xf32>,
    %swap3A_260 = arith.constant 0 : index
    %swap3A_261 = arith.constant 0 : index
    %swap3A_262 = arith.constant 0 : index
    %swap3A_263 = vector.load %arg5[%swap3A_260, %swap3A_261, %swap3A_262] : memref<2x2048x8xi32, #tpu.memory_space<vmem>>, vector<1x2048x8xi32>
    %swap3A_264 = vector.shape_cast %swap3A_263 : vector<1x2048x8xi32> to vector<2048x8xi32>
    %swap3A_265 = vector.shape_cast %convert_element_type3A_228 : vector<2048x8xi32> to vector<1x2048x8xi32>
    tpu.vector_store %arg5[%swap3A_260, %swap3A_261, %swap3A_262], %swap3A_265 {strides = array<i32>} : memref<2x2048x8xi32, #tpu.memory_space<vmem>>, vector<1x2048x8xi32>,
    %swap3A_266 = arith.constant 0 : index
    %swap3A_267 = arith.constant 0 : index
    %swap3A_268 = arith.constant 0 : index
    %swap3A_269 = vector.load %arg6[%swap3A_266, %swap3A_267, %swap3A_268] : memref<2x2048x8xi32, #tpu.memory_space<vmem>>, vector<1x2048x8xi32>
    %swap3A_270 = vector.shape_cast %swap3A_269 : vector<1x2048x8xi32> to vector<2048x8xi32>
    %swap3A_271 = vector.shape_cast %convert_element_type3A_232 : vector<2048x8xi32> to vector<1x2048x8xi32>
    tpu.vector_store %arg6[%swap3A_266, %swap3A_267, %swap3A_268], %swap3A_271 {strides = array<i32>} : memref<2x2048x8xi32, #tpu.memory_space<vmem>>, vector<1x2048x8xi32>,
    %swap3A_272 = arith.constant 0 : index
    %swap3A_273 = arith.constant 0 : index
    %swap3A_274 = arith.constant 0 : index
    %swap3A_275 = vector.load %arg7[%swap3A_272, %swap3A_273, %swap3A_274] : memref<2x48x128xi32, #tpu.memory_space<vmem>>, vector<1x48x128xi32>
    %swap3A_276 = vector.shape_cast %swap3A_275 : vector<1x48x128xi32> to vector<48x128xi32>
    %swap3A_277 = vector.shape_cast %convert_element_type3A_254 : vector<48x128xi32> to vector<1x48x128xi32>
    tpu.vector_store %arg7[%swap3A_272, %swap3A_273, %swap3A_274], %swap3A_277 {strides = array<i32>} : memref<2x48x128xi32, #tpu.memory_space<vmem>>, vector<1x48x128xi32>,
    %get3A_278 = arith.constant 0 : index
    %get3A_279 = arith.constant 0 : index
    %get3A_280 = vector.load %arg1[%get3A_278, %get3A_279] : memref<2048x1024xf32, #tpu.memory_space<vmem>>, vector<2048x1024xf32>
    %get3A_281 = arith.constant 0 : index
    %get3A_282 = arith.constant 0 : index
    %get3A_283 = vector.load %arg3[%get3A_281, %get3A_282] : memref<8x1024xf32, #tpu.memory_space<vmem>>, vector<8x1024xf32>
    %dot_general3A_284 = arith.constant dense<0.000000e+00> : vector<2048x8xf32>
    %dot_general3A_285 = tpu.matmul %get3A_280, %get3A_283, %dot_general3A_284 {dimension_numbers = #tpu.dot_dimension_numbers<[1], [1], [0], [0], [0, 0, 1, 0], [], []>, transpose_lhs_hint = false} : vector<2048x1024xf32>, vector<8x1024xf32>, vector<2048x8xf32> -> vector<2048x8xf32>
    %iota3A_286 = tpu.iota {dimensions = array<i32: 1>} : vector<2048x8xi32>
    %reduce_max3A_287 = arith.constant dense<0xFF800000> : vector<2048xf32>
    %reduce_max3A_288 = vector.multi_reduction <maximumf>, %dot_general3A_285, %reduce_max3A_287 [1] : vector<2048x8xf32> to vector<2048xf32>
    %broadcast_in_dim3A_289 = vector.shape_cast %reduce_max3A_288 : vector<2048xf32> to vector<2048x1xf32>
    %eq3A_290 = vector.broadcast %broadcast_in_dim3A_289 : vector<2048x1xf32> to vector<2048x8xf32>
    %eq3A_291 = arith.cmpf oeq, %dot_general3A_285, %eq3A_290 : vector<2048x8xf32>
    %jit3A_292 = arith.constant 8 : i32
    %broadcast_in_dim3A_293 = vector.broadcast %jit3A_292 : i32 to vector<2048x8xi32>
    %select_n3A_294 = arith.select %eq3A_291, %iota3A_286, %broadcast_in_dim3A_293 : vector<2048x8xi1>, vector<2048x8xi32>
    %reduce_min3A_295 = arith.constant dense<2147483647> : vector<2048xi32>
    %reduce_min3A_296 = vector.multi_reduction <minsi>, %select_n3A_294, %reduce_min3A_295 [1] : vector<2048x8xi32> to vector<2048xi32>
    %broadcast_in_dim3A_297 = vector.shape_cast %reduce_min3A_296 : vector<2048xi32> to vector<2048x1xi32>
    %eq3A_298 = vector.broadcast %broadcast_in_dim3A_297 : vector<2048x1xi32> to vector<2048x8xi32>
    %eq3A_299 = arith.cmpi eq, %iota3A_286, %eq3A_298 : vector<2048x8xi32>
    %jit3A_300 = arith.constant 0xFF800000 : f32
    %broadcast_in_dim3A_301 = vector.broadcast %jit3A_300 : f32 to vector<2048x8xf32>
    %select_n3A_302 = arith.select %eq3A_299, %broadcast_in_dim3A_301, %dot_general3A_285 : vector<2048x8xi1>, vector<2048x8xf32>
    %reduce_max3A_303 = arith.constant dense<0xFF800000> : vector<2048xf32>
    %reduce_max3A_304 = vector.multi_reduction <maximumf>, %select_n3A_302, %reduce_max3A_303 [1] : vector<2048x8xf32> to vector<2048xf32>
    %broadcast_in_dim3A_305 = vector.shape_cast %reduce_max3A_304 : vector<2048xf32> to vector<2048x1xf32>
    %eq3A_306 = vector.broadcast %broadcast_in_dim3A_305 : vector<2048x1xf32> to vector<2048x8xf32>
    %eq3A_307 = arith.cmpf oeq, %select_n3A_302, %eq3A_306 : vector<2048x8xf32>
    %jit3A_308 = arith.constant 8 : i32
    %broadcast_in_dim3A_309 = vector.broadcast %jit3A_308 : i32 to vector<2048x8xi32>
    %select_n3A_310 = arith.select %eq3A_307, %iota3A_286, %broadcast_in_dim3A_309 : vector<2048x8xi1>, vector<2048x8xi32>
    %reduce_min3A_311 = arith.constant dense<2147483647> : vector<2048xi32>
    %reduce_min3A_312 = vector.multi_reduction <minsi>, %select_n3A_310, %reduce_min3A_311 [1] : vector<2048x8xi32> to vector<2048xi32>
    %broadcast_in_dim3A_313 = vector.shape_cast %reduce_min3A_312 : vector<2048xi32> to vector<2048x1xi32>
    %eq3A_314 = vector.broadcast %broadcast_in_dim3A_313 : vector<2048x1xi32> to vector<2048x8xi32>
    %eq3A_315 = arith.cmpi eq, %iota3A_286, %eq3A_314 : vector<2048x8xi32>
    %or3A_316 = arith.ori %eq3A_299, %eq3A_315 : vector<2048x8xi1>
    %jit3A_317 = arith.constant 0.000000e+00 : f32
    %broadcast_in_dim3A_318 = vector.broadcast %jit3A_317 : f32 to vector<2048x8xf32>
    %select_n3A_319 = arith.select %or3A_316, %dot_general3A_285, %broadcast_in_dim3A_318 : vector<2048x8xi1>, vector<2048x8xf32>
    %reduce_sum3A_320 = arith.constant dense<0.000000e+00> : vector<2048xf32>
    %reduce_sum3A_321 = vector.multi_reduction <add>, %select_n3A_319, %reduce_sum3A_320 [1] : vector<2048x8xf32> to vector<2048xf32>
    %broadcast_in_dim3A_322 = vector.shape_cast %reduce_sum3A_321 : vector<2048xf32> to vector<2048x1xf32>
    %add3A_323 = arith.constant 9.99999971E-10 : f32
    %add3A_324 = vector.broadcast %add3A_323 : f32 to vector<2048x1xf32>
    %add3A_325 = arith.addf %broadcast_in_dim3A_322, %add3A_324 : vector<2048x1xf32>
    %div3A_326 = vector.broadcast %add3A_325 : vector<2048x1xf32> to vector<2048x8xf32>
    %div3A_327 = arith.divf %select_n3A_319, %div3A_326 : vector<2048x8xf32>
    %jit3A_328 = arith.constant 0.000000e+00 : f32
    %broadcast_in_dim3A_329 = vector.broadcast %jit3A_328 : f32 to vector<2048x8xf32>
    %select_n3A_330 = arith.select %eq3A_299, %div3A_327, %broadcast_in_dim3A_329 : vector<2048x8xi1>, vector<2048x8xf32>
    %reduce_sum3A_331 = arith.constant dense<0.000000e+00> : vector<2048xf32>
    %reduce_sum3A_332 = vector.multi_reduction <add>, %select_n3A_330, %reduce_sum3A_331 [1] : vector<2048x8xf32> to vector<2048xf32>
    %broadcast_in_dim3A_333 = vector.shape_cast %reduce_sum3A_332 : vector<2048xf32> to vector<2048x1xf32>
    %jit3A_334 = arith.constant 0.000000e+00 : f32
    %broadcast_in_dim3A_335 = vector.broadcast %jit3A_334 : f32 to vector<2048x8xf32>
    %select_n3A_336 = arith.select %eq3A_315, %div3A_327, %broadcast_in_dim3A_335 : vector<2048x8xi1>, vector<2048x8xf32>
    %reduce_sum3A_337 = arith.constant dense<0.000000e+00> : vector<2048xf32>
    %reduce_sum3A_338 = vector.multi_reduction <add>, %select_n3A_336, %reduce_sum3A_337 [1] : vector<2048x8xf32> to vector<2048xf32>
    %broadcast_in_dim3A_339 = vector.shape_cast %reduce_sum3A_338 : vector<2048xf32> to vector<2048x1xf32>
    %eq3A_340 = arith.constant 0 : i32
    %eq3A_341 = vector.broadcast %eq3A_340 : i32 to vector<2048x8xi32>
    %eq3A_342 = arith.cmpi eq, %iota3A_286, %eq3A_341 : vector<2048x8xi32>
    %jit3A_343 = arith.constant 0.000000e+00 : f32
    %broadcast_in_dim3A_344 = vector.shape_cast %broadcast_in_dim3A_333 : vector<2048x1xf32> to vector<2048x1xf32>
    %broadcast_in_dim3A_345 = vector.broadcast %broadcast_in_dim3A_344 : vector<2048x1xf32> to vector<2048x8xf32>
    %broadcast_in_dim3A_346 = vector.broadcast %jit3A_343 : f32 to vector<2048x8xf32>
    %select_n3A_347 = arith.select %eq3A_342, %broadcast_in_dim3A_345, %broadcast_in_dim3A_346 : vector<2048x8xi1>, vector<2048x8xf32>
    %eq3A_348 = arith.constant 1 : i32
    %eq3A_349 = vector.broadcast %eq3A_348 : i32 to vector<2048x8xi32>
    %eq3A_350 = arith.cmpi eq, %iota3A_286, %eq3A_349 : vector<2048x8xi32>
    %jit3A_351 = arith.constant 0.000000e+00 : f32
    %broadcast_in_dim3A_352 = vector.shape_cast %broadcast_in_dim3A_339 : vector<2048x1xf32> to vector<2048x1xf32>
    %broadcast_in_dim3A_353 = vector.broadcast %broadcast_in_dim3A_352 : vector<2048x1xf32> to vector<2048x8xf32>
    %broadcast_in_dim3A_354 = vector.broadcast %jit3A_351 : f32 to vector<2048x8xf32>
    %select_n3A_355 = arith.select %eq3A_350, %broadcast_in_dim3A_353, %broadcast_in_dim3A_354 : vector<2048x8xi1>, vector<2048x8xf32>
    %add3A_356 = arith.addf %select_n3A_347, %select_n3A_355 : vector<2048x8xf32>
    %convert_element_type3A_357 = arith.extui %eq3A_299 : vector<2048x8xi1> to vector<2048x8xi32>
    %convert_element_type3A_358 = arith.sitofp %convert_element_type3A_357 : vector<2048x8xi32> to vector<2048x8xf32>
    %convert_element_type3A_359 = arith.extui %eq3A_315 : vector<2048x8xi1> to vector<2048x8xi32>
    %convert_element_type3A_360 = arith.sitofp %convert_element_type3A_359 : vector<2048x8xi32> to vector<2048x8xf32>
    %broadcast_in_dim3A_361 = arith.constant 0.000000e+00 : f32
    %broadcast_in_dim3A_362 = vector.broadcast %broadcast_in_dim3A_361 : f32 to vector<1x8xf32>
    %slice3A_363 = vector.extract_strided_slice %convert_element_type3A_358 {offsets = [0, 0], sizes = [2047, 8], strides = [1, 1]} : vector<2048x8xf32> to vector<2047x8xf32>
    %concatenate3A_364 = tpu.concatenate %broadcast_in_dim3A_362, %slice3A_363 in 0 : vector<1x8xf32>, vector<2047x8xf32> -> vector<2048x8xf32>
    %add3A_365 = arith.addf %convert_element_type3A_358, %concatenate3A_364 : vector<2048x8xf32>
    %broadcast_in_dim3A_366 = arith.constant 0.000000e+00 : f32
    %broadcast_in_dim3A_367 = vector.broadcast %broadcast_in_dim3A_366 : f32 to vector<1x8xf32>
    %slice3A_368 = vector.extract_strided_slice %convert_element_type3A_360 {offsets = [0, 0], sizes = [2047, 8], strides = [1, 1]} : vector<2048x8xf32> to vector<2047x8xf32>
    %concatenate3A_369 = tpu.concatenate %broadcast_in_dim3A_367, %slice3A_368 in 0 : vector<1x8xf32>, vector<2047x8xf32> -> vector<2048x8xf32>
    %add3A_370 = arith.addf %convert_element_type3A_360, %concatenate3A_369 : vector<2048x8xf32>
    %broadcast_in_dim3A_371 = arith.constant 0.000000e+00 : f32
    %broadcast_in_dim3A_372 = vector.broadcast %broadcast_in_dim3A_371 : f32 to vector<2x8xf32>
    %slice3A_373 = vector.extract_strided_slice %add3A_365 {offsets = [0, 0], sizes = [2046, 8], strides = [1, 1]} : vector<2048x8xf32> to vector<2046x8xf32>
    %concatenate3A_374 = tpu.concatenate %broadcast_in_dim3A_372, %slice3A_373 in 0 : vector<2x8xf32>, vector<2046x8xf32> -> vector<2048x8xf32>
    %add3A_375 = arith.addf %add3A_365, %concatenate3A_374 : vector<2048x8xf32>
    %broadcast_in_dim3A_376 = arith.constant 0.000000e+00 : f32
    %broadcast_in_dim3A_377 = vector.broadcast %broadcast_in_dim3A_376 : f32 to vector<2x8xf32>
    %slice3A_378 = vector.extract_strided_slice %add3A_370 {offsets = [0, 0], sizes = [2046, 8], strides = [1, 1]} : vector<2048x8xf32> to vector<2046x8xf32>
    %concatenate3A_379 = tpu.concatenate %broadcast_in_dim3A_377, %slice3A_378 in 0 : vector<2x8xf32>, vector<2046x8xf32> -> vector<2048x8xf32>
    %add3A_380 = arith.addf %add3A_370, %concatenate3A_379 : vector<2048x8xf32>
    %broadcast_in_dim3A_381 = arith.constant 0.000000e+00 : f32
    %broadcast_in_dim3A_382 = vector.broadcast %broadcast_in_dim3A_381 : f32 to vector<4x8xf32>
    %slice3A_383 = vector.extract_strided_slice %add3A_375 {offsets = [0, 0], sizes = [2044, 8], strides = [1, 1]} : vector<2048x8xf32> to vector<2044x8xf32>
    %concatenate3A_384 = tpu.concatenate %broadcast_in_dim3A_382, %slice3A_383 in 0 : vector<4x8xf32>, vector<2044x8xf32> -> vector<2048x8xf32>
    %add3A_385 = arith.addf %add3A_375, %concatenate3A_384 : vector<2048x8xf32>
    %broadcast_in_dim3A_386 = arith.constant 0.000000e+00 : f32
    %broadcast_in_dim3A_387 = vector.broadcast %broadcast_in_dim3A_386 : f32 to vector<4x8xf32>
    %slice3A_388 = vector.extract_strided_slice %add3A_380 {offsets = [0, 0], sizes = [2044, 8], strides = [1, 1]} : vector<2048x8xf32> to vector<2044x8xf32>
    %concatenate3A_389 = tpu.concatenate %broadcast_in_dim3A_387, %slice3A_388 in 0 : vector<4x8xf32>, vector<2044x8xf32> -> vector<2048x8xf32>
    %add3A_390 = arith.addf %add3A_380, %concatenate3A_389 : vector<2048x8xf32>
    %broadcast_in_dim3A_391 = arith.constant 0.000000e+00 : f32
    %broadcast_in_dim3A_392 = vector.broadcast %broadcast_in_dim3A_391 : f32 to vector<8x8xf32>
    %slice3A_393 = vector.extract_strided_slice %add3A_385 {offsets = [0, 0], sizes = [2040, 8], strides = [1, 1]} : vector<2048x8xf32> to vector<2040x8xf32>
    %concatenate3A_394 = tpu.concatenate %broadcast_in_dim3A_392, %slice3A_393 in 0 : vector<8x8xf32>, vector<2040x8xf32> -> vector<2048x8xf32>
    %add3A_395 = arith.addf %add3A_385, %concatenate3A_394 : vector<2048x8xf32>
    %broadcast_in_dim3A_396 = arith.constant 0.000000e+00 : f32
    %broadcast_in_dim3A_397 = vector.broadcast %broadcast_in_dim3A_396 : f32 to vector<8x8xf32>
    %slice3A_398 = vector.extract_strided_slice %add3A_390 {offsets = [0, 0], sizes = [2040, 8], strides = [1, 1]} : vector<2048x8xf32> to vector<2040x8xf32>
    %concatenate3A_399 = tpu.concatenate %broadcast_in_dim3A_397, %slice3A_398 in 0 : vector<8x8xf32>, vector<2040x8xf32> -> vector<2048x8xf32>
    %add3A_400 = arith.addf %add3A_390, %concatenate3A_399 : vector<2048x8xf32>
    %broadcast_in_dim3A_401 = arith.constant 0.000000e+00 : f32
    %broadcast_in_dim3A_402 = vector.broadcast %broadcast_in_dim3A_401 : f32 to vector<16x8xf32>
    %slice3A_403 = vector.extract_strided_slice %add3A_395 {offsets = [0, 0], sizes = [2032, 8], strides = [1, 1]} : vector<2048x8xf32> to vector<2032x8xf32>
    %concatenate3A_404 = tpu.concatenate %broadcast_in_dim3A_402, %slice3A_403 in 0 : vector<16x8xf32>, vector<2032x8xf32> -> vector<2048x8xf32>
    %add3A_405 = arith.addf %add3A_395, %concatenate3A_404 : vector<2048x8xf32>
    %broadcast_in_dim3A_406 = arith.constant 0.000000e+00 : f32
    %broadcast_in_dim3A_407 = vector.broadcast %broadcast_in_dim3A_406 : f32 to vector<16x8xf32>
    %slice3A_408 = vector.extract_strided_slice %add3A_400 {offsets = [0, 0], sizes = [2032, 8], strides = [1, 1]} : vector<2048x8xf32> to vector<2032x8xf32>
    %concatenate3A_409 = tpu.concatenate %broadcast_in_dim3A_407, %slice3A_408 in 0 : vector<16x8xf32>, vector<2032x8xf32> -> vector<2048x8xf32>
    %add3A_410 = arith.addf %add3A_400, %concatenate3A_409 : vector<2048x8xf32>
    %broadcast_in_dim3A_411 = arith.constant 0.000000e+00 : f32
    %broadcast_in_dim3A_412 = vector.broadcast %broadcast_in_dim3A_411 : f32 to vector<32x8xf32>
    %slice3A_413 = vector.extract_strided_slice %add3A_405 {offsets = [0, 0], sizes = [2016, 8], strides = [1, 1]} : vector<2048x8xf32> to vector<2016x8xf32>
    %concatenate3A_414 = tpu.concatenate %broadcast_in_dim3A_412, %slice3A_413 in 0 : vector<32x8xf32>, vector<2016x8xf32> -> vector<2048x8xf32>
    %add3A_415 = arith.addf %add3A_405, %concatenate3A_414 : vector<2048x8xf32>
    %broadcast_in_dim3A_416 = arith.constant 0.000000e+00 : f32
    %broadcast_in_dim3A_417 = vector.broadcast %broadcast_in_dim3A_416 : f32 to vector<32x8xf32>
    %slice3A_418 = vector.extract_strided_slice %add3A_410 {offsets = [0, 0], sizes = [2016, 8], strides = [1, 1]} : vector<2048x8xf32> to vector<2016x8xf32>
    %concatenate3A_419 = tpu.concatenate %broadcast_in_dim3A_417, %slice3A_418 in 0 : vector<32x8xf32>, vector<2016x8xf32> -> vector<2048x8xf32>
    %add3A_420 = arith.addf %add3A_410, %concatenate3A_419 : vector<2048x8xf32>
    %broadcast_in_dim3A_421 = arith.constant 0.000000e+00 : f32
    %broadcast_in_dim3A_422 = vector.broadcast %broadcast_in_dim3A_421 : f32 to vector<64x8xf32>
    %slice3A_423 = vector.extract_strided_slice %add3A_415 {offsets = [0, 0], sizes = [1984, 8], strides = [1, 1]} : vector<2048x8xf32> to vector<1984x8xf32>
    %concatenate3A_424 = tpu.concatenate %broadcast_in_dim3A_422, %slice3A_423 in 0 : vector<64x8xf32>, vector<1984x8xf32> -> vector<2048x8xf32>
    %add3A_425 = arith.addf %add3A_415, %concatenate3A_424 : vector<2048x8xf32>
    %broadcast_in_dim3A_426 = arith.constant 0.000000e+00 : f32
    %broadcast_in_dim3A_427 = vector.broadcast %broadcast_in_dim3A_426 : f32 to vector<64x8xf32>
    %slice3A_428 = vector.extract_strided_slice %add3A_420 {offsets = [0, 0], sizes = [1984, 8], strides = [1, 1]} : vector<2048x8xf32> to vector<1984x8xf32>
    %concatenate3A_429 = tpu.concatenate %broadcast_in_dim3A_427, %slice3A_428 in 0 : vector<64x8xf32>, vector<1984x8xf32> -> vector<2048x8xf32>
    %add3A_430 = arith.addf %add3A_420, %concatenate3A_429 : vector<2048x8xf32>
    %broadcast_in_dim3A_431 = arith.constant 0.000000e+00 : f32
    %broadcast_in_dim3A_432 = vector.broadcast %broadcast_in_dim3A_431 : f32 to vector<128x8xf32>
    %slice3A_433 = vector.extract_strided_slice %add3A_425 {offsets = [0, 0], sizes = [1920, 8], strides = [1, 1]} : vector<2048x8xf32> to vector<1920x8xf32>
    %concatenate3A_434 = tpu.concatenate %broadcast_in_dim3A_432, %slice3A_433 in 0 : vector<128x8xf32>, vector<1920x8xf32> -> vector<2048x8xf32>
    %add3A_435 = arith.addf %add3A_425, %concatenate3A_434 : vector<2048x8xf32>
    %broadcast_in_dim3A_436 = arith.constant 0.000000e+00 : f32
    %broadcast_in_dim3A_437 = vector.broadcast %broadcast_in_dim3A_436 : f32 to vector<128x8xf32>
    %slice3A_438 = vector.extract_strided_slice %add3A_430 {offsets = [0, 0], sizes = [1920, 8], strides = [1, 1]} : vector<2048x8xf32> to vector<1920x8xf32>
    %concatenate3A_439 = tpu.concatenate %broadcast_in_dim3A_437, %slice3A_438 in 0 : vector<128x8xf32>, vector<1920x8xf32> -> vector<2048x8xf32>
    %add3A_440 = arith.addf %add3A_430, %concatenate3A_439 : vector<2048x8xf32>
    %broadcast_in_dim3A_441 = arith.constant 0.000000e+00 : f32
    %broadcast_in_dim3A_442 = vector.broadcast %broadcast_in_dim3A_441 : f32 to vector<256x8xf32>
    %slice3A_443 = vector.extract_strided_slice %add3A_435 {offsets = [0, 0], sizes = [1792, 8], strides = [1, 1]} : vector<2048x8xf32> to vector<1792x8xf32>
    %concatenate3A_444 = tpu.concatenate %broadcast_in_dim3A_442, %slice3A_443 in 0 : vector<256x8xf32>, vector<1792x8xf32> -> vector<2048x8xf32>
    %add3A_445 = arith.addf %add3A_435, %concatenate3A_444 : vector<2048x8xf32>
    %broadcast_in_dim3A_446 = arith.constant 0.000000e+00 : f32
    %broadcast_in_dim3A_447 = vector.broadcast %broadcast_in_dim3A_446 : f32 to vector<256x8xf32>
    %slice3A_448 = vector.extract_strided_slice %add3A_440 {offsets = [0, 0], sizes = [1792, 8], strides = [1, 1]} : vector<2048x8xf32> to vector<1792x8xf32>
    %concatenate3A_449 = tpu.concatenate %broadcast_in_dim3A_447, %slice3A_448 in 0 : vector<256x8xf32>, vector<1792x8xf32> -> vector<2048x8xf32>
    %add3A_450 = arith.addf %add3A_440, %concatenate3A_449 : vector<2048x8xf32>
    %broadcast_in_dim3A_451 = arith.constant 0.000000e+00 : f32
    %broadcast_in_dim3A_452 = vector.broadcast %broadcast_in_dim3A_451 : f32 to vector<512x8xf32>
    %slice3A_453 = vector.extract_strided_slice %add3A_445 {offsets = [0, 0], sizes = [1536, 8], strides = [1, 1]} : vector<2048x8xf32> to vector<1536x8xf32>
    %concatenate3A_454 = tpu.concatenate %broadcast_in_dim3A_452, %slice3A_453 in 0 : vector<512x8xf32>, vector<1536x8xf32> -> vector<2048x8xf32>
    %add3A_455 = arith.addf %add3A_445, %concatenate3A_454 : vector<2048x8xf32>
    %broadcast_in_dim3A_456 = arith.constant 0.000000e+00 : f32
    %broadcast_in_dim3A_457 = vector.broadcast %broadcast_in_dim3A_456 : f32 to vector<512x8xf32>
    %slice3A_458 = vector.extract_strided_slice %add3A_450 {offsets = [0, 0], sizes = [1536, 8], strides = [1, 1]} : vector<2048x8xf32> to vector<1536x8xf32>
    %concatenate3A_459 = tpu.concatenate %broadcast_in_dim3A_457, %slice3A_458 in 0 : vector<512x8xf32>, vector<1536x8xf32> -> vector<2048x8xf32>
    %add3A_460 = arith.addf %add3A_450, %concatenate3A_459 : vector<2048x8xf32>
    %broadcast_in_dim3A_461 = arith.constant 0.000000e+00 : f32
    %broadcast_in_dim3A_462 = vector.broadcast %broadcast_in_dim3A_461 : f32 to vector<1024x8xf32>
    %slice3A_463 = vector.extract_strided_slice %add3A_455 {offsets = [0, 0], sizes = [1024, 8], strides = [1, 1]} : vector<2048x8xf32> to vector<1024x8xf32>
    %concatenate3A_464 = tpu.concatenate %broadcast_in_dim3A_462, %slice3A_463 in 0 : vector<1024x8xf32>, vector<1024x8xf32> -> vector<2048x8xf32>
    %add3A_465 = arith.addf %add3A_455, %concatenate3A_464 : vector<2048x8xf32>
    %broadcast_in_dim3A_466 = arith.constant 0.000000e+00 : f32
    %broadcast_in_dim3A_467 = vector.broadcast %broadcast_in_dim3A_466 : f32 to vector<1024x8xf32>
    %slice3A_468 = vector.extract_strided_slice %add3A_460 {offsets = [0, 0], sizes = [1024, 8], strides = [1, 1]} : vector<2048x8xf32> to vector<1024x8xf32>
    %concatenate3A_469 = tpu.concatenate %broadcast_in_dim3A_467, %slice3A_468 in 0 : vector<1024x8xf32>, vector<1024x8xf32> -> vector<2048x8xf32>
    %add3A_470 = arith.addf %add3A_460, %concatenate3A_469 : vector<2048x8xf32>
    %sub3A_471 = arith.subf %add3A_465, %convert_element_type3A_358 : vector<2048x8xf32>
    %sub3A_472 = arith.subf %add3A_470, %convert_element_type3A_360 : vector<2048x8xf32>
    %reduce_max3A_473 = arith.constant dense<0xFF800000> : vector<8xf32>
    %reduce_max3A_474 = vector.multi_reduction <maximumf>, %add3A_465, %reduce_max3A_473 [0] : vector<2048x8xf32> to vector<8xf32>
    %broadcast_in_dim3A_475 = vector.shape_cast %reduce_max3A_474 : vector<8xf32> to vector<1x8xf32>
    %reduce_max3A_476 = arith.constant dense<0xFF800000> : vector<8xf32>
    %reduce_max3A_477 = vector.multi_reduction <maximumf>, %add3A_470, %reduce_max3A_476 [0] : vector<2048x8xf32> to vector<8xf32>
    %broadcast_in_dim3A_478 = vector.shape_cast %reduce_max3A_477 : vector<8xf32> to vector<1x8xf32>
    %add3A_479 = arith.addf %broadcast_in_dim3A_475, %broadcast_in_dim3A_478 : vector<1x8xf32>
    %add3A_480 = arith.constant 2.550000e+02 : f32
    %add3A_481 = vector.broadcast %add3A_480 : f32 to vector<1x8xf32>
    %add3A_482 = arith.addf %add3A_479, %add3A_481 : vector<1x8xf32>
    %mul3A_483 = arith.constant 3.906250e-03 : f32
    %mul3A_484 = vector.broadcast %mul3A_483 : f32 to vector<1x8xf32>
    %mul3A_485 = arith.mulf %add3A_482, %mul3A_484 : vector<1x8xf32>
    %floor3A_486 = math.floor %mul3A_485 : vector<1x8xf32>
    %broadcast_in_dim3A_487 = arith.constant 0.000000e+00 : f32
    %broadcast_in_dim3A_488 = vector.broadcast %broadcast_in_dim3A_487 : f32 to vector<1x1xf32>
    %slice3A_489 = vector.extract_strided_slice %floor3A_486 {offsets = [0, 0], sizes = [1, 7], strides = [1, 1]} : vector<1x8xf32> to vector<1x7xf32>
    %concatenate3A_490 = tpu.concatenate %broadcast_in_dim3A_488, %slice3A_489 in 1 : vector<1x1xf32>, vector<1x7xf32> -> vector<1x8xf32>
    %add3A_491 = arith.addf %floor3A_486, %concatenate3A_490 : vector<1x8xf32>
    %broadcast_in_dim3A_492 = arith.constant 0.000000e+00 : f32
    %broadcast_in_dim3A_493 = vector.broadcast %broadcast_in_dim3A_492 : f32 to vector<1x2xf32>
    %slice3A_494 = vector.extract_strided_slice %add3A_491 {offsets = [0, 0], sizes = [1, 6], strides = [1, 1]} : vector<1x8xf32> to vector<1x6xf32>
    %concatenate3A_495 = tpu.concatenate %broadcast_in_dim3A_493, %slice3A_494 in 1 : vector<1x2xf32>, vector<1x6xf32> -> vector<1x8xf32>
    %add3A_496 = arith.addf %add3A_491, %concatenate3A_495 : vector<1x8xf32>
    %broadcast_in_dim3A_497 = arith.constant 0.000000e+00 : f32
    %broadcast_in_dim3A_498 = vector.broadcast %broadcast_in_dim3A_497 : f32 to vector<1x4xf32>
    %slice3A_499 = vector.extract_strided_slice %add3A_496 {offsets = [0, 0], sizes = [1, 4], strides = [1, 1]} : vector<1x8xf32> to vector<1x4xf32>
    %concatenate3A_500 = tpu.concatenate %broadcast_in_dim3A_498, %slice3A_499 in 1 : vector<1x4xf32>, vector<1x4xf32> -> vector<1x8xf32>
    %add3A_501 = arith.addf %add3A_496, %concatenate3A_500 : vector<1x8xf32>
    %sub3A_502 = arith.subf %add3A_501, %floor3A_486 : vector<1x8xf32>
    %slice3A_503 = vector.extract_strided_slice %add3A_501 {offsets = [0, 7], sizes = [1, 1], strides = [1, 1]} : vector<1x8xf32> to vector<1x1xf32>
    %mul3A_504 = arith.constant 2.560000e+02 : f32
    %mul3A_505 = vector.broadcast %mul3A_504 : f32 to vector<1x8xf32>
    %mul3A_506 = arith.mulf %sub3A_502, %mul3A_505 : vector<1x8xf32>
    %add3A_507 = vector.broadcast %mul3A_506 : vector<1x8xf32> to vector<2048x8xf32>
    %add3A_508 = arith.addf %add3A_507, %sub3A_471 : vector<2048x8xf32>
    %mul3A_509 = arith.mulf %convert_element_type3A_358, %add3A_508 : vector<2048x8xf32>
    %reduce_sum3A_510 = arith.constant dense<0.000000e+00> : vector<2048xf32>
    %reduce_sum3A_511 = vector.multi_reduction <add>, %mul3A_509, %reduce_sum3A_510 [1] : vector<2048x8xf32> to vector<2048xf32>
    %broadcast_in_dim3A_512 = vector.shape_cast %reduce_sum3A_511 : vector<2048xf32> to vector<2048x1xf32>
    %add3A_513 = arith.addf %mul3A_506, %broadcast_in_dim3A_475 : vector<1x8xf32>
    %add3A_514 = vector.broadcast %add3A_513 : vector<1x8xf32> to vector<2048x8xf32>
    %add3A_515 = arith.addf %add3A_514, %sub3A_472 : vector<2048x8xf32>
    %mul3A_516 = arith.mulf %convert_element_type3A_360, %add3A_515 : vector<2048x8xf32>
    %reduce_sum3A_517 = arith.constant dense<0.000000e+00> : vector<2048xf32>
    %reduce_sum3A_518 = vector.multi_reduction <add>, %mul3A_516, %reduce_sum3A_517 [1] : vector<2048x8xf32> to vector<2048xf32>
    %broadcast_in_dim3A_519 = vector.shape_cast %reduce_sum3A_518 : vector<2048xf32> to vector<2048x1xf32>
    %broadcast_in_dim3A_520 = arith.constant 1.000000e+00 : f32
    %broadcast_in_dim3A_521 = vector.broadcast %broadcast_in_dim3A_520 : f32 to vector<1x8xf32>
    %mul3A_522 = vector.broadcast %broadcast_in_dim3A_512 : vector<2048x1xf32> to vector<2048x8xf32>
    %mul3A_523 = vector.broadcast %broadcast_in_dim3A_521 : vector<1x8xf32> to vector<2048x8xf32>
    %mul3A_524 = arith.mulf %mul3A_522, %mul3A_523 : vector<2048x8xf32>
    %convert_element_type3A_525 = arith.fptosi %mul3A_524 : vector<2048x8xf32> to vector<2048x8xi32>
    %mul3A_526 = vector.broadcast %broadcast_in_dim3A_519 : vector<2048x1xf32> to vector<2048x8xf32>
    %mul3A_527 = vector.broadcast %broadcast_in_dim3A_521 : vector<1x8xf32> to vector<2048x8xf32>
    %mul3A_528 = arith.mulf %mul3A_526, %mul3A_527 : vector<2048x8xf32>
    %convert_element_type3A_529 = arith.fptosi %mul3A_528 : vector<2048x8xf32> to vector<2048x8xi32>
    %broadcast_in_dim3A_530 = vector.shape_cast %sub3A_502 : vector<1x8xf32> to vector<1x8xf32>
    %broadcast_in_dim3A_531 = vector.broadcast %broadcast_in_dim3A_530 : vector<1x8xf32> to vector<24x8xf32>
    %iota3A_532 = tpu.iota {dimensions = array<i32: 0>} : vector<24x8xi32>
    %convert_element_type3A_533 = arith.sitofp %iota3A_532 : vector<24x8xi32> to vector<24x8xf32>
    %le3A_534 = arith.cmpf ole, %broadcast_in_dim3A_531, %convert_element_type3A_533 : vector<24x8xf32>
    %convert_element_type3A_535 = arith.extui %le3A_534 : vector<24x8xi1> to vector<24x8xi32>
    %convert_element_type3A_536 = arith.sitofp %convert_element_type3A_535 : vector<24x8xi32> to vector<24x8xf32>
    %reduce_sum3A_537 = arith.constant dense<0.000000e+00> : vector<24xf32>
    %reduce_sum3A_538 = vector.multi_reduction <add>, %convert_element_type3A_536, %reduce_sum3A_537 [1] : vector<24x8xf32> to vector<24xf32>
    %broadcast_in_dim3A_539 = vector.shape_cast %reduce_sum3A_538 : vector<24xf32> to vector<24x1xf32>
    %sub3A_540 = arith.constant 1.000000e+00 : f32
    %sub3A_541 = vector.broadcast %sub3A_540 : f32 to vector<24x1xf32>
    %sub3A_542 = arith.subf %broadcast_in_dim3A_539, %sub3A_541 : vector<24x1xf32>
    %jit3A_543 = arith.constant 0.000000e+00 : f32
    %jit3A_544 = arith.constant 7.000000e+00 : f32
    %max3A_545 = vector.broadcast %jit3A_543 : f32 to vector<24x1xf32>
    %max3A_546 = arith.maximumf %max3A_545, %sub3A_542 : vector<24x1xf32>
    %min3A_547 = vector.broadcast %jit3A_544 : f32 to vector<24x1xf32>
    %min3A_548 = arith.minimumf %min3A_547, %max3A_546 : vector<24x1xf32>
    %broadcast_in_dim3A_549 = vector.shape_cast %min3A_548 : vector<24x1xf32> to vector<24x1xf32>
    %broadcast_in_dim3A_550 = vector.broadcast %broadcast_in_dim3A_549 : vector<24x1xf32> to vector<24x128xf32>
    %broadcast_in_dim3A_551 = vector.shape_cast %slice3A_503 : vector<1x1xf32> to vector<1x1xf32>
    %broadcast_in_dim3A_552 = vector.broadcast %broadcast_in_dim3A_551 : vector<1x1xf32> to vector<24x128xf32>
    %concatenate3A_553 = tpu.concatenate %broadcast_in_dim3A_550, %broadcast_in_dim3A_552 in 0 : vector<24x128xf32>, vector<24x128xf32> -> vector<48x128xf32>
    %convert_element_type3A_554 = arith.fptosi %concatenate3A_553 : vector<48x128xf32> to vector<48x128xi32>
    %swap3A_555 = arith.constant 1 : index
    %swap3A_556 = arith.constant 0 : index
    %swap3A_557 = arith.constant 0 : index
    %swap3A_558 = vector.load %arg4[%swap3A_555, %swap3A_556, %swap3A_557] : memref<2x2048x8xf32, #tpu.memory_space<vmem>>, vector<1x2048x8xf32>
    %swap3A_559 = vector.shape_cast %swap3A_558 : vector<1x2048x8xf32> to vector<2048x8xf32>
    %swap3A_560 = vector.shape_cast %add3A_356 : vector<2048x8xf32> to vector<1x2048x8xf32>
    tpu.vector_store %arg4[%swap3A_555, %swap3A_556, %swap3A_557], %swap3A_560 {strides = array<i32>} : memref<2x2048x8xf32, #tpu.memory_space<vmem>>, vector<1x2048x8xf32>,
    %swap3A_561 = arith.constant 1 : index
    %swap3A_562 = arith.constant 0 : index
    %swap3A_563 = arith.constant 0 : index
    %swap3A_564 = vector.load %arg5[%swap3A_561, %swap3A_562, %swap3A_563] : memref<2x2048x8xi32, #tpu.memory_space<vmem>>, vector<1x2048x8xi32>
    %swap3A_565 = vector.shape_cast %swap3A_564 : vector<1x2048x8xi32> to vector<2048x8xi32>
    %swap3A_566 = vector.shape_cast %convert_element_type3A_525 : vector<2048x8xi32> to vector<1x2048x8xi32>
    tpu.vector_store %arg5[%swap3A_561, %swap3A_562, %swap3A_563], %swap3A_566 {strides = array<i32>} : memref<2x2048x8xi32, #tpu.memory_space<vmem>>, vector<1x2048x8xi32>,
    %swap3A_567 = arith.constant 1 : index
    %swap3A_568 = arith.constant 0 : index
    %swap3A_569 = arith.constant 0 : index
    %swap3A_570 = vector.load %arg6[%swap3A_567, %swap3A_568, %swap3A_569] : memref<2x2048x8xi32, #tpu.memory_space<vmem>>, vector<1x2048x8xi32>
    %swap3A_571 = vector.shape_cast %swap3A_570 : vector<1x2048x8xi32> to vector<2048x8xi32>
    %swap3A_572 = vector.shape_cast %convert_element_type3A_529 : vector<2048x8xi32> to vector<1x2048x8xi32>
    tpu.vector_store %arg6[%swap3A_567, %swap3A_568, %swap3A_569], %swap3A_572 {strides = array<i32>} : memref<2x2048x8xi32, #tpu.memory_space<vmem>>, vector<1x2048x8xi32>,
    %swap3A_573 = arith.constant 1 : index
    %swap3A_574 = arith.constant 0 : index
    %swap3A_575 = arith.constant 0 : index
    %swap3A_576 = vector.load %arg7[%swap3A_573, %swap3A_574, %swap3A_575] : memref<2x48x128xi32, #tpu.memory_space<vmem>>, vector<1x48x128xi32>
    %swap3A_577 = vector.shape_cast %swap3A_576 : vector<1x48x128xi32> to vector<48x128xi32>
    %swap3A_578 = vector.shape_cast %convert_element_type3A_554 : vector<48x128xi32> to vector<1x48x128xi32>
    tpu.vector_store %arg7[%swap3A_573, %swap3A_574, %swap3A_575], %swap3A_578 {strides = array<i32>} : memref<2x48x128xi32, #tpu.memory_space<vmem>>, vector<1x48x128xi32>,
    return
  }
}

module attributes {stable_mosaic.version = 14 : i64} {
  func.func @_gmm_kernel(%arg0: i32, %arg1: memref<25xi32, #tpu.memory_space<smem>>, %arg2: memref<256x1024xf32, #tpu.memory_space<vmem>>, %arg3: memref<1x1024x1024xf32, #tpu.memory_space<vmem>>, %arg4: memref<256x1024xf32, #tpu.memory_space<vmem>>) attributes {dimension_semantics = [#tpu.dimension_semantics<arbitrary>], iteration_bounds = array<i64: 24>, scalar_prefetch = 1 : i64, scratch_operands = 0 : i64, tpu.core_type = #tpu.core_type<tc>, window_params = [{transform_indices = @transform_0, window_bounds = array<i64: 256, 1024>}, {transform_indices = @transform_1, window_bounds = array<i64: 1, 1024, 1024>}, {transform_indices = @transform_2, window_bounds = array<i64: 256, 1024>}]} {
    %get3A = arith.constant 24 : index
    %get3A_0 = memref.load %arg1[%get3A] : memref<25xi32, #tpu.memory_space<smem>>
    %lt3A = arith.cmpi slt, %arg0, %get3A_0 : i32
    %convert_element_type3A = arith.extui %lt3A : i1 to i32
    %cond3A = arith.constant 0 : i32
    %cond3A_1 = arith.cmpi ne, %convert_element_type3A, %cond3A : i32
    scf.if %cond3A_1 {
      %get3A_2 = arith.constant 0 : index
      %get3A_3 = arith.constant 0 : index
      %get3A_4 = vector.load %arg2[%get3A_2, %get3A_3] : memref<256x1024xf32, #tpu.memory_space<vmem>>, vector<256x1024xf32>
      %get3A_5 = arith.constant 0 : index
      %get3A_6 = arith.constant 0 : index
      %get3A_7 = arith.constant 0 : index
      %get3A_8 = vector.load %arg3[%get3A_5, %get3A_6, %get3A_7] : memref<1x1024x1024xf32, #tpu.memory_space<vmem>>, vector<1x1024x1024xf32>
      %get3A_9 = vector.shape_cast %get3A_8 : vector<1x1024x1024xf32> to vector<1024x1024xf32>
      %dot_general3A = arith.constant dense<0.000000e+00> : vector<256x1024xf32>
      %dot_general3A_10 = tpu.matmul %get3A_4, %get3A_9, %dot_general3A {dimension_numbers = #tpu.dot_dimension_numbers<[1], [1], [0], [0], [0, 0, 1, 0], [], []>, transpose_lhs_hint = false} : vector<256x1024xf32>, vector<1024x1024xf32>, vector<256x1024xf32> -> vector<256x1024xf32>
      %swap3A = arith.constant 0 : index
      %swap3A_11 = arith.constant 0 : index
      %swap3A_12 = vector.load %arg4[%swap3A, %swap3A_11] : memref<256x1024xf32, #tpu.memory_space<vmem>>, vector<256x1024xf32>
      tpu.vector_store %arg4[%swap3A, %swap3A_11], %dot_general3A_10 {strides = array<i32>} : memref<256x1024xf32, #tpu.memory_space<vmem>>, vector<256x1024xf32>,
    } else {
    }
    return
  }
  func.func @transform_0(%arg0: i32, %arg1: memref<25xi32, #tpu.memory_space<smem>>) -> (i32, i32) {
    %get3A = arith.constant 24 : index
    %get3A_0 = memref.load %arg1[%get3A] : memref<25xi32, #tpu.memory_space<smem>>
    %lt3A = arith.cmpi slt, %arg0, %get3A_0 : i32
    %jit3A = arith.constant 0 : i32
    %select_n3A = arith.select %lt3A, %arg0, %jit3A : i32
    %c0_i32 = arith.constant 0 : i32
    %c0_i32_1 = arith.constant 0 : i32
    return %select_n3A, %c0_i32 : i32, i32
  }
  func.func @transform_1(%arg0: i32, %arg1: memref<25xi32, #tpu.memory_space<smem>>) -> (i32, i32, i32) {
    %get3A = arith.constant 24 : index
    %get3A_0 = memref.load %arg1[%get3A] : memref<25xi32, #tpu.memory_space<smem>>
    %sub3A = arith.constant 1 : i32
    %sub3A_1 = arith.subi %get3A_0, %sub3A : i32
    %min3A = arith.minsi %arg0, %sub3A_1 : i32
    %get3A_2 = arith.index_cast %min3A : i32 to index
    %get3A_3 = memref.load %arg1[%get3A_2] : memref<25xi32, #tpu.memory_space<smem>>
    %c0_i32 = arith.constant 0 : i32
    %c0_i32_4 = arith.constant 0 : i32
    %c0_i32_5 = arith.constant 0 : i32
    return %get3A_3, %c0_i32, %c0_i32_4 : i32, i32, i32
  }
  func.func @transform_2(%arg0: i32, %arg1: memref<25xi32, #tpu.memory_space<smem>>) -> (i32, i32) {
    %get3A = arith.constant 24 : index
    %get3A_0 = memref.load %arg1[%get3A] : memref<25xi32, #tpu.memory_space<smem>>
    %lt3A = arith.cmpi slt, %arg0, %get3A_0 : i32
    %jit3A = arith.constant 24 : i32
    %select_n3A = arith.select %lt3A, %arg0, %jit3A : i32
    %c0_i32 = arith.constant 0 : i32
    %c0_i32_1 = arith.constant 0 : i32
    return %select_n3A, %c0_i32 : i32, i32
  }
}

module attributes {stable_mosaic.version = 14 : i64} {
  func.func @_combine_kernel(%arg0: i32, %arg1: memref<1x512x8xf32, #tpu.memory_space<vmem>>, %arg2: memref<1x512x1024xf32, #tpu.memory_space<vmem>>, %arg3: memref<1x512x1024xf32, #tpu.memory_space<vmem>>, %arg4: memref<1x512x1024xf32, #tpu.memory_space<vmem>>) attributes {dimension_semantics = [#tpu.dimension_semantics<arbitrary>], iteration_bounds = array<i64: 4>, scalar_prefetch = 0 : i64, scratch_operands = 0 : i64, tpu.core_type = #tpu.core_type<tc>, window_params = [{transform_indices = @transform_0, window_bounds = array<i64: 1, 512, 8>}, {transform_indices = @transform_1, window_bounds = array<i64: 1, 512, 1024>}, {transform_indices = @transform_2, window_bounds = array<i64: 1, 512, 1024>}, {transform_indices = @transform_3, window_bounds = array<i64: 1, 512, 1024>}]} {
    %get3A = arith.constant 0 : index
    %get3A_0 = arith.constant 0 : index
    %get3A_1 = arith.constant 0 : index
    %get3A_2 = vector.load %arg1[%get3A, %get3A_0, %get3A_1] : memref<1x512x8xf32, #tpu.memory_space<vmem>>, vector<1x512x8xf32>
    %get3A_3 = vector.shape_cast %get3A_2 : vector<1x512x8xf32> to vector<512x8xf32>
    %slice3A = vector.extract_strided_slice %get3A_3 {offsets = [0, 0], sizes = [512, 1], strides = [1, 1]} : vector<512x8xf32> to vector<512x1xf32>
    %get3A_4 = arith.constant 0 : index
    %get3A_5 = arith.constant 0 : index
    %get3A_6 = arith.constant 0 : index
    %get3A_7 = vector.load %arg2[%get3A_4, %get3A_5, %get3A_6] : memref<1x512x1024xf32, #tpu.memory_space<vmem>>, vector<1x512x1024xf32>
    %get3A_8 = vector.shape_cast %get3A_7 : vector<1x512x1024xf32> to vector<512x1024xf32>
    %mul3A = vector.broadcast %slice3A : vector<512x1xf32> to vector<512x1024xf32>
    %mul3A_9 = arith.mulf %mul3A, %get3A_8 : vector<512x1024xf32>
    %slice3A_10 = vector.extract_strided_slice %get3A_3 {offsets = [0, 1], sizes = [512, 1], strides = [1, 1]} : vector<512x8xf32> to vector<512x1xf32>
    %get3A_11 = arith.constant 0 : index
    %get3A_12 = arith.constant 0 : index
    %get3A_13 = arith.constant 0 : index
    %get3A_14 = vector.load %arg3[%get3A_11, %get3A_12, %get3A_13] : memref<1x512x1024xf32, #tpu.memory_space<vmem>>, vector<1x512x1024xf32>
    %get3A_15 = vector.shape_cast %get3A_14 : vector<1x512x1024xf32> to vector<512x1024xf32>
    %mul3A_16 = vector.broadcast %slice3A_10 : vector<512x1xf32> to vector<512x1024xf32>
    %mul3A_17 = arith.mulf %mul3A_16, %get3A_15 : vector<512x1024xf32>
    %add3A = arith.addf %mul3A_9, %mul3A_17 : vector<512x1024xf32>
    %swap3A = arith.constant 0 : index
    %swap3A_18 = arith.constant 0 : index
    %swap3A_19 = arith.constant 0 : index
    %swap3A_20 = vector.load %arg4[%swap3A, %swap3A_18, %swap3A_19] : memref<1x512x1024xf32, #tpu.memory_space<vmem>>, vector<1x512x1024xf32>
    %swap3A_21 = vector.shape_cast %swap3A_20 : vector<1x512x1024xf32> to vector<512x1024xf32>
    %swap3A_22 = vector.shape_cast %add3A : vector<512x1024xf32> to vector<1x512x1024xf32>
    tpu.vector_store %arg4[%swap3A, %swap3A_18, %swap3A_19], %swap3A_22 {strides = array<i32>} : memref<1x512x1024xf32, #tpu.memory_space<vmem>>, vector<1x512x1024xf32>,
    return
  }
  func.func @transform_0(%arg0: i32) -> (i32, i32, i32) {
    %c0_i32 = arith.constant 0 : i32
    %c0_i32_0 = arith.constant 0 : i32
    %c0_i32_1 = arith.constant 0 : i32
    return %c0_i32, %arg0, %c0_i32_0 : i32, i32, i32
  }
  func.func @transform_1(%arg0: i32) -> (i32, i32, i32) {
    %c0_i32 = arith.constant 0 : i32
    %c0_i32_0 = arith.constant 0 : i32
    %c0_i32_1 = arith.constant 0 : i32
    return %c0_i32, %arg0, %c0_i32_0 : i32, i32, i32
  }
  func.func @transform_2(%arg0: i32) -> (i32, i32, i32) {
    %c1_i32 = arith.constant 1 : i32
    %c0_i32 = arith.constant 0 : i32
    %c0_i32_0 = arith.constant 0 : i32
    return %c1_i32, %arg0, %c0_i32 : i32, i32, i32
  }
  func.func @transform_3(%arg0: i32) -> (i32, i32, i32) {
    %c0_i32 = arith.constant 0 : i32
    %c0_i32_0 = arith.constant 0 : i32
    %c0_i32_1 = arith.constant 0 : i32
    return %c0_i32, %arg0, %c0_i32_0 : i32, i32, i32
  }
}

</mosaic_0001>

<sc_bundles>
// kernel: kernel.11.cloned.1.call-start
scs
__scs_entry_jumppad:
0x0: {  	(pc) =	sbr.rel $0x88, $3  }
0x1: {  	(tag) =	ssettag $0x0;
	lr =	simm.s32 $0x1  }
0x2: {  	[smem:$0x3F9C] =	sst lr;
	_ =	strace $0xD0000000  }
0x3: {  	_ = 	snop  }
0x4: {  	_ = 	snop  }
0x5: {  	_ = 	snop  }
0x6: {  	_ = 	snop  }
0x7: {  	_ = 	snop  }
__scs_overlays_trampoline_lowered:
0x8: {  	[smem:$0x3FAB] =	sst s0  }
0x9: {  	[smem:$0x3FAC] =	sst s1  }
0xa: {  	[smem:$0x3FAD] =	sst s2  }
0xb: {  	[smem:$0x3FAE] =	sst s3  }
0xc: {  	[smem:$0x3FAF] =	sst s4  }
0xd: {  	[smem:$0x3FB0] =	sst s5  }
0xe: {  	[smem:$0x3FB1] =	sst s6  }
0xf: {  	[smem:$0x3FB2] =	sst s7  }
0x10: {  	[smem:$0x3FB3] =	sst s8  }
0x11: {  	[smem:$0x3FB4] =	sst s9;
	s0 =	simm.s32 @!p0 $0x0  }
0x12: {  	s1 =	sld [smem:$0x3F9A];
	s0 =	simm.s32 @p0 $0x1  }
0x13: {  	[smem:$0x3FB5] =	sst s0;
	s0 =	simm.s32 @!p1 $0x0  }
0x14: {  	s2 =	sld [smem:$0x3F99];
	s0 =	simm.s32 @p1 $0x1  }
0x15: {  	[smem:$0x3FB6] =	sst s0;
	s0 =	simm.s32 @!p2 $0x0  }
0x16: {  	s3 =	sld [smem:$0x3FDB];
	s0 =	simm.s32 @p2 $0x1  }
0x17: {  	s4 =	simm.s32 $0x1BF5;
	[smem:$0x3FB8] =	sst s0  }
0x18: {  	s0 =	sld [smem:$0x3F9B];
	_ =	swait.ge [sflag:s4], $0x0  }
0x19: {  	s7 =	sld [smem:$0x3F9C]  }
0x1a: {  	s8 =	sadd.s32 $0xFFFFE003, lr  }
0x1b: {  	s9 =	sadd.s32 $0xFFFFFEF7, lr;
	s5 =	simm.s32 $0xFFFFFFFF;
	p2 =	slt.u32 s8, $0xFFFFF086  }
0x1c: {  	p1 =	slt.u32 s9, $0xF7A;
	s5 =	simm.s32 @!p2 $0x0  }
0x1d: {  	s5 =	simm.s32 @p1 $0x1;
	p0 =	seq.s32 s7, s2  }
0x1e: {  	s7 =	smul.u32 @!p0 $0xF7A, s2;
	p2 =	seq.s32 @!p0 s5, $0x0  }
0x1f: {  	s9 =	smul.u32 $0xF7A, s1;
	s8 =	simm.s32 @!p0 $0x1BF5;
	p2 =	por !p2, p0  }
0x20: {  	[sflag:s8] =	ssyncset.s32 @!p0 $0xFFFFF086;
	s6 =	sadd.s32 @!p0 s3, s7;
	s7 =	simm.s32 @!p0 $0x108  }
0x21: {  	s3 =	sadd.s32 s3, s9;
	s6 =	sadd.s32 @!p0 $0x88, s6;
	s7 =	simm.s32 @p2 $0x1082  }
0x22: {  	[simem:s7], [sflag:s8] =	dma.local @!p0 [hbm:s6], $0xF7A  }
0x23: {  	s9 =	sor.u32 $0xD0000000, s2;
	s6 =	simm.s32 $0x108;
	_ =	swait.ge @!p0 [sflag:s8], $0x0  }
0x24: {  	s3 =	sadd.s32 $0x88, s3;
	s6 =	simm.s32 @!p1 $0x1082;
	[sflag:s4] =	ssyncset.s32 $0xFFFFF086  }
0x25: {  	[simem:s6], [sflag:s4] =	dma.local [hbm:s3], $0xF7A  }
0x26: {  	[smem:$0x3F9C] =	sst s1;
	(tag) =	ssettag s2;
	_ =	strace s9  }
0x27: {  	s1 =	sld [smem:$0x3FAC]  }
0x28: {  	s2 =	sld [smem:$0x3FAD]  }
0x29: {  	s4 =	sld [smem:$0x3FAF]  }
0x2a: {  	p0 =	seq.s32 s5, $0x0;
	s5 =	sld [smem:$0x3FB0]  }
0x2b: {  	s6 =	sld [smem:$0x3FB1]  }
0x2c: {  	s7 =	sld [smem:$0x3FB2]  }
0x2d: {  	s3 =	simm.s32 $0x108;
	s8 =	sld [smem:$0x3FB3]  }
0x2e: {  	s3 =	simm.s32 @!p0 $0x1082;
	s9 =	sld [smem:$0x3FB4]  }
0x2f: {  	lr =	sadd.s32 s0, s3;
	s0 =	sld [smem:$0x3FAB]  }
0x30: {  	s3 =	sld [smem:$0x3FAE]  }
0x31: {  	[smem:$0x3FB7] =	sst s10  }
0x32: {  	s10 =	sld [smem:$0x3FB5];
	_ =	sdelay $0x3  }
0x33: {  	p0 =	seq.s32 s10, $0x1;
	s10 =	sld [smem:$0x3FB7];
	_ =	sdelay $0x3  }
0x34: {  	[smem:$0x3FB7] =	sst s10  }
0x35: {  	s10 =	sld [smem:$0x3FB6];
	_ =	sdelay $0x3  }
0x36: {  	p1 =	seq.s32 s10, $0x1;
	s10 =	sld [smem:$0x3FB7];
	_ =	sdelay $0x3  }
0x37: {  	[smem:$0x3FB7] =	sst s10  }
0x38: {  	s10 =	sld [smem:$0x3FB8]  }
0x39: {  	_ = 	snop;
	(pc) =	sbr.ind lr, $3  }
0x3a: {  	_ = 	snop  }
0x3b: {  	_ = 	snop  }
0x3c: {  	p2 =	seq.s32 s10, $0x1;
	s10 =	sld [smem:$0x3FB7]  }
0x3d: {  	_ =	shalt  }
0x3e: {  	_ =	shalt  }
0x3f: {  	_ =	shalt  }
0x40: {  	_ =	shalt  }
0x41: {  	_ =	shalt  }
0x42: {  	_ =	shalt  }
0x43: {  	_ =	shalt  }
0x44: {  	_ =	shalt  }
0x45: {  	_ =	shalt  }
0x46: {  	_ =	shalt  }
0x47: {  	_ =	shalt  }
0x48: {  	_ =	shalt  }
0x49: {  	_ =	shalt  }
0x4a: {  	_ =	shalt  }
0x4b: {  	_ =	shalt  }
0x4c: {  	_ =	shalt  }
0x4d: {  	_ =	shalt  }
0x4e: {  	_ =	shalt  }
0x4f: {  	_ =	shalt  }
0x50: {  	_ =	shalt  }
0x51: {  	_ =	shalt  }
0x52: {  	_ =	shalt  }
0x53: {  	_ =	shalt  }
0x54: {  	_ =	shalt  }
0x55: {  	_ =	shalt  }
0x56: {  	_ =	shalt  }
0x57: {  	_ =	shalt  }
0x58: {  	_ =	shalt  }
0x59: {  	_ =	shalt  }
0x5a: {  	_ =	shalt  }
0x5b: {  	_ =	shalt  }
0x5c: {  	_ =	shalt  }
0x5d: {  	_ =	shalt  }
0x5e: {  	_ =	shalt  }
0x5f: {  	_ =	shalt  }
0x60: {  	_ =	shalt  }
0x61: {  	_ =	shalt  }
0x62: {  	_ =	shalt  }
0x63: {  	_ =	shalt  }
0x64: {  	_ =	shalt  }
0x65: {  	_ =	shalt  }
0x66: {  	_ =	shalt  }
0x67: {  	_ =	shalt  }
0x68: {  	_ =	shalt  }
0x69: {  	_ =	shalt  }
0x6a: {  	_ =	shalt  }
0x6b: {  	_ =	shalt  }
0x6c: {  	_ =	shalt  }
0x6d: {  	_ =	shalt  }
0x6e: {  	_ =	shalt  }
0x6f: {  	_ =	shalt  }
0x70: {  	_ =	shalt  }
0x71: {  	_ =	shalt  }
0x72: {  	_ =	shalt  }
0x73: {  	_ =	shalt  }
0x74: {  	_ =	shalt  }
0x75: {  	_ =	shalt  }
0x76: {  	_ =	shalt  }
0x77: {  	_ =	shalt  }
0x78: {  	_ =	shalt  }
0x79: {  	_ =	shalt  }
0x7a: {  	_ =	shalt  }
0x7b: {  	_ =	shalt  }
0x7c: {  	_ =	shalt  }
0x7d: {  	_ =	shalt  }
0x7e: {  	_ =	shalt  }
0x7f: {  	_ =	shalt  }
0x80: {  	_ =	shalt  }
0x81: {  	_ =	shalt  }
0x82: {  	_ =	shalt  }
0x83: {  	_ =	shalt  }
0x84: {  	_ =	shalt  }
0x85: {  	_ =	shalt  }
0x86: {  	_ =	shalt  }
0x87: {  	_ =	shalt  }
.Lfunc_end0:
.L_simem_size_0:
called_computation_lowered:
.L_overlay_start_0:
0x88: {  	s2 =	sld [smem:$0x3FD9]  }
0x89: {  	s3 =	sld [smem:$0x3FFE];
	_ =	sdelay $0x1  }
0x8a: {  	s1 =	srdreg.scid  }
0x8b: {  	s0 =	sand.u32 $0x1, s1  }
0x8c: {  	s14 =	sshll.u32 s0, $0xA;
	s2 =	sadd.s32 s3, s2  }
0x8d: {  	s2 =	sadd.s32 s2, s14  }
0x8e: {  	[smem:$0x3FC3] =	sst s2  }
0x8f: {  	_ = 	snop  }
0x90: {  	s2 =	sld [smem:$0x3FD0];
	_ =	sdelay $0x2  }
0x91: {  	s4 =	simm.s32 $0xB;
	s5 =	simm.s32 $0x10;
	s15 =	sld [smem:$0x3FC9]  }
0x92: {  	[smem:s5], [sflag:s4] =	dma.local [hbm:s2], $0x1  }
0x93: {  	_ =	swait.eq [sflag:s4], $0x1  }
0x94: {  	[sflag:s4] =	ssyncset.done $0x0  }
0x95: {  	[sflag:s4] =	ssyncadd.s32 $0xFFFFFFFF  }
0x96: {  	s16 =	sld [smem:$0x10];
	(tm) =	ssettm $0x1  }
0x97: {  	s17 =	sld [smem:$0x3FFB];
	_ =	sdelay $0x3  }
0x98: {  	_ =	strace s17  }
0x99: {  	s4 =	sld [smem:$0x3FFC];
	_ =	sdelay $0x3  }
0x9a: {  	_ =	strace s4  }
0x9b: {  	s4 =	sld [smem:$0x3FFD];
	_ =	sdelay $0x3  }
0x9c: {  	_ =	strace s4  }
0x9d: {  	_ =	strace $0x8FFFFFFF  }
0x9e: {  	s18 =	sld [smem:$0x3FDB];
	_ =	sdelay $0x1  }
0x9f: {  	s19 =	simm.s32 $_scs_section_size  }
0xa0: {  	s6 =	simm.s32 $_size__tile_overlayer_lowered;
	s7 =	simm.s32 $_tile_overlayer_lowered  }
0xa1: {  	s22 =	simm.s32 $0x1BFF;
	s21 =	sshll.u32 s7, $0x1;
	s4 =	sadd.s32 s19, s18  }
0xa2: {  	s8 =	simm.s32 $0x0;
	s20 =	sshll.u32 s6, $0x1;
	s6 =	sadd.s32 s21, s4  }
0xa3: {  	[timem:s8], [sflag:s22] =	dma.local [hbm:s6], s20  }
0xa4: {  	_ =	swait.ge [sflag:s22], s20  }
0xa5: {  	s5 =	ssub.s32 $0x0, s20;
	[sflag:s22] =	ssyncset.done $0x0  }
0xa6: {  	[sflag:s22] =	ssyncadd.s32 s5;
	_ =	sdelay $0x1  }
0xa7: {  	s23 =	simm.s32 $0x1B8B  }
0xa8: {  	_ =	swait.ge [sflag:s23], $0x1  }
0xa9: {  	[sflag:s23] =	ssyncset.done $0x0  }
0xaa: {  	s25 =	simm.s32 $0x1B8E;
	s24 =	sld [smem:$0x3FFE];
	[sflag:s23] =	ssyncadd.s32 $0xFFFFFFFF  }
0xab: {  	s26 =	simm.s32 $execute0_lowered;
	[smem:$0x3FD2] =	sst s25  }
0xac: {  	s6 =	sshll.u32 s26, $0x1;
	_ =	strace $0x80000046;
	[dreg:$0x1] =	wrdreg $0xFFFFFFFF  }
0xad: {  	s28 =	simm.s32 $_size_execute0_lowered;
	s4 =	sadd.s32 s4, s6;
	[dreg:$0x0] =	wrdreg $0x0  }
0xae: {  	s6 =	sshll.u32 s28, $0x1;
	[dreg:$0x2] =	wrdreg s4  }
0xaf: {  	[dreg:$0x3] =	wrdreg s6  }
0xb0: {  	[dreg:$0x4] =	wrdreg $0xC0  }
0xb1: {  	_ =	task [dreg:s8], $0x5FFFF  }
0xb2: {  	[dreg:$0x1] =	wrdreg $0xFFFFFFFF  }
0xb3: {  	[dreg:$0x0] =	wrdreg $0x60  }
0xb4: {  	[dreg:$0x2] =	wrdreg s15  }
0xb5: {  	[dreg:$0x3] =	wrdreg s16  }
0xb6: {  	[dreg:$0x4] =	wrdreg s24  }
0xb7: {  	[dreg:$0x5] =	wrdreg $0x9  }
0xb8: {  	_ =	task.clear_ibuf [dreg:s8], $0x6FFFF;
	_ =	strace $0x90000046  }
0xb9: {  	s29 =	simm.s32 $0x9;
	_ =	strace $0x80000048  }
0xba: {  	_ =	swait.ge [sflag:s29], $0x1  }
0xbb: {  	[sflag:s29] =	ssyncadd.s32 $0xFFFFFFFF  }
0xbc: {  	_ =	strace $0x90000048  }
0xbd: {  	_ =	sfence  }
0xbe: {  	s30 =	sld [smem:$0x0];
	_ =	sdelay $0x2  }
0xbf: {  	s31 =	sshll.u32 s1, $0xD;
	s1 =	sshrl.u32 s1, $0x2  }
0xc0: {  	s3 =	sand.u32 $0x4000, s31;
	s1 =	sadd.s32 s1, s30  }
0xc1: {  	s0 =	sor.u32 s3, s0;
	s1 =	sshll.u32 s1, $0x11  }
0xc2: {  	s0 =	sor.u32 s1, s0  }
0xc3: {  	s0 =	sadd.s32 $0x8F2B, s0  }
0xc4: {  	[sflag:s0] =	ssyncadd.remote.s32 $0x1  }
0xc5: {  	_ =	sfence.sel $0xFFFF  }
0xc6: {  	[dreg:$0x0] =	wrdreg $0xFFFFFFFF;
	(pc) =	sbr.abs _section_cstart, $3  }
0xc7: {  	[dreg:$0x1] =	wrdreg $0xFFFFFFFF  }
0xc8: {  	_ =	task.clear_ibuf [dreg:s8], $0x2FFFF;
	_ =	strace $0x9FFFFFFF  }
0xc9: {  	(tm) =	ssettm $0x7FFFFFFF  }
tec
execute0_lowered:
.L_overlay_start_1:
0x0: {  	(tag) =	ssettag $0x1  }
0x1: {  	s0 =	rddreg [dreg:$0x0];
	s1 =	srdreg.scid  }
0x2: {  	s3 =	rddreg [dreg:$0x1];
	s2 =	stileid.u32  }
0x3: {  	s4 =	rddreg [dreg:$0x2];
	s11 =	simm.s32 $0x5;
	s31 =	simm.s32 $0x1  }
0x4: {  	s28 =	simm.s32 $0x800;
	s29 =	simm.s32 $0x1000;
	s10 =	simm.s32 $0x2800  }
0x5: {  	s13 =	simm.s32 $0x3000;
	s14 =	simm.s32 $0x4000;
	s15 =	simm.s32 $0x4800  }
0x6: {  	s16 =	simm.s32 $0x5000;
	s17 =	simm.s32 $0x6000;
	s18 =	simm.s32 $0x6800  }
0x7: {  	s30 =	simm.s32 $0x9000;
	s1 =	sand.u32 $0x1, s1;
	s2 =	sshll.u32 s2, $0x8  }
0x8: {  	s8 =	sadd.s32 $0xB00, s4;
	s5 =	sshll.u32 s1, $0x7;
	s1 =	ssub.s32 $0x2, s1  }
0x9: {  	s5 =	sor.u32 s5, s2;
	s2 =	simm.s32 $0x0;
	s23 =	sshrl.u32 s1, $0x1  }
0xa: {  	s6 =	sshrl.u32 s5, $0x3;
	s5 =	sshll.u32 s5, $0x7;
	[smem:$0x7FF] =	sst s2  }
0xb: {  	s1 =	ssub.s32 s1, s23;
	s23 =	simm.s32 $0x3;
	s6 =	sadd.s32 s3, s6  }
0xc: {  	s19 =	sand.u32 $0x3C000, s5;
	_ =	strace $0x80000047;
	s5 =	sadd.s32 $0x800, s4  }
0xd: {  	s9 =	smax.u32 s1, $0x1;
	s20 =	sadd.s32 $0x4, s6;
	[dreg:$0xa] =	wrdreg s6  }
0xe: {  	s1 =	simm.s32 $0x1800;
	s22 =	sadd.s32 $0x8, s6;
	[dreg:$0x4] =	wrdreg s20  }
0xf: {  	s3 =	simm.s32 $0x3800;
	s25 =	sadd.s32 $0xC, s6;
	[dreg:$0x6] =	wrdreg s22  }
0x10: {  	s7 =	sadd.s32 s0, s19;
	s6 =	sadd.s32 $0x900, s4;
	[dreg:$0x8] =	wrdreg s25  }
0x11: {  	s19 =	simm.s32 $0x7000;
	s21 =	sadd.s32 $0x1000, s7;
	[dreg:$0xb] =	wrdreg s7  }
0x12: {  	s24 =	sadd.s32 $0x2000, s7;
	s26 =	sadd.s32 $0x3000, s7;
	[dreg:$0x5] =	wrdreg s21  }
0x13: {  	v2 =	vlaneseq.u32;
	s7 =	sadd.s32 $0xA00, s4;
	s4 =	simm.s32 $0x5800;
	[dreg:$0x7] =	wrdreg s24  }
0x14: {  	vm0 =	vmmov $0xffff;
	v1 =	vshrl.u32 v2, $0x3;
	s20 =	simm.s32 $0x7800;
	s22 =	simm.s32 $0x8800;
	[dreg:$0x9] =	wrdreg s26  }
0x15: {  	v0 =	vand.u32 $0x7, v2;
	v2 =	vor.u32 $0x8, v2;
	v1 =	vmul.u32 $0x8, v1;
	s21 =	simm.s32 $0x2;
	s24 =	simm.s32 $0x4;
	s26 =	simm.s32 $0x10000  }
.LBB2_1:
0x16: {  	s25 =	rddreg [dreg:$0xa]  }
0x17: {  	[tilespmem:s26], [sflag:$0x5] =	stream.linear.gather [hbm4b:s25+s2], $0x20, $0x38;
	[tilespmem:$0x10100] =	vst v63  }
0x18: {  	_ =	swait.ge [sflag:s11], $0x20  }
0x19: {  	[sflag:s11] =	ssyncset.done $0x0  }
0x1a: {  	s12 =	rddreg [dreg:$0xb];
	[sflag:s11] =	ssyncadd.s32 $0xFFFFFFE0  }
0x1b: {  	[tilespmem:s2], [sflag:$0x1] =	stream.linear.gather [hbm4b:s12+s2], $0x8000, $0x38;
	[tilespmem:$0x10100] =	vst v63  }
0x1c: {  	_ =	swait.ge [sflag:s31], $0x8000  }
0x1d: {  	[sflag:s31] =	ssyncset.done $0x0  }
0x1e: {  	[sflag:s31] =	ssyncadd.s32 $0xFFFF8000  }
0x1f: {  	v3 =	vld [tilespmem:$0x10000];
	_ =	sdelay $0x4  }
0x20: {  	v4 =	vshll.u32 v3, $0x3  }
0x21: {  	v3 =	vand.u32 $0x7, v3;
	v4 =	vand.u32 $0xFFFFFFC0, v4  }
0x22: {  	v3 =	vor.u32 v3, v4  }
0x23: {  	v4 =	vperm.xlane v3, v0;
	_ =	sdelay $0x1  }
0x24: {  	v4 =	vadd.s32 v1, v4;
	_ =	sdelay $0x4  }
0x25: {  	[hbm4b:s5+s2] =	stream.indirect_vreg.scatter [tilespmem:s2], [sflag:$0x3], $0x80, v4, vm0, $0xb8;
	[tilespmem:$0x10100] =	vst v63  }
0x26: {  	v3 =	vperm.xlane v3, v2  }
0x27: {  	[hbm4b:s6+s2] =	stream.indirect_vreg.scatter [tilespmem:s28], [sflag:$0x3], $0x80, v4, vm0, $0xb8;
	[tilespmem:$0x10100] =	vst v63  }
0x28: {  	v3 =	vadd.s32 v1, v3  }
0x29: {  	[hbm4b:s7+s2] =	stream.indirect_vreg.scatter [tilespmem:s29], [sflag:$0x3], $0x80, v4, vm0, $0xb8;
	[tilespmem:$0x10100] =	vst v63  }
0x2a: {  	_ = 	snop  }
0x2b: {  	[hbm4b:s8+s2] =	stream.indirect_vreg.scatter [tilespmem:s1], [sflag:$0x3], $0x80, v4, vm0, $0xb8;
	[tilespmem:$0x10100] =	vst v63  }
0x2c: {  	s0 =	simm.s32 $0x2000  }
0x2d: {  	[hbm4b:s5+s2] =	stream.indirect_vreg.scatter [tilespmem:s0], [sflag:$0x3], $0x80, v3, vm0, $0xb8;
	[tilespmem:$0x10100] =	vst v63  }
0x2e: {  	_ = 	snop  }
0x2f: {  	[hbm4b:s6+s2] =	stream.indirect_vreg.scatter [tilespmem:s10], [sflag:$0x3], $0x80, v3, vm0, $0xb8;
	[tilespmem:$0x10100] =	vst v63  }
0x30: {  	_ = 	snop  }
0x31: {  	[hbm4b:s7+s2] =	stream.indirect_vreg.scatter [tilespmem:s13], [sflag:$0x3], $0x80, v3, vm0, $0xb8;
	[tilespmem:$0x10100] =	vst v63  }
0x32: {  	_ = 	snop  }
0x33: {  	[hbm4b:s8+s2] =	stream.indirect_vreg.scatter [tilespmem:s3], [sflag:$0x3], $0x80, v3, vm0, $0xb8;
	[tilespmem:$0x10100] =	vst v63  }
0x34: {  	v3 =	vld [tilespmem:$0x10010];
	_ =	sdelay $0x4  }
0x35: {  	v57 =	vshll.u32 v3, $0x3  }
0x36: {  	v3 =	vand.u32 $0x7, v3;
	v4 =	vand.u32 $0xFFFFFFC0, v57  }
0x37: {  	v3 =	vor.u32 v3, v4  }
0x38: {  	v4 =	vperm.xlane v3, v0;
	_ =	sdelay $0x1  }
0x39: {  	v4 =	vadd.s32 v1, v4;
	_ =	sdelay $0x4  }
0x3a: {  	[hbm4b:s5+s2] =	stream.indirect_vreg.scatter [tilespmem:s14], [sflag:$0x3], $0x80, v4, vm0, $0xb8;
	[tilespmem:$0x10100] =	vst v63  }
0x3b: {  	v3 =	vperm.xlane v3, v2  }
0x3c: {  	[hbm4b:s6+s2] =	stream.indirect_vreg.scatter [tilespmem:s15], [sflag:$0x3], $0x80, v4, vm0, $0xb8;
	[tilespmem:$0x10100] =	vst v63  }
0x3d: {  	v3 =	vadd.s32 v1, v3  }
0x3e: {  	[hbm4b:s7+s2] =	stream.indirect_vreg.scatter [tilespmem:s16], [sflag:$0x3], $0x80, v4, vm0, $0xb8;
	[tilespmem:$0x10100] =	vst v63  }
0x3f: {  	_ = 	snop  }
0x40: {  	[hbm4b:s8+s2] =	stream.indirect_vreg.scatter [tilespmem:s4], [sflag:$0x3], $0x80, v4, vm0, $0xb8;
	[tilespmem:$0x10100] =	vst v63  }
0x41: {  	_ = 	snop  }
0x42: {  	[hbm4b:s5+s2] =	stream.indirect_vreg.scatter [tilespmem:s17], [sflag:$0x3], $0x80, v3, vm0, $0xb8;
	[tilespmem:$0x10100] =	vst v63  }
0x43: {  	_ = 	snop  }
0x44: {  	[hbm4b:s6+s2] =	stream.indirect_vreg.scatter [tilespmem:s18], [sflag:$0x3], $0x80, v3, vm0, $0xb8;
	[tilespmem:$0x10100] =	vst v63  }
0x45: {  	_ = 	snop  }
0x46: {  	[hbm4b:s7+s2] =	stream.indirect_vreg.scatter [tilespmem:s19], [sflag:$0x3], $0x80, v3, vm0, $0xb8;
	[tilespmem:$0x10100] =	vst v63  }
0x47: {  	_ = 	snop  }
0x48: {  	[hbm4b:s8+s2] =	stream.indirect_vreg.scatter [tilespmem:s20], [sflag:$0x3], $0x80, v3, vm0, $0xb8;
	[tilespmem:$0x10100] =	vst v63  }
0x49: {  	s12 =	simm.s32 $0x10080;
	s25 =	rddreg [dreg:$0x4]  }
0x4a: {  	[tilespmem:s12], [sflag:$0x5] =	stream.linear.gather [hbm4b:s25+s2], $0x20, $0x38;
	[tilespmem:$0x10100] =	vst v63  }
0x4b: {  	_ =	swait.ge [sflag:s11], $0x20  }
0x4c: {  	[sflag:s11] =	ssyncset.done $0x0  }
0x4d: {  	s12 =	simm.s32 $0x8000;
	s25 =	rddreg [dreg:$0x5];
	[sflag:s11] =	ssyncadd.s32 $0xFFFFFFE0  }
0x4e: {  	[tilespmem:s12], [sflag:$0x2] =	stream.linear.gather [hbm4b:s25+s2], $0x8000, $0x38;
	[tilespmem:$0x10100] =	vst v63  }
0x4f: {  	_ =	swait.ge [sflag:s21], $0x8000  }
0x50: {  	[sflag:s21] =	ssyncset.done $0x0  }
0x51: {  	[sflag:s21] =	ssyncadd.s32 $0xFFFF8000  }
0x52: {  	v3 =	vld [tilespmem:$0x10080];
	_ =	sdelay $0x4  }
0x53: {  	v58 =	vshll.u32 v3, $0x3  }
0x54: {  	v3 =	vand.u32 $0x7, v3;
	v4 =	vand.u32 $0xFFFFFFC0, v58  }
0x55: {  	v3 =	vor.u32 v3, v4  }
0x56: {  	v4 =	vperm.xlane v3, v0;
	_ =	sdelay $0x1  }
0x57: {  	v4 =	vadd.s32 v1, v4;
	_ =	sdelay $0x4  }
0x58: {  	[hbm4b:s5+s2] =	stream.indirect_vreg.scatter [tilespmem:s12], [sflag:$0x4], $0x80, v4, vm0, $0xb8;
	[tilespmem:$0x10100] =	vst v63  }
0x59: {  	v3 =	vperm.xlane v3, v2  }
0x5a: {  	[hbm4b:s6+s2] =	stream.indirect_vreg.scatter [tilespmem:s22], [sflag:$0x4], $0x80, v4, vm0, $0xb8;
	[tilespmem:$0x10100] =	vst v63  }
0x5b: {  	v3 =	vadd.s32 v1, v3  }
0x5c: {  	[hbm4b:s7+s2] =	stream.indirect_vreg.scatter [tilespmem:s30], [sflag:$0x4], $0x80, v4, vm0, $0xb8;
	[tilespmem:$0x10100] =	vst v63  }
0x5d: {  	s25 =	simm.s32 $0x9800  }
0x5e: {  	[hbm4b:s8+s2] =	stream.indirect_vreg.scatter [tilespmem:s25], [sflag:$0x4], $0x80, v4, vm0, $0xb8;
	[tilespmem:$0x10100] =	vst v63  }
0x5f: {  	s25 =	simm.s32 $0xA000  }
0x60: {  	[hbm4b:s5+s2] =	stream.indirect_vreg.scatter [tilespmem:s25], [sflag:$0x4], $0x80, v3, vm0, $0xb8;
	[tilespmem:$0x10100] =	vst v63  }
0x61: {  	s25 =	simm.s32 $0xA800  }
0x62: {  	[hbm4b:s6+s2] =	stream.indirect_vreg.scatter [tilespmem:s25], [sflag:$0x4], $0x80, v3, vm0, $0xb8;
	[tilespmem:$0x10100] =	vst v63  }
0x63: {  	s25 =	simm.s32 $0xB000  }
0x64: {  	[hbm4b:s7+s2] =	stream.indirect_vreg.scatter [tilespmem:s25], [sflag:$0x4], $0x80, v3, vm0, $0xb8;
	[tilespmem:$0x10100] =	vst v63  }
0x65: {  	s25 =	simm.s32 $0xB800  }
0x66: {  	[hbm4b:s8+s2] =	stream.indirect_vreg.scatter [tilespmem:s25], [sflag:$0x4], $0x80, v3, vm0, $0xb8;
	[tilespmem:$0x10100] =	vst v63  }
0x67: {  	v3 =	vld [tilespmem:$0x10090];
	_ =	sdelay $0x4  }
0x68: {  	v59 =	vshll.u32 v3, $0x3  }
0x69: {  	v3 =	vand.u32 $0x7, v3;
	v4 =	vand.u32 $0xFFFFFFC0, v59  }
0x6a: {  	v3 =	vor.u32 v3, v4  }
0x6b: {  	v4 =	vperm.xlane v3, v0;
	_ =	sdelay $0x1  }
0x6c: {  	v4 =	vadd.s32 v1, v4;
	_ =	sdelay $0x3  }
0x6d: {  	s25 =	simm.s32 $0xC000  }
0x6e: {  	[hbm4b:s5+s2] =	stream.indirect_vreg.scatter [tilespmem:s25], [sflag:$0x4], $0x80, v4, vm0, $0xb8;
	[tilespmem:$0x10100] =	vst v63  }
0x6f: {  	v3 =	vperm.xlane v3, v2;
	s25 =	simm.s32 $0xC800  }
0x70: {  	[hbm4b:s6+s2] =	stream.indirect_vreg.scatter [tilespmem:s25], [sflag:$0x4], $0x80, v4, vm0, $0xb8;
	[tilespmem:$0x10100] =	vst v63  }
0x71: {  	v3 =	vadd.s32 v1, v3;
	s25 =	simm.s32 $0xD000  }
0x72: {  	[hbm4b:s7+s2] =	stream.indirect_vreg.scatter [tilespmem:s25], [sflag:$0x4], $0x80, v4, vm0, $0xb8;
	[tilespmem:$0x10100] =	vst v63  }
0x73: {  	s25 =	simm.s32 $0xD800  }
0x74: {  	[hbm4b:s8+s2] =	stream.indirect_vreg.scatter [tilespmem:s25], [sflag:$0x4], $0x80, v4, vm0, $0xb8;
	[tilespmem:$0x10100] =	vst v63  }
0x75: {  	s25 =	simm.s32 $0xE000  }
0x76: {  	[hbm4b:s5+s2] =	stream.indirect_vreg.scatter [tilespmem:s25], [sflag:$0x4], $0x80, v3, vm0, $0xb8;
	[tilespmem:$0x10100] =	vst v63  }
0x77: {  	s25 =	simm.s32 $0xE800  }
0x78: {  	[hbm4b:s6+s2] =	stream.indirect_vreg.scatter [tilespmem:s25], [sflag:$0x4], $0x80, v3, vm0, $0xb8;
	[tilespmem:$0x10100] =	vst v63  }
0x79: {  	s25 =	simm.s32 $0xF000  }
0x7a: {  	[hbm4b:s7+s2] =	stream.indirect_vreg.scatter [tilespmem:s25], [sflag:$0x4], $0x80, v3, vm0, $0xb8;
	[tilespmem:$0x10100] =	vst v63  }
0x7b: {  	s25 =	simm.s32 $0xF800  }
0x7c: {  	[hbm4b:s8+s2] =	stream.indirect_vreg.scatter [tilespmem:s25], [sflag:$0x4], $0x80, v3, vm0, $0xb8;
	[tilespmem:$0x10100] =	vst v63  }
0x7d: {  	_ =	swait.ge [sflag:s23], $0x8000  }
0x7e: {  	[sflag:s23] =	ssyncset.done $0x0  }
0x7f: {  	s25 =	rddreg [dreg:$0x6];
	[sflag:s23] =	ssyncadd.s32 $0xFFFF8000  }
0x80: {  	[tilespmem:s26], [sflag:$0x5] =	stream.linear.gather [hbm4b:s25+s2], $0x20, $0x38;
	[tilespmem:$0x10100] =	vst v63  }
0x81: {  	_ =	swait.ge [sflag:s11], $0x20  }
0x82: {  	[sflag:s11] =	ssyncset.done $0x0  }
0x83: {  	s25 =	rddreg [dreg:$0x7];
	[sflag:s11] =	ssyncadd.s32 $0xFFFFFFE0  }
0x84: {  	[tilespmem:s2], [sflag:$0x1] =	stream.linear.gather [hbm4b:s25+s2], $0x8000, $0x38;
	[tilespmem:$0x10100] =	vst v63  }
0x85: {  	_ =	swait.ge [sflag:s31], $0x8000  }
0x86: {  	[sflag:s31] =	ssyncset.done $0x0  }
0x87: {  	[sflag:s31] =	ssyncadd.s32 $0xFFFF8000  }
0x88: {  	v3 =	vld [tilespmem:$0x10000];
	_ =	sdelay $0x4  }
0x89: {  	v60 =	vshll.u32 v3, $0x3  }
0x8a: {  	v3 =	vand.u32 $0x7, v3;
	v4 =	vand.u32 $0xFFFFFFC0, v60  }
0x8b: {  	v3 =	vor.u32 v3, v4  }
0x8c: {  	v4 =	vperm.xlane v3, v0;
	_ =	sdelay $0x1  }
0x8d: {  	v4 =	vadd.s32 v1, v4;
	_ =	sdelay $0x4  }
0x8e: {  	[hbm4b:s5+s2] =	stream.indirect_vreg.scatter [tilespmem:s2], [sflag:$0x3], $0x80, v4, vm0, $0xb8;
	[tilespmem:$0x10100] =	vst v63  }
0x8f: {  	v3 =	vperm.xlane v3, v2  }
0x90: {  	[hbm4b:s6+s2] =	stream.indirect_vreg.scatter [tilespmem:s28], [sflag:$0x3], $0x80, v4, vm0, $0xb8;
	[tilespmem:$0x10100] =	vst v63  }
0x91: {  	v3 =	vadd.s32 v1, v3  }
0x92: {  	[hbm4b:s7+s2] =	stream.indirect_vreg.scatter [tilespmem:s29], [sflag:$0x3], $0x80, v4, vm0, $0xb8;
	[tilespmem:$0x10100] =	vst v63  }
0x93: {  	_ = 	snop  }
0x94: {  	[hbm4b:s8+s2] =	stream.indirect_vreg.scatter [tilespmem:s1], [sflag:$0x3], $0x80, v4, vm0, $0xb8;
	[tilespmem:$0x10100] =	vst v63  }
0x95: {  	_ = 	snop  }
0x96: {  	[hbm4b:s5+s2] =	stream.indirect_vreg.scatter [tilespmem:s0], [sflag:$0x3], $0x80, v3, vm0, $0xb8;
	[tilespmem:$0x10100] =	vst v63  }
0x97: {  	_ = 	snop  }
0x98: {  	[hbm4b:s6+s2] =	stream.indirect_vreg.scatter [tilespmem:s10], [sflag:$0x3], $0x80, v3, vm0, $0xb8;
	[tilespmem:$0x10100] =	vst v63  }
0x99: {  	_ = 	snop  }
0x9a: {  	[hbm4b:s7+s2] =	stream.indirect_vreg.scatter [tilespmem:s13], [sflag:$0x3], $0x80, v3, vm0, $0xb8;
	[tilespmem:$0x10100] =	vst v63  }
0x9b: {  	_ = 	snop  }
0x9c: {  	[hbm4b:s8+s2] =	stream.indirect_vreg.scatter [tilespmem:s3], [sflag:$0x3], $0x80, v3, vm0, $0xb8;
	[tilespmem:$0x10100] =	vst v63  }
0x9d: {  	v3 =	vld [tilespmem:$0x10010];
	_ =	sdelay $0x4  }
0x9e: {  	v61 =	vshll.u32 v3, $0x3  }
0x9f: {  	v3 =	vand.u32 $0x7, v3;
	v4 =	vand.u32 $0xFFFFFFC0, v61  }
0xa0: {  	v3 =	vor.u32 v3, v4  }
0xa1: {  	v4 =	vperm.xlane v3, v0;
	_ =	sdelay $0x1  }
0xa2: {  	v4 =	vadd.s32 v1, v4;
	_ =	sdelay $0x4  }
0xa3: {  	[hbm4b:s5+s2] =	stream.indirect_vreg.scatter [tilespmem:s14], [sflag:$0x3], $0x80, v4, vm0, $0xb8;
	[tilespmem:$0x10100] =	vst v63  }
0xa4: {  	v3 =	vperm.xlane v3, v2  }
0xa5: {  	[hbm4b:s6+s2] =	stream.indirect_vreg.scatter [tilespmem:s15], [sflag:$0x3], $0x80, v4, vm0, $0xb8;
	[tilespmem:$0x10100] =	vst v63  }
0xa6: {  	v3 =	vadd.s32 v1, v3  }
0xa7: {  	[hbm4b:s7+s2] =	stream.indirect_vreg.scatter [tilespmem:s16], [sflag:$0x3], $0x80, v4, vm0, $0xb8;
	[tilespmem:$0x10100] =	vst v63  }
0xa8: {  	_ = 	snop  }
0xa9: {  	[hbm4b:s8+s2] =	stream.indirect_vreg.scatter [tilespmem:s4], [sflag:$0x3], $0x80, v4, vm0, $0xb8;
	[tilespmem:$0x10100] =	vst v63  }
0xaa: {  	_ = 	snop  }
0xab: {  	[hbm4b:s5+s2] =	stream.indirect_vreg.scatter [tilespmem:s17], [sflag:$0x3], $0x80, v3, vm0, $0xb8;
	[tilespmem:$0x10100] =	vst v63  }
0xac: {  	_ = 	snop  }
0xad: {  	[hbm4b:s6+s2] =	stream.indirect_vreg.scatter [tilespmem:s18], [sflag:$0x3], $0x80, v3, vm0, $0xb8;
	[tilespmem:$0x10100] =	vst v63  }
0xae: {  	_ = 	snop  }
0xaf: {  	[hbm4b:s7+s2] =	stream.indirect_vreg.scatter [tilespmem:s19], [sflag:$0x3], $0x80, v3, vm0, $0xb8;
	[tilespmem:$0x10100] =	vst v63  }
0xb0: {  	_ = 	snop  }
0xb1: {  	[hbm4b:s8+s2] =	stream.indirect_vreg.scatter [tilespmem:s20], [sflag:$0x3], $0x80, v3, vm0, $0xb8;
	[tilespmem:$0x10100] =	vst v63  }
0xb2: {  	_ =	swait.ge [sflag:s24], $0x8000  }
0xb3: {  	[sflag:s24] =	ssyncset.done $0x0  }
0xb4: {  	s0 =	simm.s32 $0x10080;
	s25 =	rddreg [dreg:$0x8];
	[sflag:s24] =	ssyncadd.s32 $0xFFFF8000  }
0xb5: {  	[tilespmem:s0], [sflag:$0x5] =	stream.linear.gather [hbm4b:s25+s2], $0x20, $0x38;
	[tilespmem:$0x10100] =	vst v63  }
0xb6: {  	_ =	swait.ge [sflag:s11], $0x20  }
0xb7: {  	[sflag:s11] =	ssyncset.done $0x0  }
0xb8: {  	s0 =	rddreg [dreg:$0x9];
	[sflag:s11] =	ssyncadd.s32 $0xFFFFFFE0  }
0xb9: {  	[tilespmem:s12], [sflag:$0x2] =	stream.linear.gather [hbm4b:s0+s2], $0x8000, $0x38;
	[tilespmem:$0x10100] =	vst v63  }
0xba: {  	_ =	swait.ge [sflag:s21], $0x8000  }
0xbb: {  	[sflag:s21] =	ssyncset.done $0x0  }
0xbc: {  	[sflag:s21] =	ssyncadd.s32 $0xFFFF8000  }
0xbd: {  	v3 =	vld [tilespmem:$0x10080];
	_ =	sdelay $0x4  }
0xbe: {  	v62 =	vshll.u32 v3, $0x3  }
0xbf: {  	v3 =	vand.u32 $0x7, v3;
	v4 =	vand.u32 $0xFFFFFFC0, v62  }
0xc0: {  	v3 =	vor.u32 v3, v4  }
0xc1: {  	v4 =	vperm.xlane v3, v0;
	_ =	sdelay $0x1  }
0xc2: {  	v4 =	vadd.s32 v1, v4;
	_ =	sdelay $0x4  }
0xc3: {  	[hbm4b:s5+s2] =	stream.indirect_vreg.scatter [tilespmem:s12], [sflag:$0x4], $0x80, v4, vm0, $0xb8;
	[tilespmem:$0x10100] =	vst v63  }
0xc4: {  	v3 =	vperm.xlane v3, v2  }
0xc5: {  	[hbm4b:s6+s2] =	stream.indirect_vreg.scatter [tilespmem:s22], [sflag:$0x4], $0x80, v4, vm0, $0xb8;
	[tilespmem:$0x10100] =	vst v63  }
0xc6: {  	v3 =	vadd.s32 v1, v3  }
0xc7: {  	[hbm4b:s7+s2] =	stream.indirect_vreg.scatter [tilespmem:s30], [sflag:$0x4], $0x80, v4, vm0, $0xb8;
	[tilespmem:$0x10100] =	vst v63  }
0xc8: {  	s25 =	simm.s32 $0x9800  }
0xc9: {  	[hbm4b:s8+s2] =	stream.indirect_vreg.scatter [tilespmem:s25], [sflag:$0x4], $0x80, v4, vm0, $0xb8;
	[tilespmem:$0x10100] =	vst v63  }
0xca: {  	s12 =	simm.s32 $0xA000  }
0xcb: {  	[hbm4b:s5+s2] =	stream.indirect_vreg.scatter [tilespmem:s12], [sflag:$0x4], $0x80, v3, vm0, $0xb8;
	[tilespmem:$0x10100] =	vst v63  }
0xcc: {  	s25 =	simm.s32 $0xA800  }
0xcd: {  	[hbm4b:s6+s2] =	stream.indirect_vreg.scatter [tilespmem:s25], [sflag:$0x4], $0x80, v3, vm0, $0xb8;
	[tilespmem:$0x10100] =	vst v63  }
0xce: {  	s12 =	simm.s32 $0xB000  }
0xcf: {  	[hbm4b:s7+s2] =	stream.indirect_vreg.scatter [tilespmem:s12], [sflag:$0x4], $0x80, v3, vm0, $0xb8;
	[tilespmem:$0x10100] =	vst v63  }
0xd0: {  	s25 =	simm.s32 $0xB800  }
0xd1: {  	[hbm4b:s8+s2] =	stream.indirect_vreg.scatter [tilespmem:s25], [sflag:$0x4], $0x80, v3, vm0, $0xb8;
	[tilespmem:$0x10100] =	vst v63  }
0xd2: {  	v3 =	vld [tilespmem:$0x10090];
	_ =	sdelay $0x4  }
0xd3: {  	v63 =	vshll.u32 v3, $0x3  }
0xd4: {  	v3 =	vand.u32 $0x7, v3;
	v4 =	vand.u32 $0xFFFFFFC0, v63  }
0xd5: {  	v3 =	vor.u32 v3, v4  }
0xd6: {  	v4 =	vperm.xlane v3, v0;
	_ =	sdelay $0x1  }
0xd7: {  	v4 =	vadd.s32 v1, v4;
	_ =	sdelay $0x3  }
0xd8: {  	s12 =	simm.s32 $0xC000  }
0xd9: {  	[hbm4b:s5+s2] =	stream.indirect_vreg.scatter [tilespmem:s12], [sflag:$0x4], $0x80, v4, vm0, $0xb8;
	[tilespmem:$0x10100] =	vst v63  }
0xda: {  	s25 =	simm.s32 $0xC800;
	v3 =	vperm.xlane v3, v2  }
0xdb: {  	[hbm4b:s6+s2] =	stream.indirect_vreg.scatter [tilespmem:s25], [sflag:$0x4], $0x80, v4, vm0, $0xb8;
	[tilespmem:$0x10100] =	vst v63  }
0xdc: {  	v3 =	vadd.s32 v1, v3;
	s12 =	simm.s32 $0xD000  }
0xdd: {  	[hbm4b:s7+s2] =	stream.indirect_vreg.scatter [tilespmem:s12], [sflag:$0x4], $0x80, v4, vm0, $0xb8;
	[tilespmem:$0x10100] =	vst v63  }
0xde: {  	s25 =	simm.s32 $0xD800  }
0xdf: {  	[hbm4b:s8+s2] =	stream.indirect_vreg.scatter [tilespmem:s25], [sflag:$0x4], $0x80, v4, vm0, $0xb8;
	[tilespmem:$0x10100] =	vst v63  }
0xe0: {  	s12 =	simm.s32 $0xE000  }
0xe1: {  	[hbm4b:s5+s2] =	stream.indirect_vreg.scatter [tilespmem:s12], [sflag:$0x4], $0x80, v3, vm0, $0xb8;
	[tilespmem:$0x10100] =	vst v63  }
0xe2: {  	s25 =	simm.s32 $0xE800  }
0xe3: {  	[hbm4b:s6+s2] =	stream.indirect_vreg.scatter [tilespmem:s25], [sflag:$0x4], $0x80, v3, vm0, $0xb8;
	[tilespmem:$0x10100] =	vst v63  }
0xe4: {  	s12 =	simm.s32 $0xF000  }
0xe5: {  	[hbm4b:s7+s2] =	stream.indirect_vreg.scatter [tilespmem:s12], [sflag:$0x4], $0x80, v3, vm0, $0xb8;
	[tilespmem:$0x10100] =	vst v63  }
0xe6: {  	s25 =	simm.s32 $0xF800  }
0xe7: {  	[hbm4b:s8+s2] =	stream.indirect_vreg.scatter [tilespmem:s25], [sflag:$0x4], $0x80, v3, vm0, $0xb8;
	[tilespmem:$0x10100] =	vst v63  }
0xe8: {  	p0 =	sne.s32 s9, $0x1;
	_ =	swait.ge [sflag:s23], $0x8000  }
.Ltmp0:
0xe9: {  	[sflag:s23] =	ssyncset.done $0x0;
	(pc) =	sbr.rel @p0 .LBB2_1-.Ltmp0, $4  }
0xea: {  	[sflag:s23] =	ssyncadd.s32 $0xFFFF8000  }
0xeb: {  	_ =	swait.ge [sflag:s24], $0x8000  }
0xec: {  	[sflag:s24] =	ssyncset.done $0x0  }
0xed: {  	s9 =	sadd.s32 $0xFFFFFFFF, s9;
	[sflag:s24] =	ssyncadd.s32 $0xFFFF8000  }
0xee: {  	_ =	sfence.sel $0x180000  }
0xef: {  	[bflag:$0x0] =	sbarrier.arrive $0xFFFF  }
0xf0: {  	_ =	strace $0x90000047  }
0xf1: {  	s0 =	stileid.u32;
	[bflag:$0x2] =	sbarrier.arrive $0xFFFF  }
0xf2: {  	p0 =	sne.s32 s0, $0x0;
	s0 =	rddreg [dreg:$0x3]  }
0xf3: {  	s0 =	sadd.s32 @!p0 $0x100000, s0  }
0xf4: {  	[sflag:s0] =	ssyncadd.tile.s32 @!p0 $0x1;
	_ =	shalt  }
.Lfunc_end2:
_tile_overlayer_lowered:
.L_overlay_start_2:
0xf5: {  	(tag) =	ssettag $0x2  }
0xf6: {  	s0 =	rddreg [dreg:$0x0];
	s2 =	stileid.u32  }
0xf7: {  	s1 =	rddreg [dreg:$0x1];
	p0 =	sne.s32 s2, $0x0  }
0xf8: {  	s3 =	rddreg [dreg:$0x2];
	[bflag:$0x3] =	sbarrier.arrive $0xFFFF;
	s2 =	simm.s32 @!p0 $0x1C05  }
0xf9: {  	[timem:s3], [sflag:s2] =	dma.local @!p0 [hbm:s0], s1  }
0xfa: {  	s0 =	simm.s32 @!p0 $0x5  }
0xfb: {  	_ =	swait.ge @!p0 [sflag:s0], s1  }
0xfc: {  	s1 =	ssub.s32 @!p0 $0x0, s1;
	[sflag:s0] =	ssyncset.done @!p0 $0x0  }
0xfd: {  	[sflag:s0] =	ssyncadd.s32 @!p0 s1  }
0xfe: {  	[bflag:$0x3] =	sbarrier.arrive $0xFFFF  }
0xff: {  	_ =	shalt  }

// kernel: kernel.14.cloned.1.call-start
scs
__scs_entry_jumppad:
0x0: {  	(pc) =	sbr.rel $0x88, $3  }
0x1: {  	(tag) =	ssettag $0x0;
	lr =	simm.s32 $0x1  }
0x2: {  	[smem:$0x3F9C] =	sst lr;
	_ =	strace $0xD0000000  }
0x3: {  	_ = 	snop  }
0x4: {  	_ = 	snop  }
0x5: {  	_ = 	snop  }
0x6: {  	_ = 	snop  }
0x7: {  	_ = 	snop  }
__scs_overlays_trampoline_lowered:
0x8: {  	[smem:$0x3FAB] =	sst s0  }
0x9: {  	[smem:$0x3FAC] =	sst s1  }
0xa: {  	[smem:$0x3FAD] =	sst s2  }
0xb: {  	[smem:$0x3FAE] =	sst s3  }
0xc: {  	[smem:$0x3FAF] =	sst s4  }
0xd: {  	[smem:$0x3FB0] =	sst s5  }
0xe: {  	[smem:$0x3FB1] =	sst s6  }
0xf: {  	[smem:$0x3FB2] =	sst s7  }
0x10: {  	[smem:$0x3FB3] =	sst s8  }
0x11: {  	[smem:$0x3FB4] =	sst s9;
	s0 =	simm.s32 @!p0 $0x0  }
0x12: {  	s1 =	sld [smem:$0x3F9A];
	s0 =	simm.s32 @p0 $0x1  }
0x13: {  	[smem:$0x3FB5] =	sst s0;
	s0 =	simm.s32 @!p1 $0x0  }
0x14: {  	s2 =	sld [smem:$0x3F99];
	s0 =	simm.s32 @p1 $0x1  }
0x15: {  	[smem:$0x3FB6] =	sst s0;
	s0 =	simm.s32 @!p2 $0x0  }
0x16: {  	s3 =	sld [smem:$0x3FDB];
	s0 =	simm.s32 @p2 $0x1  }
0x17: {  	s4 =	simm.s32 $0x1BF5;
	[smem:$0x3FB8] =	sst s0  }
0x18: {  	s0 =	sld [smem:$0x3F9B];
	_ =	swait.ge [sflag:s4], $0x0  }
0x19: {  	s7 =	sld [smem:$0x3F9C]  }
0x1a: {  	s8 =	sadd.s32 $0xFFFFE003, lr  }
0x1b: {  	s9 =	sadd.s32 $0xFFFFFEF7, lr;
	s5 =	simm.s32 $0xFFFFFFFF;
	p2 =	slt.u32 s8, $0xFFFFF086  }
0x1c: {  	p1 =	slt.u32 s9, $0xF7A;
	s5 =	simm.s32 @!p2 $0x0  }
0x1d: {  	s5 =	simm.s32 @p1 $0x1;
	p0 =	seq.s32 s7, s2  }
0x1e: {  	s7 =	smul.u32 @!p0 $0xF7A, s2;
	p2 =	seq.s32 @!p0 s5, $0x0  }
0x1f: {  	s9 =	smul.u32 $0xF7A, s1;
	s8 =	simm.s32 @!p0 $0x1BF5;
	p2 =	por !p2, p0  }
0x20: {  	[sflag:s8] =	ssyncset.s32 @!p0 $0xFFFFF086;
	s6 =	sadd.s32 @!p0 s3, s7;
	s7 =	simm.s32 @!p0 $0x108  }
0x21: {  	s3 =	sadd.s32 s3, s9;
	s6 =	sadd.s32 @!p0 $0x88, s6;
	s7 =	simm.s32 @p2 $0x1082  }
0x22: {  	[simem:s7], [sflag:s8] =	dma.local @!p0 [hbm:s6], $0xF7A  }
0x23: {  	s9 =	sor.u32 $0xD0000000, s2;
	s6 =	simm.s32 $0x108;
	_ =	swait.ge @!p0 [sflag:s8], $0x0  }
0x24: {  	s3 =	sadd.s32 $0x88, s3;
	s6 =	simm.s32 @!p1 $0x1082;
	[sflag:s4] =	ssyncset.s32 $0xFFFFF086  }
0x25: {  	[simem:s6], [sflag:s4] =	dma.local [hbm:s3], $0xF7A  }
0x26: {  	[smem:$0x3F9C] =	sst s1;
	(tag) =	ssettag s2;
	_ =	strace s9  }
0x27: {  	s1 =	sld [smem:$0x3FAC]  }
0x28: {  	s2 =	sld [smem:$0x3FAD]  }
0x29: {  	s4 =	sld [smem:$0x3FAF]  }
0x2a: {  	p0 =	seq.s32 s5, $0x0;
	s5 =	sld [smem:$0x3FB0]  }
0x2b: {  	s6 =	sld [smem:$0x3FB1]  }
0x2c: {  	s7 =	sld [smem:$0x3FB2]  }
0x2d: {  	s3 =	simm.s32 $0x108;
	s8 =	sld [smem:$0x3FB3]  }
0x2e: {  	s3 =	simm.s32 @!p0 $0x1082;
	s9 =	sld [smem:$0x3FB4]  }
0x2f: {  	lr =	sadd.s32 s0, s3;
	s0 =	sld [smem:$0x3FAB]  }
0x30: {  	s3 =	sld [smem:$0x3FAE]  }
0x31: {  	[smem:$0x3FB7] =	sst s10  }
0x32: {  	s10 =	sld [smem:$0x3FB5];
	_ =	sdelay $0x3  }
0x33: {  	p0 =	seq.s32 s10, $0x1;
	s10 =	sld [smem:$0x3FB7];
	_ =	sdelay $0x3  }
0x34: {  	[smem:$0x3FB7] =	sst s10  }
0x35: {  	s10 =	sld [smem:$0x3FB6];
	_ =	sdelay $0x3  }
0x36: {  	p1 =	seq.s32 s10, $0x1;
	s10 =	sld [smem:$0x3FB7];
	_ =	sdelay $0x3  }
0x37: {  	[smem:$0x3FB7] =	sst s10  }
0x38: {  	s10 =	sld [smem:$0x3FB8]  }
0x39: {  	_ = 	snop;
	(pc) =	sbr.ind lr, $3  }
0x3a: {  	_ = 	snop  }
0x3b: {  	_ = 	snop  }
0x3c: {  	p2 =	seq.s32 s10, $0x1;
	s10 =	sld [smem:$0x3FB7]  }
0x3d: {  	_ =	shalt  }
0x3e: {  	_ =	shalt  }
0x3f: {  	_ =	shalt  }
0x40: {  	_ =	shalt  }
0x41: {  	_ =	shalt  }
0x42: {  	_ =	shalt  }
0x43: {  	_ =	shalt  }
0x44: {  	_ =	shalt  }
0x45: {  	_ =	shalt  }
0x46: {  	_ =	shalt  }
0x47: {  	_ =	shalt  }
0x48: {  	_ =	shalt  }
0x49: {  	_ =	shalt  }
0x4a: {  	_ =	shalt  }
0x4b: {  	_ =	shalt  }
0x4c: {  	_ =	shalt  }
0x4d: {  	_ =	shalt  }
0x4e: {  	_ =	shalt  }
0x4f: {  	_ =	shalt  }
0x50: {  	_ =	shalt  }
0x51: {  	_ =	shalt  }
0x52: {  	_ =	shalt  }
0x53: {  	_ =	shalt  }
0x54: {  	_ =	shalt  }
0x55: {  	_ =	shalt  }
0x56: {  	_ =	shalt  }
0x57: {  	_ =	shalt  }
0x58: {  	_ =	shalt  }
0x59: {  	_ =	shalt  }
0x5a: {  	_ =	shalt  }
0x5b: {  	_ =	shalt  }
0x5c: {  	_ =	shalt  }
0x5d: {  	_ =	shalt  }
0x5e: {  	_ =	shalt  }
0x5f: {  	_ =	shalt  }
0x60: {  	_ =	shalt  }
0x61: {  	_ =	shalt  }
0x62: {  	_ =	shalt  }
0x63: {  	_ =	shalt  }
0x64: {  	_ =	shalt  }
0x65: {  	_ =	shalt  }
0x66: {  	_ =	shalt  }
0x67: {  	_ =	shalt  }
0x68: {  	_ =	shalt  }
0x69: {  	_ =	shalt  }
0x6a: {  	_ =	shalt  }
0x6b: {  	_ =	shalt  }
0x6c: {  	_ =	shalt  }
0x6d: {  	_ =	shalt  }
0x6e: {  	_ =	shalt  }
0x6f: {  	_ =	shalt  }
0x70: {  	_ =	shalt  }
0x71: {  	_ =	shalt  }
0x72: {  	_ =	shalt  }
0x73: {  	_ =	shalt  }
0x74: {  	_ =	shalt  }
0x75: {  	_ =	shalt  }
0x76: {  	_ =	shalt  }
0x77: {  	_ =	shalt  }
0x78: {  	_ =	shalt  }
0x79: {  	_ =	shalt  }
0x7a: {  	_ =	shalt  }
0x7b: {  	_ =	shalt  }
0x7c: {  	_ =	shalt  }
0x7d: {  	_ =	shalt  }
0x7e: {  	_ =	shalt  }
0x7f: {  	_ =	shalt  }
0x80: {  	_ =	shalt  }
0x81: {  	_ =	shalt  }
0x82: {  	_ =	shalt  }
0x83: {  	_ =	shalt  }
0x84: {  	_ =	shalt  }
0x85: {  	_ =	shalt  }
0x86: {  	_ =	shalt  }
0x87: {  	_ =	shalt  }
.Lfunc_end0:
.L_simem_size_0:
called_computation.1_lowered:
.L_overlay_start_0:
0x88: {  	s2 =	sld [smem:$0x3FD9]  }
0x89: {  	s3 =	sld [smem:$0x3FFE];
	_ =	sdelay $0x1  }
0x8a: {  	s1 =	srdreg.scid  }
0x8b: {  	s0 =	sand.u32 $0x1, s1  }
0x8c: {  	s15 =	sshll.u32 s0, $0xA;
	s2 =	sadd.s32 s3, s2  }
0x8d: {  	s2 =	sadd.s32 s2, s15  }
0x8e: {  	[smem:$0x3FC3] =	sst s2  }
0x8f: {  	_ = 	snop  }
0x90: {  	s2 =	sld [smem:$0x3FD0];
	_ =	sdelay $0x2  }
0x91: {  	s16 =	simm.s32 $0xB;
	s4 =	simm.s32 $0x10  }
0x92: {  	[smem:s4], [sflag:s16] =	dma.local [hbm:s2], $0x1  }
0x93: {  	_ =	swait.eq [sflag:s16], $0x1  }
0x94: {  	[sflag:s16] =	ssyncset.done $0x0  }
0x95: {  	[sflag:s16] =	ssyncadd.s32 $0xFFFFFFFF  }
0x96: {  	s17 =	sld [smem:$0x10];
	(tm) =	ssettm $0x1  }
0x97: {  	s18 =	sld [smem:$0x3FFB];
	_ =	sdelay $0x3  }
0x98: {  	_ =	strace s18  }
0x99: {  	s2 =	sld [smem:$0x3FFC];
	_ =	sdelay $0x3  }
0x9a: {  	_ =	strace s2  }
0x9b: {  	s2 =	sld [smem:$0x3FFD];
	_ =	sdelay $0x3  }
0x9c: {  	_ =	strace s2  }
0x9d: {  	_ =	strace $0x8FFFFFFF  }
0x9e: {  	s19 =	sld [smem:$0x3FDB];
	_ =	sdelay $0x1  }
0x9f: {  	s20 =	simm.s32 $_scs_section_size  }
0xa0: {  	s5 =	simm.s32 $_size__tile_overlayer_lowered;
	s6 =	simm.s32 $_tile_overlayer_lowered  }
0xa1: {  	s7 =	simm.s32 $0x1BFF;
	s21 =	sshll.u32 s6, $0x1;
	s4 =	sadd.s32 s20, s19  }
0xa2: {  	s22 =	simm.s32 $0x0;
	s5 =	sshll.u32 s5, $0x1;
	s6 =	sadd.s32 s21, s4  }
0xa3: {  	[timem:s22], [sflag:s7] =	dma.local [hbm:s6], s5  }
0xa4: {  	_ =	swait.ge [sflag:s7], s5  }
0xa5: {  	s5 =	ssub.s32 $0x0, s5;
	[sflag:s7] =	ssyncset.done $0x0  }
0xa6: {  	[sflag:s7] =	ssyncadd.s32 s5;
	_ =	sdelay $0x1  }
0xa7: {  	s23 =	simm.s32 $0x1B8B  }
0xa8: {  	_ =	swait.ge [sflag:s23], $0x1  }
0xa9: {  	[sflag:s23] =	ssyncset.done $0x0  }
0xaa: {  	[sflag:s23] =	ssyncadd.s32 $0xFFFFFFFF  }
0xab: {  	s5 =	sld [smem:$0x0]  }
0xac: {  	s6 =	sand.u32 $0xFFFFFFFE, s1  }
0xad: {  	p0 =	sne.s32 s1, s6  }
0xae: {  	s6 =	sshll.u32 @p0 s6, $0xE  }
0xaf: {  	s6 =	sadd.s32 @p0 $0x11B8D, s6;
	s7 =	sshll.u32 @p0 s5, $0x11  }
0xb0: {  	s6 =	sor.u32 @p0 s7, s6  }
0xb1: {  	[sflag:s6] =	ssyncadd.remote.s32 @p0 $0x1;
	_ =	sdelay $0x1  }
0xb2: {  	s6 =	simm.s32 @p0 $0x1B8D  }
0xb3: {  	_ =	swait.eq @p0 [sflag:s6], $0x1  }
0xb4: {  	[sflag:s6] =	ssyncadd.s32 @p0 $0xFFFFFFFF  }
0xb5: {  	s7 =	sshll.u32 @!p0 s1, $0xE  }
0xb6: {  	s7 =	sor.u32 @!p0 $0x4000, s7;
	s6 =	simm.s32 @!p0 $0x1B8D  }
0xb7: {  	s5 =	sshll.u32 @!p0 s5, $0x11;
	s7 =	sadd.s32 @!p0 $0x11B8D, s7;
	_ =	swait.eq @!p0 [sflag:s6], $0x1  }
0xb8: {  	s5 =	sor.u32 @!p0 s5, s7;
	[sflag:s6] =	ssyncadd.s32 @!p0 $0xFFFFFFFF  }
0xb9: {  	s25 =	simm.s32 $0x1B8E;
	s24 =	sld [smem:$0x3FFE];
	[sflag:s5] =	ssyncadd.remote.s32 @!p0 $0x1  }
0xba: {  	s26 =	simm.s32 $execute0_lowered;
	[smem:$0x3FD2] =	sst s25  }
0xbb: {  	s6 =	sshll.u32 s26, $0x1;
	_ =	strace $0x8000004C;
	[dreg:$0x1] =	wrdreg $0xFFFFFFFF  }
0xbc: {  	s28 =	simm.s32 $_size_execute0_lowered;
	s4 =	sadd.s32 s4, s6;
	[dreg:$0x0] =	wrdreg $0x0  }
0xbd: {  	s6 =	sshll.u32 s28, $0x1;
	[dreg:$0x2] =	wrdreg s4  }
0xbe: {  	[dreg:$0x3] =	wrdreg s6  }
0xbf: {  	[dreg:$0x4] =	wrdreg $0xC0  }
0xc0: {  	_ =	task [dreg:s22], $0x5FFFF  }
0xc1: {  	[dreg:$0x1] =	wrdreg $0xFFFFFFFF  }
0xc2: {  	[dreg:$0x0] =	wrdreg $0x60  }
0xc3: {  	[dreg:$0x2] =	wrdreg s24  }
0xc4: {  	[dreg:$0x3] =	wrdreg s17  }
0xc5: {  	[dreg:$0x4] =	wrdreg $0x9  }
0xc6: {  	_ =	task.clear_ibuf [dreg:s22], $0x5FFFF;
	_ =	strace $0x9000004C  }
0xc7: {  	s29 =	simm.s32 $0x9;
	_ =	strace $0x8000004E  }
0xc8: {  	_ =	swait.ge [sflag:s29], $0x1  }
0xc9: {  	[sflag:s29] =	ssyncadd.s32 $0xFFFFFFFF  }
0xca: {  	_ =	strace $0x9000004E  }
0xcb: {  	_ =	sfence  }
0xcc: {  	s30 =	sld [smem:$0x0];
	_ =	sdelay $0x2  }
0xcd: {  	s31 =	sshll.u32 s1, $0xD;
	s1 =	sshrl.u32 s1, $0x2  }
0xce: {  	s4 =	sand.u32 $0x4000, s31;
	s1 =	sadd.s32 s1, s30  }
0xcf: {  	s0 =	sor.u32 s4, s0;
	s1 =	sshll.u32 s1, $0x11  }
0xd0: {  	s0 =	sor.u32 s1, s0  }
0xd1: {  	s0 =	sadd.s32 $0x8F2B, s0  }
0xd2: {  	[sflag:s0] =	ssyncadd.remote.s32 $0x1  }
0xd3: {  	_ =	sfence.sel $0xFFFF  }
0xd4: {  	[dreg:$0x0] =	wrdreg $0xFFFFFFFF;
	(pc) =	sbr.abs _section_cstart, $3  }
0xd5: {  	[dreg:$0x1] =	wrdreg $0xFFFFFFFF  }
0xd6: {  	_ =	task.clear_ibuf [dreg:s22], $0x2FFFF;
	_ =	strace $0x9FFFFFFF  }
0xd7: {  	(tm) =	ssettm $0x7FFFFFFF  }
tec
execute0_lowered:
.L_overlay_start_1:
0x0: {  	(tag) =	ssettag $0x1  }
0x1: {  	s0 =	rddreg [dreg:$0x0]  }
0x2: {  	s1 =	rddreg [dreg:$0x1];
	s2 =	simm.s32 $0x0  }
0x3: {  	s3 =	srdreg.scid;
	s5 =	stileid.u32;
	s29 =	simm.s32 $0x1000  }
0x4: {  	s30 =	simm.s32 $0x1800;
	s31 =	simm.s32 $0x2000;
	s11 =	simm.s32 $0x4800  }
0x5: {  	s12 =	simm.s32 $0x5000;
	s13 =	simm.s32 $0x5800;
	s14 =	simm.s32 $0x6000  }
0x6: {  	s28 =	simm.s32 $0x9000;
	[smem:$0x7FF] =	sst s2;
	s4 =	sand.u32 $0x1, s3  }
0x7: {  	s5 =	sshll.u32 s5, $0x8;
	s3 =	sadd.s32 $0x180A00, s0;
	s15 =	sadd.s32 $0x800, s0  }
0x8: {  	_ =	strace $0x8000004D;
	s6 =	sshll.u32 s4, $0x7;
	s4 =	ssub.s32 $0x2, s4  }
0x9: {  	s5 =	sor.u32 s6, s5;
	s7 =	sshrl.u32 s4, $0x1;
	s6 =	sadd.s32 $0x180D00, s0  }
0xa: {  	s8 =	sshrl.u32 s5, $0x3;
	s9 =	sshll.u32 s5, $0x7;
	s10 =	sor.u32 $0x20, s5  }
0xb: {  	s21 =	sor.u32 $0x40, s5;
	s7 =	ssub.s32 s4, s7;
	s5 =	sor.u32 $0x60, s5  }
0xc: {  	s8 =	sadd.s32 s1, s8;
	s16 =	sadd.s32 s15, s9;
	s17 =	sshrl.u32 s10, $0x3  }
0xd: {  	s19 =	sshll.u32 s10, $0x7;
	s22 =	sshrl.u32 s21, $0x3;
	s23 =	sshll.u32 s21, $0x7  }
0xe: {  	s25 =	sshrl.u32 s5, $0x3;
	s5 =	sshll.u32 s5, $0x7;
	s7 =	smax.u32 s7, $0x1  }
0xf: {  	s9 =	simm.s32 $0x5;
	s21 =	simm.s32 $0x4;
	[dreg:$0x3] =	wrdreg s8  }
0x10: {  	s10 =	simm.s32 $0x4000;
	[dreg:$0x4] =	wrdreg s16;
	s18 =	sadd.s32 s1, s17  }
0x11: {  	s20 =	sadd.s32 s15, s19;
	s4 =	sadd.s32 s1, s22;
	s24 =	sadd.s32 s15, s23  }
0x12: {  	s1 =	sadd.s32 s1, s25;
	s26 =	sadd.s32 s15, s5;
	[dreg:$0x5] =	wrdreg s18  }
0x13: {  	s5 =	sadd.s32 $0x180C00, s0;
	s19 =	simm.s32 $0x2;
	[dreg:$0x6] =	wrdreg s20  }
0x14: {  	s8 =	simm.s32 $0x3800;
	s15 =	simm.s32 $0x6800;
	[dreg:$0x7] =	wrdreg s4  }
0x15: {  	s16 =	simm.s32 $0x7000;
	s17 =	simm.s32 $0x7800;
	[dreg:$0x8] =	wrdreg s24  }
0x16: {  	v2 =	vlaneseq.u32;
	s25 =	simm.s32 $0x8000;
	s4 =	sadd.s32 $0x180B00, s0;
	[dreg:$0x9] =	wrdreg s1  }
0x17: {  	vm0 =	vmmov $0xffff;
	v1 =	vshrl.u32 v2, $0x3;
	[dreg:$0xa] =	wrdreg s26;
	s20 =	simm.s32 $0x3;
	s24 =	simm.s32 $0x10000  }
0x18: {  	v0 =	vand.u32 $0x7, v2;
	v2 =	vor.u32 $0x8, v2;
	v1 =	vmul.u32 $0x8, v1;
	s26 =	simm.s32 $0x800;
	s18 =	simm.s32 $0x2800;
	s1 =	simm.s32 $0x3000  }
.LBB2_1:
0x19: {  	s22 =	rddreg [dreg:$0x3]  }
0x1a: {  	[tilespmem:s24], [sflag:$0x5] =	stream.linear.gather [hbm4b:s22+s2], $0x20, $0x38;
	[tilespmem:$0x10100] =	vst v63  }
0x1b: {  	_ =	swait.ge [sflag:s9], $0x20  }
0x1c: {  	[sflag:s9] =	ssyncset.done $0x0  }
0x1d: {  	[sflag:s9] =	ssyncadd.s32 $0xFFFFFFE0  }
0x1e: {  	v3 =	vld [tilespmem:$0x10000];
	_ =	sdelay $0x4  }
0x1f: {  	v4 =	vshll.u32 v3, $0x3  }
0x20: {  	v3 =	vand.u32 $0x7, v3;
	v4 =	vand.u32 $0xFFFFFFC0, v4  }
0x21: {  	v3 =	vor.u32 v3, v4  }
0x22: {  	v4 =	vperm.xlane v3, v0;
	_ =	sdelay $0x1  }
0x23: {  	v4 =	vadd.s32 v1, v4;
	_ =	sdelay $0x4  }
0x24: {  	[tilespmem:s2], [sflag:$0x1] =	stream.indirect_vreg.gather [hbm4b:s3+s2], $0x80, v4, vm0, $0xb8;
	[tilespmem:$0x10100] =	vst v63  }
0x25: {  	v3 =	vperm.xlane v3, v2  }
0x26: {  	[tilespmem:s26], [sflag:$0x1] =	stream.indirect_vreg.gather [hbm4b:s4+s2], $0x80, v4, vm0, $0xb8;
	[tilespmem:$0x10100] =	vst v63  }
0x27: {  	v3 =	vadd.s32 v1, v3  }
0x28: {  	[tilespmem:s29], [sflag:$0x1] =	stream.indirect_vreg.gather [hbm4b:s5+s2], $0x80, v4, vm0, $0xb8;
	[tilespmem:$0x10100] =	vst v63  }
0x29: {  	_ = 	snop  }
0x2a: {  	[tilespmem:s30], [sflag:$0x1] =	stream.indirect_vreg.gather [hbm4b:s6+s2], $0x80, v4, vm0, $0xb8;
	[tilespmem:$0x10100] =	vst v63  }
0x2b: {  	_ = 	snop  }
0x2c: {  	[tilespmem:s31], [sflag:$0x1] =	stream.indirect_vreg.gather [hbm4b:s3+s2], $0x80, v3, vm0, $0xb8;
	[tilespmem:$0x10100] =	vst v63  }
0x2d: {  	_ = 	snop  }
0x2e: {  	[tilespmem:s18], [sflag:$0x1] =	stream.indirect_vreg.gather [hbm4b:s4+s2], $0x80, v3, vm0, $0xb8;
	[tilespmem:$0x10100] =	vst v63  }
0x2f: {  	_ = 	snop  }
0x30: {  	[tilespmem:s1], [sflag:$0x1] =	stream.indirect_vreg.gather [hbm4b:s5+s2], $0x80, v3, vm0, $0xb8;
	[tilespmem:$0x10100] =	vst v63  }
0x31: {  	_ = 	snop  }
0x32: {  	[tilespmem:s8], [sflag:$0x1] =	stream.indirect_vreg.gather [hbm4b:s6+s2], $0x80, v3, vm0, $0xb8;
	[tilespmem:$0x10100] =	vst v63  }
0x33: {  	v3 =	vld [tilespmem:$0x10010];
	_ =	sdelay $0x4  }
0x34: {  	v57 =	vshll.u32 v3, $0x3  }
0x35: {  	v3 =	vand.u32 $0x7, v3;
	v4 =	vand.u32 $0xFFFFFFC0, v57  }
0x36: {  	v3 =	vor.u32 v3, v4  }
0x37: {  	v4 =	vperm.xlane v3, v0;
	_ =	sdelay $0x1  }
0x38: {  	v4 =	vadd.s32 v1, v4;
	_ =	sdelay $0x4  }
0x39: {  	[tilespmem:s10], [sflag:$0x1] =	stream.indirect_vreg.gather [hbm4b:s3+s2], $0x80, v4, vm0, $0xb8;
	[tilespmem:$0x10100] =	vst v63  }
0x3a: {  	v3 =	vperm.xlane v3, v2  }
0x3b: {  	[tilespmem:s11], [sflag:$0x1] =	stream.indirect_vreg.gather [hbm4b:s4+s2], $0x80, v4, vm0, $0xb8;
	[tilespmem:$0x10100] =	vst v63  }
0x3c: {  	v3 =	vadd.s32 v1, v3  }
0x3d: {  	[tilespmem:s12], [sflag:$0x1] =	stream.indirect_vreg.gather [hbm4b:s5+s2], $0x80, v4, vm0, $0xb8;
	[tilespmem:$0x10100] =	vst v63  }
0x3e: {  	_ = 	snop  }
0x3f: {  	[tilespmem:s13], [sflag:$0x1] =	stream.indirect_vreg.gather [hbm4b:s6+s2], $0x80, v4, vm0, $0xb8;
	[tilespmem:$0x10100] =	vst v63  }
0x40: {  	_ = 	snop  }
0x41: {  	[tilespmem:s14], [sflag:$0x1] =	stream.indirect_vreg.gather [hbm4b:s3+s2], $0x80, v3, vm0, $0xb8;
	[tilespmem:$0x10100] =	vst v63  }
0x42: {  	_ = 	snop  }
0x43: {  	[tilespmem:s15], [sflag:$0x1] =	stream.indirect_vreg.gather [hbm4b:s4+s2], $0x80, v3, vm0, $0xb8;
	[tilespmem:$0x10100] =	vst v63  }
0x44: {  	_ = 	snop  }
0x45: {  	[tilespmem:s16], [sflag:$0x1] =	stream.indirect_vreg.gather [hbm4b:s5+s2], $0x80, v3, vm0, $0xb8;
	[tilespmem:$0x10100] =	vst v63  }
0x46: {  	s0 =	simm.s32 $0x1  }
0x47: {  	[tilespmem:s17], [sflag:$0x1] =	stream.indirect_vreg.gather [hbm4b:s6+s2], $0x80, v3, vm0, $0xb8;
	[tilespmem:$0x10100] =	vst v63  }
0x48: {  	_ =	swait.ge [sflag:s0], $0x8000  }
0x49: {  	[sflag:s0] =	ssyncset.done $0x0  }
0x4a: {  	s22 =	rddreg [dreg:$0x4];
	[sflag:s0] =	ssyncadd.s32 $0xFFFF8000  }
0x4b: {  	[hbm4b:s22+s2] =	stream.linear.scatter [tilespmem:s2], [sflag:$0x3], $0x8000, $0x38;
	[tilespmem:$0x10100] =	vst v63  }
0x4c: {  	s23 =	rddreg [dreg:$0x5];
	s22 =	simm.s32 $0x10080  }
0x4d: {  	[tilespmem:s22], [sflag:$0x5] =	stream.linear.gather [hbm4b:s23+s2], $0x20, $0x38;
	[tilespmem:$0x10100] =	vst v63  }
0x4e: {  	_ =	swait.ge [sflag:s9], $0x20  }
0x4f: {  	[sflag:s9] =	ssyncset.done $0x0  }
0x50: {  	[sflag:s9] =	ssyncadd.s32 $0xFFFFFFE0  }
0x51: {  	v3 =	vld [tilespmem:$0x10080];
	_ =	sdelay $0x4  }
0x52: {  	v58 =	vshll.u32 v3, $0x3  }
0x53: {  	v3 =	vand.u32 $0x7, v3;
	v4 =	vand.u32 $0xFFFFFFC0, v58  }
0x54: {  	v3 =	vor.u32 v3, v4  }
0x55: {  	v4 =	vperm.xlane v3, v0;
	_ =	sdelay $0x1  }
0x56: {  	v4 =	vadd.s32 v1, v4;
	_ =	sdelay $0x4  }
0x57: {  	[tilespmem:s25], [sflag:$0x2] =	stream.indirect_vreg.gather [hbm4b:s3+s2], $0x80, v4, vm0, $0xb8;
	[tilespmem:$0x10100] =	vst v63  }
0x58: {  	s23 =	simm.s32 $0x8800;
	v3 =	vperm.xlane v3, v2  }
0x59: {  	[tilespmem:s23], [sflag:$0x2] =	stream.indirect_vreg.gather [hbm4b:s4+s2], $0x80, v4, vm0, $0xb8;
	[tilespmem:$0x10100] =	vst v63  }
0x5a: {  	v3 =	vadd.s32 v1, v3  }
0x5b: {  	[tilespmem:s28], [sflag:$0x2] =	stream.indirect_vreg.gather [hbm4b:s5+s2], $0x80, v4, vm0, $0xb8;
	[tilespmem:$0x10100] =	vst v63  }
0x5c: {  	s22 =	simm.s32 $0x9800  }
0x5d: {  	[tilespmem:s22], [sflag:$0x2] =	stream.indirect_vreg.gather [hbm4b:s6+s2], $0x80, v4, vm0, $0xb8;
	[tilespmem:$0x10100] =	vst v63  }
0x5e: {  	s22 =	simm.s32 $0xA000  }
0x5f: {  	[tilespmem:s22], [sflag:$0x2] =	stream.indirect_vreg.gather [hbm4b:s3+s2], $0x80, v3, vm0, $0xb8;
	[tilespmem:$0x10100] =	vst v63  }
0x60: {  	s22 =	simm.s32 $0xA800  }
0x61: {  	[tilespmem:s22], [sflag:$0x2] =	stream.indirect_vreg.gather [hbm4b:s4+s2], $0x80, v3, vm0, $0xb8;
	[tilespmem:$0x10100] =	vst v63  }
0x62: {  	s22 =	simm.s32 $0xB000  }
0x63: {  	[tilespmem:s22], [sflag:$0x2] =	stream.indirect_vreg.gather [hbm4b:s5+s2], $0x80, v3, vm0, $0xb8;
	[tilespmem:$0x10100] =	vst v63  }
0x64: {  	s22 =	simm.s32 $0xB800  }
0x65: {  	[tilespmem:s22], [sflag:$0x2] =	stream.indirect_vreg.gather [hbm4b:s6+s2], $0x80, v3, vm0, $0xb8;
	[tilespmem:$0x10100] =	vst v63  }
0x66: {  	v3 =	vld [tilespmem:$0x10090];
	_ =	sdelay $0x4  }
0x67: {  	v59 =	vshll.u32 v3, $0x3  }
0x68: {  	v3 =	vand.u32 $0x7, v3;
	v4 =	vand.u32 $0xFFFFFFC0, v59  }
0x69: {  	v3 =	vor.u32 v3, v4  }
0x6a: {  	v4 =	vperm.xlane v3, v0;
	_ =	sdelay $0x1  }
0x6b: {  	v4 =	vadd.s32 v1, v4;
	_ =	sdelay $0x3  }
0x6c: {  	s22 =	simm.s32 $0xC000  }
0x6d: {  	[tilespmem:s22], [sflag:$0x2] =	stream.indirect_vreg.gather [hbm4b:s3+s2], $0x80, v4, vm0, $0xb8;
	[tilespmem:$0x10100] =	vst v63  }
0x6e: {  	v3 =	vperm.xlane v3, v2;
	s22 =	simm.s32 $0xC800  }
0x6f: {  	[tilespmem:s22], [sflag:$0x2] =	stream.indirect_vreg.gather [hbm4b:s4+s2], $0x80, v4, vm0, $0xb8;
	[tilespmem:$0x10100] =	vst v63  }
0x70: {  	v3 =	vadd.s32 v1, v3;
	s22 =	simm.s32 $0xD000  }
0x71: {  	[tilespmem:s22], [sflag:$0x2] =	stream.indirect_vreg.gather [hbm4b:s5+s2], $0x80, v4, vm0, $0xb8;
	[tilespmem:$0x10100] =	vst v63  }
0x72: {  	s22 =	simm.s32 $0xD800  }
0x73: {  	[tilespmem:s22], [sflag:$0x2] =	stream.indirect_vreg.gather [hbm4b:s6+s2], $0x80, v4, vm0, $0xb8;
	[tilespmem:$0x10100] =	vst v63  }
0x74: {  	s22 =	simm.s32 $0xE000  }
0x75: {  	[tilespmem:s22], [sflag:$0x2] =	stream.indirect_vreg.gather [hbm4b:s3+s2], $0x80, v3, vm0, $0xb8;
	[tilespmem:$0x10100] =	vst v63  }
0x76: {  	s22 =	simm.s32 $0xE800  }
0x77: {  	[tilespmem:s22], [sflag:$0x2] =	stream.indirect_vreg.gather [hbm4b:s4+s2], $0x80, v3, vm0, $0xb8;
	[tilespmem:$0x10100] =	vst v63  }
0x78: {  	s22 =	simm.s32 $0xF000  }
0x79: {  	[tilespmem:s22], [sflag:$0x2] =	stream.indirect_vreg.gather [hbm4b:s5+s2], $0x80, v3, vm0, $0xb8;
	[tilespmem:$0x10100] =	vst v63  }
0x7a: {  	s22 =	simm.s32 $0xF800  }
0x7b: {  	[tilespmem:s22], [sflag:$0x2] =	stream.indirect_vreg.gather [hbm4b:s6+s2], $0x80, v3, vm0, $0xb8;
	[tilespmem:$0x10100] =	vst v63  }
0x7c: {  	_ =	swait.ge [sflag:s19], $0x8000  }
0x7d: {  	[sflag:s19] =	ssyncset.done $0x0  }
0x7e: {  	s22 =	rddreg [dreg:$0x6];
	[sflag:s19] =	ssyncadd.s32 $0xFFFF8000  }
0x7f: {  	[hbm4b:s22+s2] =	stream.linear.scatter [tilespmem:s25], [sflag:$0x4], $0x8000, $0x38;
	[tilespmem:$0x10100] =	vst v63  }
0x80: {  	_ =	swait.ge [sflag:s20], $0x8000  }
0x81: {  	[sflag:s20] =	ssyncset.done $0x0  }
0x82: {  	s22 =	rddreg [dreg:$0x7];
	[sflag:s20] =	ssyncadd.s32 $0xFFFF8000  }
0x83: {  	[tilespmem:s24], [sflag:$0x5] =	stream.linear.gather [hbm4b:s22+s2], $0x20, $0x38;
	[tilespmem:$0x10100] =	vst v63  }
0x84: {  	_ =	swait.ge [sflag:s9], $0x20  }
0x85: {  	[sflag:s9] =	ssyncset.done $0x0  }
0x86: {  	[sflag:s9] =	ssyncadd.s32 $0xFFFFFFE0  }
0x87: {  	v3 =	vld [tilespmem:$0x10000];
	_ =	sdelay $0x4  }
0x88: {  	v60 =	vshll.u32 v3, $0x3  }
0x89: {  	v3 =	vand.u32 $0x7, v3;
	v4 =	vand.u32 $0xFFFFFFC0, v60  }
0x8a: {  	v3 =	vor.u32 v3, v4  }
0x8b: {  	v4 =	vperm.xlane v3, v0;
	_ =	sdelay $0x1  }
0x8c: {  	v4 =	vadd.s32 v1, v4;
	_ =	sdelay $0x4  }
0x8d: {  	[tilespmem:s2], [sflag:$0x1] =	stream.indirect_vreg.gather [hbm4b:s3+s2], $0x80, v4, vm0, $0xb8;
	[tilespmem:$0x10100] =	vst v63  }
0x8e: {  	v3 =	vperm.xlane v3, v2  }
0x8f: {  	[tilespmem:s26], [sflag:$0x1] =	stream.indirect_vreg.gather [hbm4b:s4+s2], $0x80, v4, vm0, $0xb8;
	[tilespmem:$0x10100] =	vst v63  }
0x90: {  	v3 =	vadd.s32 v1, v3  }
0x91: {  	[tilespmem:s29], [sflag:$0x1] =	stream.indirect_vreg.gather [hbm4b:s5+s2], $0x80, v4, vm0, $0xb8;
	[tilespmem:$0x10100] =	vst v63  }
0x92: {  	_ = 	snop  }
0x93: {  	[tilespmem:s30], [sflag:$0x1] =	stream.indirect_vreg.gather [hbm4b:s6+s2], $0x80, v4, vm0, $0xb8;
	[tilespmem:$0x10100] =	vst v63  }
0x94: {  	_ = 	snop  }
0x95: {  	[tilespmem:s31], [sflag:$0x1] =	stream.indirect_vreg.gather [hbm4b:s3+s2], $0x80, v3, vm0, $0xb8;
	[tilespmem:$0x10100] =	vst v63  }
0x96: {  	_ = 	snop  }
0x97: {  	[tilespmem:s18], [sflag:$0x1] =	stream.indirect_vreg.gather [hbm4b:s4+s2], $0x80, v3, vm0, $0xb8;
	[tilespmem:$0x10100] =	vst v63  }
0x98: {  	_ = 	snop  }
0x99: {  	[tilespmem:s1], [sflag:$0x1] =	stream.indirect_vreg.gather [hbm4b:s5+s2], $0x80, v3, vm0, $0xb8;
	[tilespmem:$0x10100] =	vst v63  }
0x9a: {  	_ = 	snop  }
0x9b: {  	[tilespmem:s8], [sflag:$0x1] =	stream.indirect_vreg.gather [hbm4b:s6+s2], $0x80, v3, vm0, $0xb8;
	[tilespmem:$0x10100] =	vst v63  }
0x9c: {  	v3 =	vld [tilespmem:$0x10010];
	_ =	sdelay $0x4  }
0x9d: {  	v61 =	vshll.u32 v3, $0x3  }
0x9e: {  	v3 =	vand.u32 $0x7, v3;
	v4 =	vand.u32 $0xFFFFFFC0, v61  }
0x9f: {  	v3 =	vor.u32 v3, v4  }
0xa0: {  	v4 =	vperm.xlane v3, v0;
	_ =	sdelay $0x1  }
0xa1: {  	v4 =	vadd.s32 v1, v4;
	_ =	sdelay $0x4  }
0xa2: {  	[tilespmem:s10], [sflag:$0x1] =	stream.indirect_vreg.gather [hbm4b:s3+s2], $0x80, v4, vm0, $0xb8;
	[tilespmem:$0x10100] =	vst v63  }
0xa3: {  	v3 =	vperm.xlane v3, v2  }
0xa4: {  	[tilespmem:s11], [sflag:$0x1] =	stream.indirect_vreg.gather [hbm4b:s4+s2], $0x80, v4, vm0, $0xb8;
	[tilespmem:$0x10100] =	vst v63  }
0xa5: {  	v3 =	vadd.s32 v1, v3  }
0xa6: {  	[tilespmem:s12], [sflag:$0x1] =	stream.indirect_vreg.gather [hbm4b:s5+s2], $0x80, v4, vm0, $0xb8;
	[tilespmem:$0x10100] =	vst v63  }
0xa7: {  	_ = 	snop  }
0xa8: {  	[tilespmem:s13], [sflag:$0x1] =	stream.indirect_vreg.gather [hbm4b:s6+s2], $0x80, v4, vm0, $0xb8;
	[tilespmem:$0x10100] =	vst v63  }
0xa9: {  	_ = 	snop  }
0xaa: {  	[tilespmem:s14], [sflag:$0x1] =	stream.indirect_vreg.gather [hbm4b:s3+s2], $0x80, v3, vm0, $0xb8;
	[tilespmem:$0x10100] =	vst v63  }
0xab: {  	_ = 	snop  }
0xac: {  	[tilespmem:s15], [sflag:$0x1] =	stream.indirect_vreg.gather [hbm4b:s4+s2], $0x80, v3, vm0, $0xb8;
	[tilespmem:$0x10100] =	vst v63  }
0xad: {  	_ = 	snop  }
0xae: {  	[tilespmem:s16], [sflag:$0x1] =	stream.indirect_vreg.gather [hbm4b:s5+s2], $0x80, v3, vm0, $0xb8;
	[tilespmem:$0x10100] =	vst v63  }
0xaf: {  	_ = 	snop  }
0xb0: {  	[tilespmem:s17], [sflag:$0x1] =	stream.indirect_vreg.gather [hbm4b:s6+s2], $0x80, v3, vm0, $0xb8;
	[tilespmem:$0x10100] =	vst v63  }
0xb1: {  	_ =	swait.ge [sflag:s0], $0x8000  }
0xb2: {  	[sflag:s0] =	ssyncset.done $0x0  }
0xb3: {  	s22 =	rddreg [dreg:$0x8];
	[sflag:s0] =	ssyncadd.s32 $0xFFFF8000  }
0xb4: {  	[hbm4b:s22+s2] =	stream.linear.scatter [tilespmem:s2], [sflag:$0x3], $0x8000, $0x38;
	[tilespmem:$0x10100] =	vst v63  }
0xb5: {  	_ =	swait.ge [sflag:s21], $0x8000  }
0xb6: {  	[sflag:s21] =	ssyncset.done $0x0  }
0xb7: {  	s0 =	simm.s32 $0x10080;
	s22 =	rddreg [dreg:$0x9];
	[sflag:s21] =	ssyncadd.s32 $0xFFFF8000  }
0xb8: {  	[tilespmem:s0], [sflag:$0x5] =	stream.linear.gather [hbm4b:s22+s2], $0x20, $0x38;
	[tilespmem:$0x10100] =	vst v63  }
0xb9: {  	_ =	swait.ge [sflag:s9], $0x20  }
0xba: {  	[sflag:s9] =	ssyncset.done $0x0  }
0xbb: {  	[sflag:s9] =	ssyncadd.s32 $0xFFFFFFE0  }
0xbc: {  	v3 =	vld [tilespmem:$0x10080];
	_ =	sdelay $0x4  }
0xbd: {  	v62 =	vshll.u32 v3, $0x3  }
0xbe: {  	v3 =	vand.u32 $0x7, v3;
	v4 =	vand.u32 $0xFFFFFFC0, v62  }
0xbf: {  	v3 =	vor.u32 v3, v4  }
0xc0: {  	v4 =	vperm.xlane v3, v0;
	_ =	sdelay $0x1  }
0xc1: {  	v4 =	vadd.s32 v1, v4;
	_ =	sdelay $0x4  }
0xc2: {  	[tilespmem:s25], [sflag:$0x2] =	stream.indirect_vreg.gather [hbm4b:s3+s2], $0x80, v4, vm0, $0xb8;
	[tilespmem:$0x10100] =	vst v63  }
0xc3: {  	v3 =	vperm.xlane v3, v2  }
0xc4: {  	[tilespmem:s23], [sflag:$0x2] =	stream.indirect_vreg.gather [hbm4b:s4+s2], $0x80, v4, vm0, $0xb8;
	[tilespmem:$0x10100] =	vst v63  }
0xc5: {  	v3 =	vadd.s32 v1, v3  }
0xc6: {  	[tilespmem:s28], [sflag:$0x2] =	stream.indirect_vreg.gather [hbm4b:s5+s2], $0x80, v4, vm0, $0xb8;
	[tilespmem:$0x10100] =	vst v63  }
0xc7: {  	s22 =	simm.s32 $0x9800  }
0xc8: {  	[tilespmem:s22], [sflag:$0x2] =	stream.indirect_vreg.gather [hbm4b:s6+s2], $0x80, v4, vm0, $0xb8;
	[tilespmem:$0x10100] =	vst v63  }
0xc9: {  	s23 =	simm.s32 $0xA000  }
0xca: {  	[tilespmem:s23], [sflag:$0x2] =	stream.indirect_vreg.gather [hbm4b:s3+s2], $0x80, v3, vm0, $0xb8;
	[tilespmem:$0x10100] =	vst v63  }
0xcb: {  	s22 =	simm.s32 $0xA800  }
0xcc: {  	[tilespmem:s22], [sflag:$0x2] =	stream.indirect_vreg.gather [hbm4b:s4+s2], $0x80, v3, vm0, $0xb8;
	[tilespmem:$0x10100] =	vst v63  }
0xcd: {  	s23 =	simm.s32 $0xB000  }
0xce: {  	[tilespmem:s23], [sflag:$0x2] =	stream.indirect_vreg.gather [hbm4b:s5+s2], $0x80, v3, vm0, $0xb8;
	[tilespmem:$0x10100] =	vst v63  }
0xcf: {  	s22 =	simm.s32 $0xB800  }
0xd0: {  	[tilespmem:s22], [sflag:$0x2] =	stream.indirect_vreg.gather [hbm4b:s6+s2], $0x80, v3, vm0, $0xb8;
	[tilespmem:$0x10100] =	vst v63  }
0xd1: {  	v3 =	vld [tilespmem:$0x10090];
	_ =	sdelay $0x4  }
0xd2: {  	v63 =	vshll.u32 v3, $0x3  }
0xd3: {  	v3 =	vand.u32 $0x7, v3;
	v4 =	vand.u32 $0xFFFFFFC0, v63  }
0xd4: {  	v3 =	vor.u32 v3, v4  }
0xd5: {  	v4 =	vperm.xlane v3, v0;
	_ =	sdelay $0x1  }
0xd6: {  	v4 =	vadd.s32 v1, v4;
	_ =	sdelay $0x3  }
0xd7: {  	s23 =	simm.s32 $0xC000  }
0xd8: {  	[tilespmem:s23], [sflag:$0x2] =	stream.indirect_vreg.gather [hbm4b:s3+s2], $0x80, v4, vm0, $0xb8;
	[tilespmem:$0x10100] =	vst v63  }
0xd9: {  	s22 =	simm.s32 $0xC800;
	v3 =	vperm.xlane v3, v2  }
0xda: {  	[tilespmem:s22], [sflag:$0x2] =	stream.indirect_vreg.gather [hbm4b:s4+s2], $0x80, v4, vm0, $0xb8;
	[tilespmem:$0x10100] =	vst v63  }
0xdb: {  	v3 =	vadd.s32 v1, v3;
	s23 =	simm.s32 $0xD000  }
0xdc: {  	[tilespmem:s23], [sflag:$0x2] =	stream.indirect_vreg.gather [hbm4b:s5+s2], $0x80, v4, vm0, $0xb8;
	[tilespmem:$0x10100] =	vst v63  }
0xdd: {  	s22 =	simm.s32 $0xD800  }
0xde: {  	[tilespmem:s22], [sflag:$0x2] =	stream.indirect_vreg.gather [hbm4b:s6+s2], $0x80, v4, vm0, $0xb8;
	[tilespmem:$0x10100] =	vst v63  }
0xdf: {  	s23 =	simm.s32 $0xE000  }
0xe0: {  	[tilespmem:s23], [sflag:$0x2] =	stream.indirect_vreg.gather [hbm4b:s3+s2], $0x80, v3, vm0, $0xb8;
	[tilespmem:$0x10100] =	vst v63  }
0xe1: {  	s22 =	simm.s32 $0xE800  }
0xe2: {  	[tilespmem:s22], [sflag:$0x2] =	stream.indirect_vreg.gather [hbm4b:s4+s2], $0x80, v3, vm0, $0xb8;
	[tilespmem:$0x10100] =	vst v63  }
0xe3: {  	s23 =	simm.s32 $0xF000  }
0xe4: {  	[tilespmem:s23], [sflag:$0x2] =	stream.indirect_vreg.gather [hbm4b:s5+s2], $0x80, v3, vm0, $0xb8;
	[tilespmem:$0x10100] =	vst v63  }
0xe5: {  	s22 =	simm.s32 $0xF800  }
0xe6: {  	[tilespmem:s22], [sflag:$0x2] =	stream.indirect_vreg.gather [hbm4b:s6+s2], $0x80, v3, vm0, $0xb8;
	[tilespmem:$0x10100] =	vst v63  }
0xe7: {  	_ =	swait.ge [sflag:s19], $0x8000  }
0xe8: {  	[sflag:s19] =	ssyncset.done $0x0  }
0xe9: {  	s23 =	rddreg [dreg:$0xa];
	[sflag:s19] =	ssyncadd.s32 $0xFFFF8000  }
0xea: {  	[hbm4b:s23+s2] =	stream.linear.scatter [tilespmem:s25], [sflag:$0x4], $0x8000, $0x38;
	[tilespmem:$0x10100] =	vst v63  }
0xeb: {  	p0 =	sne.s32 s7, $0x1;
	_ =	swait.ge [sflag:s20], $0x8000  }
.Ltmp0:
0xec: {  	[sflag:s20] =	ssyncset.done $0x0;
	(pc) =	sbr.rel @p0 .LBB2_1-.Ltmp0, $4  }
0xed: {  	[sflag:s20] =	ssyncadd.s32 $0xFFFF8000  }
0xee: {  	_ =	swait.ge [sflag:s21], $0x8000  }
0xef: {  	[sflag:s21] =	ssyncset.done $0x0  }
0xf0: {  	s7 =	sadd.s32 $0xFFFFFFFF, s7;
	[sflag:s21] =	ssyncadd.s32 $0xFFFF8000  }
0xf1: {  	_ =	sfence.sel $0x180000  }
0xf2: {  	[bflag:$0x0] =	sbarrier.arrive $0xFFFF  }
0xf3: {  	_ =	strace $0x9000004D  }
0xf4: {  	s0 =	stileid.u32;
	[bflag:$0x2] =	sbarrier.arrive $0xFFFF  }
0xf5: {  	p0 =	sne.s32 s0, $0x0;
	s0 =	rddreg [dreg:$0x2]  }
0xf6: {  	s0 =	sadd.s32 @!p0 $0x100000, s0  }
0xf7: {  	[sflag:s0] =	ssyncadd.tile.s32 @!p0 $0x1;
	_ =	shalt  }
.Lfunc_end2:
_tile_overlayer_lowered:
.L_overlay_start_2:
0xf8: {  	(tag) =	ssettag $0x2  }
0xf9: {  	s0 =	rddreg [dreg:$0x0];
	s2 =	stileid.u32  }
0xfa: {  	s1 =	rddreg [dreg:$0x1];
	p0 =	sne.s32 s2, $0x0  }
0xfb: {  	s3 =	rddreg [dreg:$0x2];
	[bflag:$0x3] =	sbarrier.arrive $0xFFFF;
	s2 =	simm.s32 @!p0 $0x1C05  }
0xfc: {  	[timem:s3], [sflag:s2] =	dma.local @!p0 [hbm:s0], s1  }
0xfd: {  	s0 =	simm.s32 @!p0 $0x5  }
0xfe: {  	_ =	swait.ge @!p0 [sflag:s0], s1  }
0xff: {  	s1 =	ssub.s32 @!p0 $0x0, s1;
	[sflag:s0] =	ssyncset.done @!p0 $0x0  }
0x100: {  	[sflag:s0] =	ssyncadd.s32 @!p0 s1  }
0x101: {  	[bflag:$0x3] =	sbarrier.arrive $0xFFFF  }
0x102: {  	_ =	shalt  }

// kernel: kernel.17.cloned.1.call-start
scs
__scs_entry_jumppad:
0x0: {  	(pc) =	sbr.rel $0x88, $3  }
0x1: {  	(tag) =	ssettag $0x0;
	lr =	simm.s32 $0x1  }
0x2: {  	[smem:$0x3F9C] =	sst lr;
	_ =	strace $0xD0000000  }
0x3: {  	_ = 	snop  }
0x4: {  	_ = 	snop  }
0x5: {  	_ = 	snop  }
0x6: {  	_ = 	snop  }
0x7: {  	_ = 	snop  }
__scs_overlays_trampoline_lowered:
0x8: {  	[smem:$0x3FAB] =	sst s0  }
0x9: {  	[smem:$0x3FAC] =	sst s1  }
0xa: {  	[smem:$0x3FAD] =	sst s2  }
0xb: {  	[smem:$0x3FAE] =	sst s3  }
0xc: {  	[smem:$0x3FAF] =	sst s4  }
0xd: {  	[smem:$0x3FB0] =	sst s5  }
0xe: {  	[smem:$0x3FB1] =	sst s6  }
0xf: {  	[smem:$0x3FB2] =	sst s7  }
0x10: {  	[smem:$0x3FB3] =	sst s8  }
0x11: {  	[smem:$0x3FB4] =	sst s9;
	s0 =	simm.s32 @!p0 $0x0  }
0x12: {  	s1 =	sld [smem:$0x3F9A];
	s0 =	simm.s32 @p0 $0x1  }
0x13: {  	[smem:$0x3FB5] =	sst s0;
	s0 =	simm.s32 @!p1 $0x0  }
0x14: {  	s2 =	sld [smem:$0x3F99];
	s0 =	simm.s32 @p1 $0x1  }
0x15: {  	[smem:$0x3FB6] =	sst s0;
	s0 =	simm.s32 @!p2 $0x0  }
0x16: {  	s3 =	sld [smem:$0x3FDB];
	s0 =	simm.s32 @p2 $0x1  }
0x17: {  	s4 =	simm.s32 $0x1BF5;
	[smem:$0x3FB8] =	sst s0  }
0x18: {  	s0 =	sld [smem:$0x3F9B];
	_ =	swait.ge [sflag:s4], $0x0  }
0x19: {  	s7 =	sld [smem:$0x3F9C]  }
0x1a: {  	s8 =	sadd.s32 $0xFFFFE003, lr  }
0x1b: {  	s9 =	sadd.s32 $0xFFFFFEF7, lr;
	s5 =	simm.s32 $0xFFFFFFFF;
	p2 =	slt.u32 s8, $0xFFFFF086  }
0x1c: {  	p1 =	slt.u32 s9, $0xF7A;
	s5 =	simm.s32 @!p2 $0x0  }
0x1d: {  	s5 =	simm.s32 @p1 $0x1;
	p0 =	seq.s32 s7, s2  }
0x1e: {  	s7 =	smul.u32 @!p0 $0xF7A, s2;
	p2 =	seq.s32 @!p0 s5, $0x0  }
0x1f: {  	s9 =	smul.u32 $0xF7A, s1;
	s8 =	simm.s32 @!p0 $0x1BF5;
	p2 =	por !p2, p0  }
0x20: {  	[sflag:s8] =	ssyncset.s32 @!p0 $0xFFFFF086;
	s6 =	sadd.s32 @!p0 s3, s7;
	s7 =	simm.s32 @!p0 $0x108  }
0x21: {  	s3 =	sadd.s32 s3, s9;
	s6 =	sadd.s32 @!p0 $0x88, s6;
	s7 =	simm.s32 @p2 $0x1082  }
0x22: {  	[simem:s7], [sflag:s8] =	dma.local @!p0 [hbm:s6], $0xF7A  }
0x23: {  	s9 =	sor.u32 $0xD0000000, s2;
	s6 =	simm.s32 $0x108;
	_ =	swait.ge @!p0 [sflag:s8], $0x0  }
0x24: {  	s3 =	sadd.s32 $0x88, s3;
	s6 =	simm.s32 @!p1 $0x1082;
	[sflag:s4] =	ssyncset.s32 $0xFFFFF086  }
0x25: {  	[simem:s6], [sflag:s4] =	dma.local [hbm:s3], $0xF7A  }
0x26: {  	[smem:$0x3F9C] =	sst s1;
	(tag) =	ssettag s2;
	_ =	strace s9  }
0x27: {  	s1 =	sld [smem:$0x3FAC]  }
0x28: {  	s2 =	sld [smem:$0x3FAD]  }
0x29: {  	s4 =	sld [smem:$0x3FAF]  }
0x2a: {  	p0 =	seq.s32 s5, $0x0;
	s5 =	sld [smem:$0x3FB0]  }
0x2b: {  	s6 =	sld [smem:$0x3FB1]  }
0x2c: {  	s7 =	sld [smem:$0x3FB2]  }
0x2d: {  	s3 =	simm.s32 $0x108;
	s8 =	sld [smem:$0x3FB3]  }
0x2e: {  	s3 =	simm.s32 @!p0 $0x1082;
	s9 =	sld [smem:$0x3FB4]  }
0x2f: {  	lr =	sadd.s32 s0, s3;
	s0 =	sld [smem:$0x3FAB]  }
0x30: {  	s3 =	sld [smem:$0x3FAE]  }
0x31: {  	[smem:$0x3FB7] =	sst s10  }
0x32: {  	s10 =	sld [smem:$0x3FB5];
	_ =	sdelay $0x3  }
0x33: {  	p0 =	seq.s32 s10, $0x1;
	s10 =	sld [smem:$0x3FB7];
	_ =	sdelay $0x3  }
0x34: {  	[smem:$0x3FB7] =	sst s10  }
0x35: {  	s10 =	sld [smem:$0x3FB6];
	_ =	sdelay $0x3  }
0x36: {  	p1 =	seq.s32 s10, $0x1;
	s10 =	sld [smem:$0x3FB7];
	_ =	sdelay $0x3  }
0x37: {  	[smem:$0x3FB7] =	sst s10  }
0x38: {  	s10 =	sld [smem:$0x3FB8]  }
0x39: {  	_ = 	snop;
	(pc) =	sbr.ind lr, $3  }
0x3a: {  	_ = 	snop  }
0x3b: {  	_ = 	snop  }
0x3c: {  	p2 =	seq.s32 s10, $0x1;
	s10 =	sld [smem:$0x3FB7]  }
0x3d: {  	_ =	shalt  }
0x3e: {  	_ =	shalt  }
0x3f: {  	_ =	shalt  }
0x40: {  	_ =	shalt  }
0x41: {  	_ =	shalt  }
0x42: {  	_ =	shalt  }
0x43: {  	_ =	shalt  }
0x44: {  	_ =	shalt  }
0x45: {  	_ =	shalt  }
0x46: {  	_ =	shalt  }
0x47: {  	_ =	shalt  }
0x48: {  	_ =	shalt  }
0x49: {  	_ =	shalt  }
0x4a: {  	_ =	shalt  }
0x4b: {  	_ =	shalt  }
0x4c: {  	_ =	shalt  }
0x4d: {  	_ =	shalt  }
0x4e: {  	_ =	shalt  }
0x4f: {  	_ =	shalt  }
0x50: {  	_ =	shalt  }
0x51: {  	_ =	shalt  }
0x52: {  	_ =	shalt  }
0x53: {  	_ =	shalt  }
0x54: {  	_ =	shalt  }
0x55: {  	_ =	shalt  }
0x56: {  	_ =	shalt  }
0x57: {  	_ =	shalt  }
0x58: {  	_ =	shalt  }
0x59: {  	_ =	shalt  }
0x5a: {  	_ =	shalt  }
0x5b: {  	_ =	shalt  }
0x5c: {  	_ =	shalt  }
0x5d: {  	_ =	shalt  }
0x5e: {  	_ =	shalt  }
0x5f: {  	_ =	shalt  }
0x60: {  	_ =	shalt  }
0x61: {  	_ =	shalt  }
0x62: {  	_ =	shalt  }
0x63: {  	_ =	shalt  }
0x64: {  	_ =	shalt  }
0x65: {  	_ =	shalt  }
0x66: {  	_ =	shalt  }
0x67: {  	_ =	shalt  }
0x68: {  	_ =	shalt  }
0x69: {  	_ =	shalt  }
0x6a: {  	_ =	shalt  }
0x6b: {  	_ =	shalt  }
0x6c: {  	_ =	shalt  }
0x6d: {  	_ =	shalt  }
0x6e: {  	_ =	shalt  }
0x6f: {  	_ =	shalt  }
0x70: {  	_ =	shalt  }
0x71: {  	_ =	shalt  }
0x72: {  	_ =	shalt  }
0x73: {  	_ =	shalt  }
0x74: {  	_ =	shalt  }
0x75: {  	_ =	shalt  }
0x76: {  	_ =	shalt  }
0x77: {  	_ =	shalt  }
0x78: {  	_ =	shalt  }
0x79: {  	_ =	shalt  }
0x7a: {  	_ =	shalt  }
0x7b: {  	_ =	shalt  }
0x7c: {  	_ =	shalt  }
0x7d: {  	_ =	shalt  }
0x7e: {  	_ =	shalt  }
0x7f: {  	_ =	shalt  }
0x80: {  	_ =	shalt  }
0x81: {  	_ =	shalt  }
0x82: {  	_ =	shalt  }
0x83: {  	_ =	shalt  }
0x84: {  	_ =	shalt  }
0x85: {  	_ =	shalt  }
0x86: {  	_ =	shalt  }
0x87: {  	_ =	shalt  }
.Lfunc_end0:
.L_simem_size_0:
called_computation.2_lowered:
.L_overlay_start_0:
0x88: {  	s2 =	sld [smem:$0x3FD9]  }
0x89: {  	s3 =	sld [smem:$0x3FFE];
	_ =	sdelay $0x1  }
0x8a: {  	s1 =	srdreg.scid  }
0x8b: {  	s0 =	sand.u32 $0x1, s1  }
0x8c: {  	s17 =	sshll.u32 s0, $0xA;
	s2 =	sadd.s32 s3, s2  }
0x8d: {  	s2 =	sadd.s32 s2, s17  }
0x8e: {  	[smem:$0x3FC3] =	sst s2  }
0x8f: {  	_ = 	snop  }
0x90: {  	s18 =	sld [smem:$0x3FC8];
	(tm) =	ssettm $0x1  }
0x91: {  	s19 =	sld [smem:$0x3FFB];
	_ =	sdelay $0x3  }
0x92: {  	_ =	strace s19  }
0x93: {  	s2 =	sld [smem:$0x3FFC];
	_ =	sdelay $0x3  }
0x94: {  	_ =	strace s2  }
0x95: {  	s2 =	sld [smem:$0x3FFD];
	_ =	sdelay $0x3  }
0x96: {  	_ =	strace s2  }
0x97: {  	_ =	strace $0x8FFFFFFF  }
0x98: {  	s20 =	sld [smem:$0x3FDB];
	_ =	sdelay $0x1  }
0x99: {  	s4 =	simm.s32 $_scs_section_size  }
0x9a: {  	s5 =	simm.s32 $_size__tile_overlayer_lowered;
	s6 =	simm.s32 $_tile_overlayer_lowered  }
0x9b: {  	s7 =	simm.s32 $0x1BFF;
	s21 =	sshll.u32 s6, $0x1;
	s4 =	sadd.s32 s4, s20  }
0x9c: {  	s22 =	simm.s32 $0x0;
	s5 =	sshll.u32 s5, $0x1;
	s6 =	sadd.s32 s21, s4  }
0x9d: {  	[timem:s22], [sflag:s7] =	dma.local [hbm:s6], s5  }
0x9e: {  	_ =	swait.ge [sflag:s7], s5  }
0x9f: {  	s5 =	ssub.s32 $0x0, s5;
	[sflag:s7] =	ssyncset.done $0x0  }
0xa0: {  	[sflag:s7] =	ssyncadd.s32 s5;
	_ =	sdelay $0x1  }
0xa1: {  	s23 =	simm.s32 $0x1B8B  }
0xa2: {  	_ =	swait.ge [sflag:s23], $0x1  }
0xa3: {  	[sflag:s23] =	ssyncset.done $0x0  }
0xa4: {  	[sflag:s23] =	ssyncadd.s32 $0xFFFFFFFF  }
0xa5: {  	s5 =	sld [smem:$0x0]  }
0xa6: {  	s6 =	sand.u32 $0xFFFFFFFE, s1  }
0xa7: {  	p0 =	sne.s32 s1, s6  }
0xa8: {  	s6 =	sshll.u32 @p0 s6, $0xE  }
0xa9: {  	s6 =	sadd.s32 @p0 $0x11B8D, s6;
	s7 =	sshll.u32 @p0 s5, $0x11  }
0xaa: {  	s6 =	sor.u32 @p0 s7, s6  }
0xab: {  	[sflag:s6] =	ssyncadd.remote.s32 @p0 $0x1;
	_ =	sdelay $0x1  }
0xac: {  	s6 =	simm.s32 @p0 $0x1B8D  }
0xad: {  	_ =	swait.eq @p0 [sflag:s6], $0x1  }
0xae: {  	[sflag:s6] =	ssyncadd.s32 @p0 $0xFFFFFFFF  }
0xaf: {  	s7 =	sshll.u32 @!p0 s1, $0xE  }
0xb0: {  	s7 =	sor.u32 @!p0 $0x4000, s7;
	s6 =	simm.s32 @!p0 $0x1B8D  }
0xb1: {  	s5 =	sshll.u32 @!p0 s5, $0x11;
	s7 =	sadd.s32 @!p0 $0x11B8D, s7;
	_ =	swait.eq @!p0 [sflag:s6], $0x1  }
0xb2: {  	s5 =	sor.u32 @!p0 s5, s7;
	[sflag:s6] =	ssyncadd.s32 @!p0 $0xFFFFFFFF  }
0xb3: {  	s25 =	simm.s32 $0x1B8E;
	s24 =	sld [smem:$0x3FFE];
	[sflag:s5] =	ssyncadd.remote.s32 @!p0 $0x1  }
0xb4: {  	s26 =	simm.s32 $execute0_lowered;
	[smem:$0x3FD2] =	sst s25  }
0xb5: {  	s6 =	sshll.u32 s26, $0x1;
	_ =	strace $0x80000049;
	[dreg:$0x1] =	wrdreg $0xFFFFFFFF  }
0xb6: {  	s28 =	simm.s32 $_size_execute0_lowered;
	s4 =	sadd.s32 s4, s6;
	[dreg:$0x0] =	wrdreg $0x0  }
0xb7: {  	s6 =	sshll.u32 s28, $0x1;
	[dreg:$0x2] =	wrdreg s4  }
0xb8: {  	[dreg:$0x3] =	wrdreg s6  }
0xb9: {  	[dreg:$0x4] =	wrdreg $0xC0  }
0xba: {  	_ =	task [dreg:s22], $0x5FFFF  }
0xbb: {  	[dreg:$0x1] =	wrdreg $0xFFFFFFFF  }
0xbc: {  	[dreg:$0x0] =	wrdreg $0x60  }
0xbd: {  	[dreg:$0x2] =	wrdreg s18  }
0xbe: {  	[dreg:$0x3] =	wrdreg s24  }
0xbf: {  	[dreg:$0x4] =	wrdreg $0xA  }
0xc0: {  	_ =	task.clear_ibuf [dreg:s22], $0x5FFFF;
	_ =	strace $0x90000049  }
0xc1: {  	s29 =	simm.s32 $0xA;
	_ =	strace $0x8000004B  }
0xc2: {  	_ =	swait.ge [sflag:s29], $0x1  }
0xc3: {  	[sflag:s29] =	ssyncadd.s32 $0xFFFFFFFF  }
0xc4: {  	_ =	strace $0x9000004B  }
0xc5: {  	_ =	sfence  }
0xc6: {  	s30 =	sld [smem:$0x0];
	_ =	sdelay $0x2  }
0xc7: {  	s31 =	sshll.u32 s1, $0xD;
	s1 =	sshrl.u32 s1, $0x2  }
0xc8: {  	s4 =	sand.u32 $0x4000, s31;
	s1 =	sadd.s32 s1, s30  }
0xc9: {  	s0 =	sor.u32 s4, s0;
	s1 =	sshll.u32 s1, $0x11  }
0xca: {  	s0 =	sor.u32 s1, s0  }
0xcb: {  	s0 =	sadd.s32 $0x8F2B, s0  }
0xcc: {  	[sflag:s0] =	ssyncadd.remote.s32 $0x1  }
0xcd: {  	_ =	sfence.sel $0xFFFF  }
0xce: {  	[dreg:$0x0] =	wrdreg $0xFFFFFFFF;
	(pc) =	sbr.abs _section_cstart, $3  }
0xcf: {  	[dreg:$0x1] =	wrdreg $0xFFFFFFFF  }
0xd0: {  	_ =	task.clear_ibuf [dreg:s22], $0x2FFFF;
	_ =	strace $0x9FFFFFFF  }
0xd1: {  	(tm) =	ssettm $0x7FFFFFFF  }
tec
execute0_lowered:
.L_overlay_start_1:
0x0: {  	(tag) =	ssettag $0x1  }
0x1: {  	s0 =	srdreg.scid;
	s1 =	rddreg [dreg:$0x0]  }
0x2: {  	s2 =	stileid.u32;
	s7 =	rddreg [dreg:$0x1]  }
0x3: {  	s10 =	simm.s32 $0x5;
	s30 =	simm.s32 $0x1;
	s28 =	simm.s32 $0x1000  }
0x4: {  	s31 =	simm.s32 $0x1800;
	s9 =	simm.s32 $0x3000;
	s12 =	simm.s32 $0x3800  }
0x5: {  	s13 =	simm.s32 $0x4000;
	s14 =	simm.s32 $0x4800;
	s15 =	simm.s32 $0x5000  }
0x6: {  	s16 =	simm.s32 $0x6000;
	s17 =	simm.s32 $0x6800;
	s18 =	simm.s32 $0x7000  }
0x7: {  	s19 =	simm.s32 $0x7800;
	s11 =	simm.s32 $0x8000;
	s0 =	sand.u32 $0x1, s0  }
0x8: {  	s29 =	simm.s32 $0x9000;
	s2 =	sshll.u32 s2, $0x8;
	s3 =	sshll.u32 s0, $0x7  }
0x9: {  	s0 =	ssub.s32 $0x2, s0;
	s3 =	sor.u32 s3, s2;
	s2 =	simm.s32 $0x0  }
0xa: {  	s23 =	sshrl.u32 s0, $0x1;
	s4 =	sshrl.u32 s3, $0x3;
	[smem:$0x7FF] =	sst s2  }
0xb: {  	s3 =	sshll.u32 s3, $0x7;
	s0 =	ssub.s32 s0, s23;
	s23 =	simm.s32 $0x4  }
0xc: {  	s5 =	sadd.s32 s4, s7;
	_ =	strace $0x8000004A;
	s3 =	sand.u32 $0x3C000, s3  }
0xd: {  	s8 =	smax.u32 s0, $0x1;
	s4 =	sadd.s32 $0xC0800, s5;
	s6 =	sadd.s32 s1, s3  }
0xe: {  	s20 =	sadd.s32 $0xC0804, s5;
	s22 =	sadd.s32 $0xC0808, s5;
	[dreg:$0x3] =	wrdreg s4  }
0xf: {  	s25 =	sadd.s32 $0xC080C, s5;
	s5 =	sadd.s32 $0xC0B00, s7;
	[dreg:$0x4] =	wrdreg s20  }
0x10: {  	s3 =	simm.s32 $0x5800;
	s4 =	sadd.s32 $0xC0A00, s7;
	[dreg:$0x6] =	wrdreg s22  }
0x11: {  	s21 =	sadd.s32 $0x1000, s6;
	s24 =	sadd.s32 $0x2000, s6;
	[dreg:$0x8] =	wrdreg s25  }
0x12: {  	[dreg:$0xa] =	wrdreg s6;
	s26 =	sadd.s32 $0x3000, s6;
	s6 =	sadd.s32 $0xC0C00, s7  }
0x13: {  	v2 =	vlaneseq.u32;
	s7 =	sadd.s32 $0xC0D00, s7;
	s22 =	simm.s32 $0x3;
	[dreg:$0x5] =	wrdreg s21  }
0x14: {  	vm0 =	vmmov $0xffff;
	v1 =	vshrl.u32 v2, $0x3;
	s25 =	simm.s32 $0x10000;
	s20 =	simm.s32 $0x2800;
	[dreg:$0x7] =	wrdreg s24  }
0x15: {  	v0 =	vand.u32 $0x7, v2;
	v2 =	vor.u32 $0x8, v2;
	v1 =	vmul.u32 $0x8, v1;
	[dreg:$0x9] =	wrdreg s26;
	s26 =	simm.s32 $0x800;
	s21 =	simm.s32 $0x8800  }
.LBB2_1:
0x16: {  	s24 =	rddreg [dreg:$0x3]  }
0x17: {  	[tilespmem:s25], [sflag:$0x5] =	stream.linear.gather [hbm4b:s24+s2], $0x20, $0x38;
	[tilespmem:$0x10100] =	vst v63  }
0x18: {  	_ =	swait.ge [sflag:s10], $0x20  }
0x19: {  	[sflag:s10] =	ssyncset.done $0x0  }
0x1a: {  	s1 =	rddreg [dreg:$0xa];
	[sflag:s10] =	ssyncadd.s32 $0xFFFFFFE0  }
0x1b: {  	[tilespmem:s2], [sflag:$0x1] =	stream.linear.gather [hbm4b:s1+s2], $0x8000, $0x38;
	[tilespmem:$0x10100] =	vst v63  }
0x1c: {  	_ =	swait.ge [sflag:s30], $0x8000  }
0x1d: {  	[sflag:s30] =	ssyncset.done $0x0  }
0x1e: {  	[sflag:s30] =	ssyncadd.s32 $0xFFFF8000  }
0x1f: {  	v3 =	vld [tilespmem:$0x10000];
	_ =	sdelay $0x4  }
0x20: {  	v4 =	vshll.u32 v3, $0x3  }
0x21: {  	v3 =	vand.u32 $0x7, v3;
	v4 =	vand.u32 $0xFFFFFFC0, v4  }
0x22: {  	v3 =	vor.u32 v3, v4  }
0x23: {  	v4 =	vperm.xlane v3, v0;
	_ =	sdelay $0x1  }
0x24: {  	v4 =	vadd.s32 v1, v4;
	_ =	sdelay $0x4  }
0x25: {  	[hbm4b:s4+s2] =	stream.indirect_vreg.scatter [tilespmem:s2], [sflag:$0x3], $0x80, v4, vm0, $0xb8;
	[tilespmem:$0x10100] =	vst v63  }
0x26: {  	v3 =	vperm.xlane v3, v2  }
0x27: {  	[hbm4b:s5+s2] =	stream.indirect_vreg.scatter [tilespmem:s26], [sflag:$0x3], $0x80, v4, vm0, $0xb8;
	[tilespmem:$0x10100] =	vst v63  }
0x28: {  	v3 =	vadd.s32 v1, v3  }
0x29: {  	[hbm4b:s6+s2] =	stream.indirect_vreg.scatter [tilespmem:s28], [sflag:$0x3], $0x80, v4, vm0, $0xb8;
	[tilespmem:$0x10100] =	vst v63  }
0x2a: {  	_ = 	snop  }
0x2b: {  	[hbm4b:s7+s2] =	stream.indirect_vreg.scatter [tilespmem:s31], [sflag:$0x3], $0x80, v4, vm0, $0xb8;
	[tilespmem:$0x10100] =	vst v63  }
0x2c: {  	s1 =	simm.s32 $0x2000  }
0x2d: {  	[hbm4b:s4+s2] =	stream.indirect_vreg.scatter [tilespmem:s1], [sflag:$0x3], $0x80, v3, vm0, $0xb8;
	[tilespmem:$0x10100] =	vst v63  }
0x2e: {  	_ = 	snop  }
0x2f: {  	[hbm4b:s5+s2] =	stream.indirect_vreg.scatter [tilespmem:s20], [sflag:$0x3], $0x80, v3, vm0, $0xb8;
	[tilespmem:$0x10100] =	vst v63  }
0x30: {  	_ = 	snop  }
0x31: {  	[hbm4b:s6+s2] =	stream.indirect_vreg.scatter [tilespmem:s9], [sflag:$0x3], $0x80, v3, vm0, $0xb8;
	[tilespmem:$0x10100] =	vst v63  }
0x32: {  	_ = 	snop  }
0x33: {  	[hbm4b:s7+s2] =	stream.indirect_vreg.scatter [tilespmem:s12], [sflag:$0x3], $0x80, v3, vm0, $0xb8;
	[tilespmem:$0x10100] =	vst v63  }
0x34: {  	v3 =	vld [tilespmem:$0x10010];
	_ =	sdelay $0x4  }
0x35: {  	v57 =	vshll.u32 v3, $0x3  }
0x36: {  	v3 =	vand.u32 $0x7, v3;
	v4 =	vand.u32 $0xFFFFFFC0, v57  }
0x37: {  	v3 =	vor.u32 v3, v4  }
0x38: {  	v4 =	vperm.xlane v3, v0;
	_ =	sdelay $0x1  }
0x39: {  	v4 =	vadd.s32 v1, v4;
	_ =	sdelay $0x4  }
0x3a: {  	[hbm4b:s4+s2] =	stream.indirect_vreg.scatter [tilespmem:s13], [sflag:$0x3], $0x80, v4, vm0, $0xb8;
	[tilespmem:$0x10100] =	vst v63  }
0x3b: {  	v3 =	vperm.xlane v3, v2  }
0x3c: {  	[hbm4b:s5+s2] =	stream.indirect_vreg.scatter [tilespmem:s14], [sflag:$0x3], $0x80, v4, vm0, $0xb8;
	[tilespmem:$0x10100] =	vst v63  }
0x3d: {  	v3 =	vadd.s32 v1, v3  }
0x3e: {  	[hbm4b:s6+s2] =	stream.indirect_vreg.scatter [tilespmem:s15], [sflag:$0x3], $0x80, v4, vm0, $0xb8;
	[tilespmem:$0x10100] =	vst v63  }
0x3f: {  	_ = 	snop  }
0x40: {  	[hbm4b:s7+s2] =	stream.indirect_vreg.scatter [tilespmem:s3], [sflag:$0x3], $0x80, v4, vm0, $0xb8;
	[tilespmem:$0x10100] =	vst v63  }
0x41: {  	_ = 	snop  }
0x42: {  	[hbm4b:s4+s2] =	stream.indirect_vreg.scatter [tilespmem:s16], [sflag:$0x3], $0x80, v3, vm0, $0xb8;
	[tilespmem:$0x10100] =	vst v63  }
0x43: {  	_ = 	snop  }
0x44: {  	[hbm4b:s5+s2] =	stream.indirect_vreg.scatter [tilespmem:s17], [sflag:$0x3], $0x80, v3, vm0, $0xb8;
	[tilespmem:$0x10100] =	vst v63  }
0x45: {  	_ = 	snop  }
0x46: {  	[hbm4b:s6+s2] =	stream.indirect_vreg.scatter [tilespmem:s18], [sflag:$0x3], $0x80, v3, vm0, $0xb8;
	[tilespmem:$0x10100] =	vst v63  }
0x47: {  	_ = 	snop  }
0x48: {  	[hbm4b:s7+s2] =	stream.indirect_vreg.scatter [tilespmem:s19], [sflag:$0x3], $0x80, v3, vm0, $0xb8;
	[tilespmem:$0x10100] =	vst v63  }
0x49: {  	s0 =	simm.s32 $0x10080;
	s24 =	rddreg [dreg:$0x4]  }
0x4a: {  	[tilespmem:s0], [sflag:$0x5] =	stream.linear.gather [hbm4b:s24+s2], $0x20, $0x38;
	[tilespmem:$0x10100] =	vst v63  }
0x4b: {  	_ =	swait.ge [sflag:s10], $0x20  }
0x4c: {  	[sflag:s10] =	ssyncset.done $0x0  }
0x4d: {  	s0 =	rddreg [dreg:$0x5];
	[sflag:s10] =	ssyncadd.s32 $0xFFFFFFE0  }
0x4e: {  	[tilespmem:s11], [sflag:$0x2] =	stream.linear.gather [hbm4b:s0+s2], $0x8000, $0x38;
	[tilespmem:$0x10100] =	vst v63  }
0x4f: {  	s0 =	simm.s32 $0x2  }
0x50: {  	_ =	swait.ge [sflag:s0], $0x8000  }
0x51: {  	[sflag:s0] =	ssyncset.done $0x0  }
0x52: {  	[sflag:s0] =	ssyncadd.s32 $0xFFFF8000  }
0x53: {  	v3 =	vld [tilespmem:$0x10080];
	_ =	sdelay $0x4  }
0x54: {  	v58 =	vshll.u32 v3, $0x3  }
0x55: {  	v3 =	vand.u32 $0x7, v3;
	v4 =	vand.u32 $0xFFFFFFC0, v58  }
0x56: {  	v3 =	vor.u32 v3, v4  }
0x57: {  	v4 =	vperm.xlane v3, v0;
	_ =	sdelay $0x1  }
0x58: {  	v4 =	vadd.s32 v1, v4;
	_ =	sdelay $0x4  }
0x59: {  	[hbm4b:s4+s2] =	stream.indirect_vreg.scatter [tilespmem:s11], [sflag:$0x4], $0x80, v4, vm0, $0xb8;
	[tilespmem:$0x10100] =	vst v63  }
0x5a: {  	v3 =	vperm.xlane v3, v2  }
0x5b: {  	[hbm4b:s5+s2] =	stream.indirect_vreg.scatter [tilespmem:s21], [sflag:$0x4], $0x80, v4, vm0, $0xb8;
	[tilespmem:$0x10100] =	vst v63  }
0x5c: {  	v3 =	vadd.s32 v1, v3  }
0x5d: {  	[hbm4b:s6+s2] =	stream.indirect_vreg.scatter [tilespmem:s29], [sflag:$0x4], $0x80, v4, vm0, $0xb8;
	[tilespmem:$0x10100] =	vst v63  }
0x5e: {  	s24 =	simm.s32 $0x9800  }
0x5f: {  	[hbm4b:s7+s2] =	stream.indirect_vreg.scatter [tilespmem:s24], [sflag:$0x4], $0x80, v4, vm0, $0xb8;
	[tilespmem:$0x10100] =	vst v63  }
0x60: {  	s24 =	simm.s32 $0xA000  }
0x61: {  	[hbm4b:s4+s2] =	stream.indirect_vreg.scatter [tilespmem:s24], [sflag:$0x4], $0x80, v3, vm0, $0xb8;
	[tilespmem:$0x10100] =	vst v63  }
0x62: {  	s24 =	simm.s32 $0xA800  }
0x63: {  	[hbm4b:s5+s2] =	stream.indirect_vreg.scatter [tilespmem:s24], [sflag:$0x4], $0x80, v3, vm0, $0xb8;
	[tilespmem:$0x10100] =	vst v63  }
0x64: {  	s24 =	simm.s32 $0xB000  }
0x65: {  	[hbm4b:s6+s2] =	stream.indirect_vreg.scatter [tilespmem:s24], [sflag:$0x4], $0x80, v3, vm0, $0xb8;
	[tilespmem:$0x10100] =	vst v63  }
0x66: {  	s24 =	simm.s32 $0xB800  }
0x67: {  	[hbm4b:s7+s2] =	stream.indirect_vreg.scatter [tilespmem:s24], [sflag:$0x4], $0x80, v3, vm0, $0xb8;
	[tilespmem:$0x10100] =	vst v63  }
0x68: {  	v3 =	vld [tilespmem:$0x10090];
	_ =	sdelay $0x4  }
0x69: {  	v59 =	vshll.u32 v3, $0x3  }
0x6a: {  	v3 =	vand.u32 $0x7, v3;
	v4 =	vand.u32 $0xFFFFFFC0, v59  }
0x6b: {  	v3 =	vor.u32 v3, v4  }
0x6c: {  	v4 =	vperm.xlane v3, v0;
	_ =	sdelay $0x1  }
0x6d: {  	v4 =	vadd.s32 v1, v4;
	_ =	sdelay $0x3  }
0x6e: {  	s24 =	simm.s32 $0xC000  }
0x6f: {  	[hbm4b:s4+s2] =	stream.indirect_vreg.scatter [tilespmem:s24], [sflag:$0x4], $0x80, v4, vm0, $0xb8;
	[tilespmem:$0x10100] =	vst v63  }
0x70: {  	v3 =	vperm.xlane v3, v2;
	s24 =	simm.s32 $0xC800  }
0x71: {  	[hbm4b:s5+s2] =	stream.indirect_vreg.scatter [tilespmem:s24], [sflag:$0x4], $0x80, v4, vm0, $0xb8;
	[tilespmem:$0x10100] =	vst v63  }
0x72: {  	v3 =	vadd.s32 v1, v3;
	s24 =	simm.s32 $0xD000  }
0x73: {  	[hbm4b:s6+s2] =	stream.indirect_vreg.scatter [tilespmem:s24], [sflag:$0x4], $0x80, v4, vm0, $0xb8;
	[tilespmem:$0x10100] =	vst v63  }
0x74: {  	s24 =	simm.s32 $0xD800  }
0x75: {  	[hbm4b:s7+s2] =	stream.indirect_vreg.scatter [tilespmem:s24], [sflag:$0x4], $0x80, v4, vm0, $0xb8;
	[tilespmem:$0x10100] =	vst v63  }
0x76: {  	s24 =	simm.s32 $0xE000  }
0x77: {  	[hbm4b:s4+s2] =	stream.indirect_vreg.scatter [tilespmem:s24], [sflag:$0x4], $0x80, v3, vm0, $0xb8;
	[tilespmem:$0x10100] =	vst v63  }
0x78: {  	s24 =	simm.s32 $0xE800  }
0x79: {  	[hbm4b:s5+s2] =	stream.indirect_vreg.scatter [tilespmem:s24], [sflag:$0x4], $0x80, v3, vm0, $0xb8;
	[tilespmem:$0x10100] =	vst v63  }
0x7a: {  	s24 =	simm.s32 $0xF000  }
0x7b: {  	[hbm4b:s6+s2] =	stream.indirect_vreg.scatter [tilespmem:s24], [sflag:$0x4], $0x80, v3, vm0, $0xb8;
	[tilespmem:$0x10100] =	vst v63  }
0x7c: {  	s24 =	simm.s32 $0xF800  }
0x7d: {  	[hbm4b:s7+s2] =	stream.indirect_vreg.scatter [tilespmem:s24], [sflag:$0x4], $0x80, v3, vm0, $0xb8;
	[tilespmem:$0x10100] =	vst v63  }
0x7e: {  	_ =	swait.ge [sflag:s22], $0x8000  }
0x7f: {  	[sflag:s22] =	ssyncset.done $0x0  }
0x80: {  	s24 =	rddreg [dreg:$0x6];
	[sflag:s22] =	ssyncadd.s32 $0xFFFF8000  }
0x81: {  	[tilespmem:s25], [sflag:$0x5] =	stream.linear.gather [hbm4b:s24+s2], $0x20, $0x38;
	[tilespmem:$0x10100] =	vst v63  }
0x82: {  	_ =	swait.ge [sflag:s10], $0x20  }
0x83: {  	[sflag:s10] =	ssyncset.done $0x0  }
0x84: {  	s24 =	rddreg [dreg:$0x7];
	[sflag:s10] =	ssyncadd.s32 $0xFFFFFFE0  }
0x85: {  	[tilespmem:s2], [sflag:$0x1] =	stream.linear.gather [hbm4b:s24+s2], $0x8000, $0x38;
	[tilespmem:$0x10100] =	vst v63  }
0x86: {  	_ =	swait.ge [sflag:s30], $0x8000  }
0x87: {  	[sflag:s30] =	ssyncset.done $0x0  }
0x88: {  	[sflag:s30] =	ssyncadd.s32 $0xFFFF8000  }
0x89: {  	v3 =	vld [tilespmem:$0x10000];
	_ =	sdelay $0x4  }
0x8a: {  	v60 =	vshll.u32 v3, $0x3  }
0x8b: {  	v3 =	vand.u32 $0x7, v3;
	v4 =	vand.u32 $0xFFFFFFC0, v60  }
0x8c: {  	v3 =	vor.u32 v3, v4  }
0x8d: {  	v4 =	vperm.xlane v3, v0;
	_ =	sdelay $0x1  }
0x8e: {  	v4 =	vadd.s32 v1, v4;
	_ =	sdelay $0x4  }
0x8f: {  	[hbm4b:s4+s2] =	stream.indirect_vreg.scatter [tilespmem:s2], [sflag:$0x3], $0x80, v4, vm0, $0xb8;
	[tilespmem:$0x10100] =	vst v63  }
0x90: {  	v3 =	vperm.xlane v3, v2  }
0x91: {  	[hbm4b:s5+s2] =	stream.indirect_vreg.scatter [tilespmem:s26], [sflag:$0x3], $0x80, v4, vm0, $0xb8;
	[tilespmem:$0x10100] =	vst v63  }
0x92: {  	v3 =	vadd.s32 v1, v3  }
0x93: {  	[hbm4b:s6+s2] =	stream.indirect_vreg.scatter [tilespmem:s28], [sflag:$0x3], $0x80, v4, vm0, $0xb8;
	[tilespmem:$0x10100] =	vst v63  }
0x94: {  	_ = 	snop  }
0x95: {  	[hbm4b:s7+s2] =	stream.indirect_vreg.scatter [tilespmem:s31], [sflag:$0x3], $0x80, v4, vm0, $0xb8;
	[tilespmem:$0x10100] =	vst v63  }
0x96: {  	_ = 	snop  }
0x97: {  	[hbm4b:s4+s2] =	stream.indirect_vreg.scatter [tilespmem:s1], [sflag:$0x3], $0x80, v3, vm0, $0xb8;
	[tilespmem:$0x10100] =	vst v63  }
0x98: {  	_ = 	snop  }
0x99: {  	[hbm4b:s5+s2] =	stream.indirect_vreg.scatter [tilespmem:s20], [sflag:$0x3], $0x80, v3, vm0, $0xb8;
	[tilespmem:$0x10100] =	vst v63  }
0x9a: {  	_ = 	snop  }
0x9b: {  	[hbm4b:s6+s2] =	stream.indirect_vreg.scatter [tilespmem:s9], [sflag:$0x3], $0x80, v3, vm0, $0xb8;
	[tilespmem:$0x10100] =	vst v63  }
0x9c: {  	_ = 	snop  }
0x9d: {  	[hbm4b:s7+s2] =	stream.indirect_vreg.scatter [tilespmem:s12], [sflag:$0x3], $0x80, v3, vm0, $0xb8;
	[tilespmem:$0x10100] =	vst v63  }
0x9e: {  	v3 =	vld [tilespmem:$0x10010];
	_ =	sdelay $0x4  }
0x9f: {  	v61 =	vshll.u32 v3, $0x3  }
0xa0: {  	v3 =	vand.u32 $0x7, v3;
	v4 =	vand.u32 $0xFFFFFFC0, v61  }
0xa1: {  	v3 =	vor.u32 v3, v4  }
0xa2: {  	v4 =	vperm.xlane v3, v0;
	_ =	sdelay $0x1  }
0xa3: {  	v4 =	vadd.s32 v1, v4;
	_ =	sdelay $0x4  }
0xa4: {  	[hbm4b:s4+s2] =	stream.indirect_vreg.scatter [tilespmem:s13], [sflag:$0x3], $0x80, v4, vm0, $0xb8;
	[tilespmem:$0x10100] =	vst v63  }
0xa5: {  	v3 =	vperm.xlane v3, v2  }
0xa6: {  	[hbm4b:s5+s2] =	stream.indirect_vreg.scatter [tilespmem:s14], [sflag:$0x3], $0x80, v4, vm0, $0xb8;
	[tilespmem:$0x10100] =	vst v63  }
0xa7: {  	v3 =	vadd.s32 v1, v3  }
0xa8: {  	[hbm4b:s6+s2] =	stream.indirect_vreg.scatter [tilespmem:s15], [sflag:$0x3], $0x80, v4, vm0, $0xb8;
	[tilespmem:$0x10100] =	vst v63  }
0xa9: {  	_ = 	snop  }
0xaa: {  	[hbm4b:s7+s2] =	stream.indirect_vreg.scatter [tilespmem:s3], [sflag:$0x3], $0x80, v4, vm0, $0xb8;
	[tilespmem:$0x10100] =	vst v63  }
0xab: {  	_ = 	snop  }
0xac: {  	[hbm4b:s4+s2] =	stream.indirect_vreg.scatter [tilespmem:s16], [sflag:$0x3], $0x80, v3, vm0, $0xb8;
	[tilespmem:$0x10100] =	vst v63  }
0xad: {  	_ = 	snop  }
0xae: {  	[hbm4b:s5+s2] =	stream.indirect_vreg.scatter [tilespmem:s17], [sflag:$0x3], $0x80, v3, vm0, $0xb8;
	[tilespmem:$0x10100] =	vst v63  }
0xaf: {  	_ = 	snop  }
0xb0: {  	[hbm4b:s6+s2] =	stream.indirect_vreg.scatter [tilespmem:s18], [sflag:$0x3], $0x80, v3, vm0, $0xb8;
	[tilespmem:$0x10100] =	vst v63  }
0xb1: {  	_ = 	snop  }
0xb2: {  	[hbm4b:s7+s2] =	stream.indirect_vreg.scatter [tilespmem:s19], [sflag:$0x3], $0x80, v3, vm0, $0xb8;
	[tilespmem:$0x10100] =	vst v63  }
0xb3: {  	_ =	swait.ge [sflag:s23], $0x8000  }
0xb4: {  	[sflag:s23] =	ssyncset.done $0x0  }
0xb5: {  	s1 =	simm.s32 $0x10080;
	s24 =	rddreg [dreg:$0x8];
	[sflag:s23] =	ssyncadd.s32 $0xFFFF8000  }
0xb6: {  	[tilespmem:s1], [sflag:$0x5] =	stream.linear.gather [hbm4b:s24+s2], $0x20, $0x38;
	[tilespmem:$0x10100] =	vst v63  }
0xb7: {  	_ =	swait.ge [sflag:s10], $0x20  }
0xb8: {  	[sflag:s10] =	ssyncset.done $0x0  }
0xb9: {  	s1 =	rddreg [dreg:$0x9];
	[sflag:s10] =	ssyncadd.s32 $0xFFFFFFE0  }
0xba: {  	[tilespmem:s11], [sflag:$0x2] =	stream.linear.gather [hbm4b:s1+s2], $0x8000, $0x38;
	[tilespmem:$0x10100] =	vst v63  }
0xbb: {  	_ =	swait.ge [sflag:s0], $0x8000  }
0xbc: {  	[sflag:s0] =	ssyncset.done $0x0  }
0xbd: {  	[sflag:s0] =	ssyncadd.s32 $0xFFFF8000  }
0xbe: {  	v3 =	vld [tilespmem:$0x10080];
	_ =	sdelay $0x4  }
0xbf: {  	v62 =	vshll.u32 v3, $0x3  }
0xc0: {  	v3 =	vand.u32 $0x7, v3;
	v4 =	vand.u32 $0xFFFFFFC0, v62  }
0xc1: {  	v3 =	vor.u32 v3, v4  }
0xc2: {  	v4 =	vperm.xlane v3, v0;
	_ =	sdelay $0x1  }
0xc3: {  	v4 =	vadd.s32 v1, v4;
	_ =	sdelay $0x4  }
0xc4: {  	[hbm4b:s4+s2] =	stream.indirect_vreg.scatter [tilespmem:s11], [sflag:$0x4], $0x80, v4, vm0, $0xb8;
	[tilespmem:$0x10100] =	vst v63  }
0xc5: {  	v3 =	vperm.xlane v3, v2  }
0xc6: {  	[hbm4b:s5+s2] =	stream.indirect_vreg.scatter [tilespmem:s21], [sflag:$0x4], $0x80, v4, vm0, $0xb8;
	[tilespmem:$0x10100] =	vst v63  }
0xc7: {  	v3 =	vadd.s32 v1, v3  }
0xc8: {  	[hbm4b:s6+s2] =	stream.indirect_vreg.scatter [tilespmem:s29], [sflag:$0x4], $0x80, v4, vm0, $0xb8;
	[tilespmem:$0x10100] =	vst v63  }
0xc9: {  	s24 =	simm.s32 $0x9800  }
0xca: {  	[hbm4b:s7+s2] =	stream.indirect_vreg.scatter [tilespmem:s24], [sflag:$0x4], $0x80, v4, vm0, $0xb8;
	[tilespmem:$0x10100] =	vst v63  }
0xcb: {  	s1 =	simm.s32 $0xA000  }
0xcc: {  	[hbm4b:s4+s2] =	stream.indirect_vreg.scatter [tilespmem:s1], [sflag:$0x4], $0x80, v3, vm0, $0xb8;
	[tilespmem:$0x10100] =	vst v63  }
0xcd: {  	s24 =	simm.s32 $0xA800  }
0xce: {  	[hbm4b:s5+s2] =	stream.indirect_vreg.scatter [tilespmem:s24], [sflag:$0x4], $0x80, v3, vm0, $0xb8;
	[tilespmem:$0x10100] =	vst v63  }
0xcf: {  	s1 =	simm.s32 $0xB000  }
0xd0: {  	[hbm4b:s6+s2] =	stream.indirect_vreg.scatter [tilespmem:s1], [sflag:$0x4], $0x80, v3, vm0, $0xb8;
	[tilespmem:$0x10100] =	vst v63  }
0xd1: {  	s24 =	simm.s32 $0xB800  }
0xd2: {  	[hbm4b:s7+s2] =	stream.indirect_vreg.scatter [tilespmem:s24], [sflag:$0x4], $0x80, v3, vm0, $0xb8;
	[tilespmem:$0x10100] =	vst v63  }
0xd3: {  	v3 =	vld [tilespmem:$0x10090];
	_ =	sdelay $0x4  }
0xd4: {  	v63 =	vshll.u32 v3, $0x3  }
0xd5: {  	v3 =	vand.u32 $0x7, v3;
	v4 =	vand.u32 $0xFFFFFFC0, v63  }
0xd6: {  	v3 =	vor.u32 v3, v4  }
0xd7: {  	v4 =	vperm.xlane v3, v0;
	_ =	sdelay $0x1  }
0xd8: {  	v4 =	vadd.s32 v1, v4;
	_ =	sdelay $0x3  }
0xd9: {  	s1 =	simm.s32 $0xC000  }
0xda: {  	[hbm4b:s4+s2] =	stream.indirect_vreg.scatter [tilespmem:s1], [sflag:$0x4], $0x80, v4, vm0, $0xb8;
	[tilespmem:$0x10100] =	vst v63  }
0xdb: {  	s24 =	simm.s32 $0xC800;
	v3 =	vperm.xlane v3, v2  }
0xdc: {  	[hbm4b:s5+s2] =	stream.indirect_vreg.scatter [tilespmem:s24], [sflag:$0x4], $0x80, v4, vm0, $0xb8;
	[tilespmem:$0x10100] =	vst v63  }
0xdd: {  	v3 =	vadd.s32 v1, v3;
	s1 =	simm.s32 $0xD000  }
0xde: {  	[hbm4b:s6+s2] =	stream.indirect_vreg.scatter [tilespmem:s1], [sflag:$0x4], $0x80, v4, vm0, $0xb8;
	[tilespmem:$0x10100] =	vst v63  }
0xdf: {  	s24 =	simm.s32 $0xD800  }
0xe0: {  	[hbm4b:s7+s2] =	stream.indirect_vreg.scatter [tilespmem:s24], [sflag:$0x4], $0x80, v4, vm0, $0xb8;
	[tilespmem:$0x10100] =	vst v63  }
0xe1: {  	s1 =	simm.s32 $0xE000  }
0xe2: {  	[hbm4b:s4+s2] =	stream.indirect_vreg.scatter [tilespmem:s1], [sflag:$0x4], $0x80, v3, vm0, $0xb8;
	[tilespmem:$0x10100] =	vst v63  }
0xe3: {  	s24 =	simm.s32 $0xE800  }
0xe4: {  	[hbm4b:s5+s2] =	stream.indirect_vreg.scatter [tilespmem:s24], [sflag:$0x4], $0x80, v3, vm0, $0xb8;
	[tilespmem:$0x10100] =	vst v63  }
0xe5: {  	s1 =	simm.s32 $0xF000  }
0xe6: {  	[hbm4b:s6+s2] =	stream.indirect_vreg.scatter [tilespmem:s1], [sflag:$0x4], $0x80, v3, vm0, $0xb8;
	[tilespmem:$0x10100] =	vst v63  }
0xe7: {  	s24 =	simm.s32 $0xF800  }
0xe8: {  	[hbm4b:s7+s2] =	stream.indirect_vreg.scatter [tilespmem:s24], [sflag:$0x4], $0x80, v3, vm0, $0xb8;
	[tilespmem:$0x10100] =	vst v63  }
0xe9: {  	p0 =	sne.s32 s8, $0x1;
	_ =	swait.ge [sflag:s22], $0x8000  }
.Ltmp0:
0xea: {  	[sflag:s22] =	ssyncset.done $0x0;
	(pc) =	sbr.rel @p0 .LBB2_1-.Ltmp0, $4  }
0xeb: {  	[sflag:s22] =	ssyncadd.s32 $0xFFFF8000  }
0xec: {  	_ =	swait.ge [sflag:s23], $0x8000  }
0xed: {  	[sflag:s23] =	ssyncset.done $0x0  }
0xee: {  	s8 =	sadd.s32 $0xFFFFFFFF, s8;
	[sflag:s23] =	ssyncadd.s32 $0xFFFF8000  }
0xef: {  	_ =	sfence.sel $0x180000  }
0xf0: {  	[bflag:$0x0] =	sbarrier.arrive $0xFFFF  }
0xf1: {  	_ =	strace $0x9000004A  }
0xf2: {  	s0 =	stileid.u32;
	[bflag:$0x2] =	sbarrier.arrive $0xFFFF  }
0xf3: {  	p0 =	sne.s32 s0, $0x0;
	s0 =	rddreg [dreg:$0x2]  }
0xf4: {  	s0 =	sadd.s32 @!p0 $0x100000, s0  }
0xf5: {  	[sflag:s0] =	ssyncadd.tile.s32 @!p0 $0x1;
	_ =	shalt  }
.Lfunc_end2:
_tile_overlayer_lowered:
.L_overlay_start_2:
0xf6: {  	(tag) =	ssettag $0x2  }
0xf7: {  	s0 =	rddreg [dreg:$0x0];
	s2 =	stileid.u32  }
0xf8: {  	s1 =	rddreg [dreg:$0x1];
	p0 =	sne.s32 s2, $0x0  }
0xf9: {  	s3 =	rddreg [dreg:$0x2];
	[bflag:$0x3] =	sbarrier.arrive $0xFFFF;
	s2 =	simm.s32 @!p0 $0x1C05  }
0xfa: {  	[timem:s3], [sflag:s2] =	dma.local @!p0 [hbm:s0], s1  }
0xfb: {  	s0 =	simm.s32 @!p0 $0x5  }
0xfc: {  	_ =	swait.ge @!p0 [sflag:s0], s1  }
0xfd: {  	s1 =	ssub.s32 @!p0 $0x0, s1;
	[sflag:s0] =	ssyncset.done @!p0 $0x0  }
0xfe: {  	[sflag:s0] =	ssyncadd.s32 @!p0 s1  }
0xff: {  	[bflag:$0x3] =	sbarrier.arrive $0xFFFF  }
0x100: {  	_ =	shalt  }

// kernel: kernel.20.cloned.1.call-start
scs
__scs_entry_jumppad:
0x0: {  	(pc) =	sbr.rel $0x88, $3  }
0x1: {  	(tag) =	ssettag $0x0;
	lr =	simm.s32 $0x1  }
0x2: {  	[smem:$0x3F9C] =	sst lr;
	_ =	strace $0xD0000000  }
0x3: {  	_ = 	snop  }
0x4: {  	_ = 	snop  }
0x5: {  	_ = 	snop  }
0x6: {  	_ = 	snop  }
0x7: {  	_ = 	snop  }
__scs_overlays_trampoline_lowered:
0x8: {  	[smem:$0x3FAB] =	sst s0  }
0x9: {  	[smem:$0x3FAC] =	sst s1  }
0xa: {  	[smem:$0x3FAD] =	sst s2  }
0xb: {  	[smem:$0x3FAE] =	sst s3  }
0xc: {  	[smem:$0x3FAF] =	sst s4  }
0xd: {  	[smem:$0x3FB0] =	sst s5  }
0xe: {  	[smem:$0x3FB1] =	sst s6  }
0xf: {  	[smem:$0x3FB2] =	sst s7  }
0x10: {  	[smem:$0x3FB3] =	sst s8  }
0x11: {  	[smem:$0x3FB4] =	sst s9;
	s0 =	simm.s32 @!p0 $0x0  }
0x12: {  	s1 =	sld [smem:$0x3F9A];
	s0 =	simm.s32 @p0 $0x1  }
0x13: {  	[smem:$0x3FB5] =	sst s0;
	s0 =	simm.s32 @!p1 $0x0  }
0x14: {  	s2 =	sld [smem:$0x3F99];
	s0 =	simm.s32 @p1 $0x1  }
0x15: {  	[smem:$0x3FB6] =	sst s0;
	s0 =	simm.s32 @!p2 $0x0  }
0x16: {  	s3 =	sld [smem:$0x3FDB];
	s0 =	simm.s32 @p2 $0x1  }
0x17: {  	s4 =	simm.s32 $0x1BF5;
	[smem:$0x3FB8] =	sst s0  }
0x18: {  	s0 =	sld [smem:$0x3F9B];
	_ =	swait.ge [sflag:s4], $0x0  }
0x19: {  	s7 =	sld [smem:$0x3F9C]  }
0x1a: {  	s8 =	sadd.s32 $0xFFFFE003, lr  }
0x1b: {  	s9 =	sadd.s32 $0xFFFFFEF7, lr;
	s5 =	simm.s32 $0xFFFFFFFF;
	p2 =	slt.u32 s8, $0xFFFFF086  }
0x1c: {  	p1 =	slt.u32 s9, $0xF7A;
	s5 =	simm.s32 @!p2 $0x0  }
0x1d: {  	s5 =	simm.s32 @p1 $0x1;
	p0 =	seq.s32 s7, s2  }
0x1e: {  	s7 =	smul.u32 @!p0 $0xF7A, s2;
	p2 =	seq.s32 @!p0 s5, $0x0  }
0x1f: {  	s9 =	smul.u32 $0xF7A, s1;
	s8 =	simm.s32 @!p0 $0x1BF5;
	p2 =	por !p2, p0  }
0x20: {  	[sflag:s8] =	ssyncset.s32 @!p0 $0xFFFFF086;
	s6 =	sadd.s32 @!p0 s3, s7;
	s7 =	simm.s32 @!p0 $0x108  }
0x21: {  	s3 =	sadd.s32 s3, s9;
	s6 =	sadd.s32 @!p0 $0x88, s6;
	s7 =	simm.s32 @p2 $0x1082  }
0x22: {  	[simem:s7], [sflag:s8] =	dma.local @!p0 [hbm:s6], $0xF7A  }
0x23: {  	s9 =	sor.u32 $0xD0000000, s2;
	s6 =	simm.s32 $0x108;
	_ =	swait.ge @!p0 [sflag:s8], $0x0  }
0x24: {  	s3 =	sadd.s32 $0x88, s3;
	s6 =	simm.s32 @!p1 $0x1082;
	[sflag:s4] =	ssyncset.s32 $0xFFFFF086  }
0x25: {  	[simem:s6], [sflag:s4] =	dma.local [hbm:s3], $0xF7A  }
0x26: {  	[smem:$0x3F9C] =	sst s1;
	(tag) =	ssettag s2;
	_ =	strace s9  }
0x27: {  	s1 =	sld [smem:$0x3FAC]  }
0x28: {  	s2 =	sld [smem:$0x3FAD]  }
0x29: {  	s4 =	sld [smem:$0x3FAF]  }
0x2a: {  	p0 =	seq.s32 s5, $0x0;
	s5 =	sld [smem:$0x3FB0]  }
0x2b: {  	s6 =	sld [smem:$0x3FB1]  }
0x2c: {  	s7 =	sld [smem:$0x3FB2]  }
0x2d: {  	s3 =	simm.s32 $0x108;
	s8 =	sld [smem:$0x3FB3]  }
0x2e: {  	s3 =	simm.s32 @!p0 $0x1082;
	s9 =	sld [smem:$0x3FB4]  }
0x2f: {  	lr =	sadd.s32 s0, s3;
	s0 =	sld [smem:$0x3FAB]  }
0x30: {  	s3 =	sld [smem:$0x3FAE]  }
0x31: {  	[smem:$0x3FB7] =	sst s10  }
0x32: {  	s10 =	sld [smem:$0x3FB5];
	_ =	sdelay $0x3  }
0x33: {  	p0 =	seq.s32 s10, $0x1;
	s10 =	sld [smem:$0x3FB7];
	_ =	sdelay $0x3  }
0x34: {  	[smem:$0x3FB7] =	sst s10  }
0x35: {  	s10 =	sld [smem:$0x3FB6];
	_ =	sdelay $0x3  }
0x36: {  	p1 =	seq.s32 s10, $0x1;
	s10 =	sld [smem:$0x3FB7];
	_ =	sdelay $0x3  }
0x37: {  	[smem:$0x3FB7] =	sst s10  }
0x38: {  	s10 =	sld [smem:$0x3FB8]  }
0x39: {  	_ = 	snop;
	(pc) =	sbr.ind lr, $3  }
0x3a: {  	_ = 	snop  }
0x3b: {  	_ = 	snop  }
0x3c: {  	p2 =	seq.s32 s10, $0x1;
	s10 =	sld [smem:$0x3FB7]  }
0x3d: {  	_ =	shalt  }
0x3e: {  	_ =	shalt  }
0x3f: {  	_ =	shalt  }
0x40: {  	_ =	shalt  }
0x41: {  	_ =	shalt  }
0x42: {  	_ =	shalt  }
0x43: {  	_ =	shalt  }
0x44: {  	_ =	shalt  }
0x45: {  	_ =	shalt  }
0x46: {  	_ =	shalt  }
0x47: {  	_ =	shalt  }
0x48: {  	_ =	shalt  }
0x49: {  	_ =	shalt  }
0x4a: {  	_ =	shalt  }
0x4b: {  	_ =	shalt  }
0x4c: {  	_ =	shalt  }
0x4d: {  	_ =	shalt  }
0x4e: {  	_ =	shalt  }
0x4f: {  	_ =	shalt  }
0x50: {  	_ =	shalt  }
0x51: {  	_ =	shalt  }
0x52: {  	_ =	shalt  }
0x53: {  	_ =	shalt  }
0x54: {  	_ =	shalt  }
0x55: {  	_ =	shalt  }
0x56: {  	_ =	shalt  }
0x57: {  	_ =	shalt  }
0x58: {  	_ =	shalt  }
0x59: {  	_ =	shalt  }
0x5a: {  	_ =	shalt  }
0x5b: {  	_ =	shalt  }
0x5c: {  	_ =	shalt  }
0x5d: {  	_ =	shalt  }
0x5e: {  	_ =	shalt  }
0x5f: {  	_ =	shalt  }
0x60: {  	_ =	shalt  }
0x61: {  	_ =	shalt  }
0x62: {  	_ =	shalt  }
0x63: {  	_ =	shalt  }
0x64: {  	_ =	shalt  }
0x65: {  	_ =	shalt  }
0x66: {  	_ =	shalt  }
0x67: {  	_ =	shalt  }
0x68: {  	_ =	shalt  }
0x69: {  	_ =	shalt  }
0x6a: {  	_ =	shalt  }
0x6b: {  	_ =	shalt  }
0x6c: {  	_ =	shalt  }
0x6d: {  	_ =	shalt  }
0x6e: {  	_ =	shalt  }
0x6f: {  	_ =	shalt  }
0x70: {  	_ =	shalt  }
0x71: {  	_ =	shalt  }
0x72: {  	_ =	shalt  }
0x73: {  	_ =	shalt  }
0x74: {  	_ =	shalt  }
0x75: {  	_ =	shalt  }
0x76: {  	_ =	shalt  }
0x77: {  	_ =	shalt  }
0x78: {  	_ =	shalt  }
0x79: {  	_ =	shalt  }
0x7a: {  	_ =	shalt  }
0x7b: {  	_ =	shalt  }
0x7c: {  	_ =	shalt  }
0x7d: {  	_ =	shalt  }
0x7e: {  	_ =	shalt  }
0x7f: {  	_ =	shalt  }
0x80: {  	_ =	shalt  }
0x81: {  	_ =	shalt  }
0x82: {  	_ =	shalt  }
0x83: {  	_ =	shalt  }
0x84: {  	_ =	shalt  }
0x85: {  	_ =	shalt  }
0x86: {  	_ =	shalt  }
0x87: {  	_ =	shalt  }
.Lfunc_end0:
.L_simem_size_0:
called_computation.3_lowered:
.L_overlay_start_0:
0x88: {  	s2 =	sld [smem:$0x3FD9]  }
0x89: {  	s3 =	sld [smem:$0x3FFE];
	_ =	sdelay $0x1  }
0x8a: {  	s1 =	srdreg.scid  }
0x8b: {  	s0 =	sand.u32 $0x1, s1  }
0x8c: {  	s17 =	sshll.u32 s0, $0xA;
	s2 =	sadd.s32 s3, s2  }
0x8d: {  	s2 =	sadd.s32 s2, s17  }
0x8e: {  	[smem:$0x3FC3] =	sst s2  }
0x8f: {  	_ = 	snop  }
0x90: {  	(tm) =	ssettm $0x1  }
0x91: {  	s18 =	sld [smem:$0x3FFB];
	_ =	sdelay $0x3  }
0x92: {  	_ =	strace s18  }
0x93: {  	s2 =	sld [smem:$0x3FFC];
	_ =	sdelay $0x3  }
0x94: {  	_ =	strace s2  }
0x95: {  	s2 =	sld [smem:$0x3FFD];
	_ =	sdelay $0x3  }
0x96: {  	_ =	strace s2  }
0x97: {  	_ =	strace $0x8FFFFFFF  }
0x98: {  	s19 =	sld [smem:$0x3FDB];
	_ =	sdelay $0x1  }
0x99: {  	s20 =	simm.s32 $_scs_section_size  }
0x9a: {  	s4 =	simm.s32 $_size__tile_overlayer_lowered;
	s5 =	simm.s32 $_tile_overlayer_lowered  }
0x9b: {  	s6 =	simm.s32 $0x1BFF;
	s21 =	sshll.u32 s5, $0x1;
	s3 =	sadd.s32 s20, s19  }
0x9c: {  	s22 =	simm.s32 $0x0;
	s4 =	sshll.u32 s4, $0x1;
	s5 =	sadd.s32 s21, s3  }
0x9d: {  	[timem:s22], [sflag:s6] =	dma.local [hbm:s5], s4  }
0x9e: {  	_ =	swait.ge [sflag:s6], s4  }
0x9f: {  	s4 =	ssub.s32 $0x0, s4;
	[sflag:s6] =	ssyncset.done $0x0  }
0xa0: {  	[sflag:s6] =	ssyncadd.s32 s4;
	_ =	sdelay $0x1  }
0xa1: {  	s23 =	simm.s32 $0x1B8B  }
0xa2: {  	_ =	swait.ge [sflag:s23], $0x1  }
0xa3: {  	[sflag:s23] =	ssyncset.done $0x0  }
0xa4: {  	[sflag:s23] =	ssyncadd.s32 $0xFFFFFFFF  }
0xa5: {  	s4 =	sld [smem:$0x0]  }
0xa6: {  	s5 =	sand.u32 $0xFFFFFFFE, s1  }
0xa7: {  	p0 =	sne.s32 s1, s5  }
0xa8: {  	s5 =	sshll.u32 @p0 s5, $0xE  }
0xa9: {  	s5 =	sadd.s32 @p0 $0x11B8D, s5;
	s6 =	sshll.u32 @p0 s4, $0x11  }
0xaa: {  	s5 =	sor.u32 @p0 s6, s5  }
0xab: {  	[sflag:s5] =	ssyncadd.remote.s32 @p0 $0x1;
	_ =	sdelay $0x1  }
0xac: {  	s5 =	simm.s32 @p0 $0x1B8D  }
0xad: {  	_ =	swait.eq @p0 [sflag:s5], $0x1  }
0xae: {  	[sflag:s5] =	ssyncadd.s32 @p0 $0xFFFFFFFF  }
0xaf: {  	s6 =	sshll.u32 @!p0 s1, $0xE  }
0xb0: {  	s6 =	sor.u32 @!p0 $0x4000, s6;
	s5 =	simm.s32 @!p0 $0x1B8D  }
0xb1: {  	s4 =	sshll.u32 @!p0 s4, $0x11;
	s6 =	sadd.s32 @!p0 $0x11B8D, s6;
	_ =	swait.eq @!p0 [sflag:s5], $0x1  }
0xb2: {  	s4 =	sor.u32 @!p0 s4, s6;
	[sflag:s5] =	ssyncadd.s32 @!p0 $0xFFFFFFFF  }
0xb3: {  	s25 =	simm.s32 $0x1B8E;
	s24 =	sld [smem:$0x3FFE];
	[sflag:s4] =	ssyncadd.remote.s32 @!p0 $0x1  }
0xb4: {  	s26 =	simm.s32 $execute0_lowered;
	[smem:$0x3FD2] =	sst s25  }
0xb5: {  	s5 =	sshll.u32 s26, $0x1;
	_ =	strace $0x8000004F;
	[dreg:$0x1] =	wrdreg $0xFFFFFFFF  }
0xb6: {  	s28 =	simm.s32 $_size_execute0_lowered;
	s3 =	sadd.s32 s3, s5;
	[dreg:$0x0] =	wrdreg $0x0  }
0xb7: {  	s5 =	sshll.u32 s28, $0x1;
	[dreg:$0x2] =	wrdreg s3  }
0xb8: {  	[dreg:$0x3] =	wrdreg s5  }
0xb9: {  	[dreg:$0x4] =	wrdreg $0xC0  }
0xba: {  	_ =	task [dreg:s22], $0x5FFFF  }
0xbb: {  	[dreg:$0x1] =	wrdreg $0xFFFFFFFF  }
0xbc: {  	[dreg:$0x0] =	wrdreg $0x60  }
0xbd: {  	[dreg:$0x2] =	wrdreg s24  }
0xbe: {  	[dreg:$0x3] =	wrdreg $0xA  }
0xbf: {  	_ =	task.clear_ibuf [dreg:s22], $0x4FFFF;
	_ =	strace $0x9000004F  }
0xc0: {  	s29 =	simm.s32 $0xA;
	_ =	strace $0x80000051  }
0xc1: {  	_ =	swait.ge [sflag:s29], $0x1  }
0xc2: {  	[sflag:s29] =	ssyncadd.s32 $0xFFFFFFFF  }
0xc3: {  	_ =	strace $0x90000051  }
0xc4: {  	_ =	sfence  }
0xc5: {  	s30 =	sld [smem:$0x0];
	_ =	sdelay $0x2  }
0xc6: {  	s31 =	sshll.u32 s1, $0xD;
	s1 =	sshrl.u32 s1, $0x2  }
0xc7: {  	s4 =	sand.u32 $0x4000, s31;
	s1 =	sadd.s32 s1, s30  }
0xc8: {  	s0 =	sor.u32 s4, s0;
	s1 =	sshll.u32 s1, $0x11  }
0xc9: {  	s0 =	sor.u32 s1, s0  }
0xca: {  	s0 =	sadd.s32 $0x8F2B, s0  }
0xcb: {  	[sflag:s0] =	ssyncadd.remote.s32 $0x1  }
0xcc: {  	_ =	sfence.sel $0xFFFF  }
0xcd: {  	[dreg:$0x0] =	wrdreg $0xFFFFFFFF;
	(pc) =	sbr.abs _section_cstart, $3  }
0xce: {  	[dreg:$0x1] =	wrdreg $0xFFFFFFFF  }
0xcf: {  	_ =	task.clear_ibuf [dreg:s22], $0x2FFFF;
	_ =	strace $0x9FFFFFFF  }
0xd0: {  	(tm) =	ssettm $0x7FFFFFFF  }
0xd1: {  	_ =	shalt  }
tec
execute0_lowered:
.L_overlay_start_1:
0x0: {  	(tag) =	ssettag $0x1  }
0x1: {  	s0 =	rddreg [dreg:$0x0];
	s2 =	simm.s32 $0x0;
	s1 =	srdreg.scid  }
0x2: {  	s4 =	stileid.u32;
	s29 =	simm.s32 $0x1000;
	s30 =	simm.s32 $0x1800  }
0x3: {  	s31 =	simm.s32 $0x2000;
	s11 =	simm.s32 $0x4800;
	s12 =	simm.s32 $0x5000  }
0x4: {  	s13 =	simm.s32 $0x5800;
	s14 =	simm.s32 $0x6000;
	s28 =	simm.s32 $0x9000  }
0x5: {  	[smem:$0x7FF] =	sst s2;
	s1 =	sand.u32 $0x1, s1;
	s3 =	sadd.s32 $0x248A00, s0  }
0x6: {  	s4 =	sshll.u32 s4, $0x8;
	s6 =	sadd.s32 $0xC0800, s0;
	s15 =	sadd.s32 $0xC0A00, s0  }
0x7: {  	_ =	strace $0x80000050;
	s5 =	sshll.u32 s1, $0x7;
	s1 =	ssub.s32 $0x2, s1  }
0x8: {  	s4 =	sor.u32 s5, s4;
	s7 =	sshrl.u32 s1, $0x1;
	s5 =	sadd.s32 $0x248C00, s0  }
0x9: {  	s8 =	sshrl.u32 s4, $0x3;
	s9 =	sshll.u32 s4, $0x7;
	s10 =	sor.u32 $0x20, s4  }
0xa: {  	s21 =	sor.u32 $0x40, s4;
	s1 =	ssub.s32 s1, s7;
	s4 =	sor.u32 $0x60, s4  }
0xb: {  	s8 =	sadd.s32 s6, s8;
	s16 =	sadd.s32 s15, s9;
	s17 =	sshrl.u32 s10, $0x3  }
0xc: {  	s19 =	sshll.u32 s10, $0x7;
	s22 =	sshrl.u32 s21, $0x3;
	s23 =	sshll.u32 s21, $0x7  }
0xd: {  	s25 =	sshrl.u32 s4, $0x3;
	s26 =	sshll.u32 s4, $0x7;
	s4 =	sadd.s32 $0x248B00, s0  }
0xe: {  	s9 =	simm.s32 $0x5;
	s21 =	simm.s32 $0x4;
	[dreg:$0x2] =	wrdreg s8  }
0xf: {  	s10 =	simm.s32 $0x4000;
	[dreg:$0x3] =	wrdreg s16;
	s18 =	sadd.s32 s6, s17  }
0x10: {  	s20 =	sadd.s32 s15, s19;
	s7 =	sadd.s32 s6, s22;
	[dreg:$0x4] =	wrdreg s18  }
0x11: {  	s24 =	sadd.s32 s15, s23;
	s6 =	sadd.s32 s6, s25;
	[dreg:$0x5] =	wrdreg s20  }
0x12: {  	s19 =	simm.s32 $0x2;
	s8 =	simm.s32 $0x3800;
	[dreg:$0x6] =	wrdreg s7  }
0x13: {  	s16 =	simm.s32 $0x7000;
	s17 =	simm.s32 $0x7800;
	[dreg:$0x7] =	wrdreg s24  }
0x14: {  	s25 =	simm.s32 $0x8000;
	[dreg:$0x8] =	wrdreg s6;
	s7 =	sadd.s32 s15, s26  }
0x15: {  	v2 =	vlaneseq.u32;
	s6 =	sadd.s32 $0x248D00, s0;
	s20 =	simm.s32 $0x3;
	s24 =	simm.s32 $0x10000  }
0x16: {  	vm0 =	vmmov $0xffff;
	v1 =	vshrl.u32 v2, $0x3;
	s26 =	simm.s32 $0x800;
	s18 =	simm.s32 $0x2800;
	s15 =	simm.s32 $0x6800  }
0x17: {  	v0 =	vand.u32 $0x7, v2;
	v2 =	vor.u32 $0x8, v2;
	v1 =	vmul.u32 $0x8, v1;
	[dreg:$0x9] =	wrdreg s7;
	s7 =	smax.u32 s1, $0x1;
	s1 =	simm.s32 $0x3000  }
.LBB2_1:
0x18: {  	s22 =	rddreg [dreg:$0x2]  }
0x19: {  	[tilespmem:s24], [sflag:$0x5] =	stream.linear.gather [hbm4b:s22+s2], $0x20, $0x38;
	[tilespmem:$0x10100] =	vst v63  }
0x1a: {  	_ =	swait.ge [sflag:s9], $0x20  }
0x1b: {  	[sflag:s9] =	ssyncset.done $0x0  }
0x1c: {  	[sflag:s9] =	ssyncadd.s32 $0xFFFFFFE0  }
0x1d: {  	v3 =	vld [tilespmem:$0x10000];
	_ =	sdelay $0x4  }
0x1e: {  	v4 =	vshll.u32 v3, $0x3  }
0x1f: {  	v3 =	vand.u32 $0x7, v3;
	v4 =	vand.u32 $0xFFFFFFC0, v4  }
0x20: {  	v3 =	vor.u32 v3, v4  }
0x21: {  	v4 =	vperm.xlane v3, v0;
	_ =	sdelay $0x1  }
0x22: {  	v4 =	vadd.s32 v1, v4;
	_ =	sdelay $0x4  }
0x23: {  	[tilespmem:s2], [sflag:$0x1] =	stream.indirect_vreg.gather [hbm4b:s3+s2], $0x80, v4, vm0, $0xb8;
	[tilespmem:$0x10100] =	vst v63  }
0x24: {  	v3 =	vperm.xlane v3, v2  }
0x25: {  	[tilespmem:s26], [sflag:$0x1] =	stream.indirect_vreg.gather [hbm4b:s4+s2], $0x80, v4, vm0, $0xb8;
	[tilespmem:$0x10100] =	vst v63  }
0x26: {  	v3 =	vadd.s32 v1, v3  }
0x27: {  	[tilespmem:s29], [sflag:$0x1] =	stream.indirect_vreg.gather [hbm4b:s5+s2], $0x80, v4, vm0, $0xb8;
	[tilespmem:$0x10100] =	vst v63  }
0x28: {  	_ = 	snop  }
0x29: {  	[tilespmem:s30], [sflag:$0x1] =	stream.indirect_vreg.gather [hbm4b:s6+s2], $0x80, v4, vm0, $0xb8;
	[tilespmem:$0x10100] =	vst v63  }
0x2a: {  	_ = 	snop  }
0x2b: {  	[tilespmem:s31], [sflag:$0x1] =	stream.indirect_vreg.gather [hbm4b:s3+s2], $0x80, v3, vm0, $0xb8;
	[tilespmem:$0x10100] =	vst v63  }
0x2c: {  	_ = 	snop  }
0x2d: {  	[tilespmem:s18], [sflag:$0x1] =	stream.indirect_vreg.gather [hbm4b:s4+s2], $0x80, v3, vm0, $0xb8;
	[tilespmem:$0x10100] =	vst v63  }
0x2e: {  	_ = 	snop  }
0x2f: {  	[tilespmem:s1], [sflag:$0x1] =	stream.indirect_vreg.gather [hbm4b:s5+s2], $0x80, v3, vm0, $0xb8;
	[tilespmem:$0x10100] =	vst v63  }
0x30: {  	_ = 	snop  }
0x31: {  	[tilespmem:s8], [sflag:$0x1] =	stream.indirect_vreg.gather [hbm4b:s6+s2], $0x80, v3, vm0, $0xb8;
	[tilespmem:$0x10100] =	vst v63  }
0x32: {  	v3 =	vld [tilespmem:$0x10010];
	_ =	sdelay $0x4  }
0x33: {  	v57 =	vshll.u32 v3, $0x3  }
0x34: {  	v3 =	vand.u32 $0x7, v3;
	v4 =	vand.u32 $0xFFFFFFC0, v57  }
0x35: {  	v3 =	vor.u32 v3, v4  }
0x36: {  	v4 =	vperm.xlane v3, v0;
	_ =	sdelay $0x1  }
0x37: {  	v4 =	vadd.s32 v1, v4;
	_ =	sdelay $0x4  }
0x38: {  	[tilespmem:s10], [sflag:$0x1] =	stream.indirect_vreg.gather [hbm4b:s3+s2], $0x80, v4, vm0, $0xb8;
	[tilespmem:$0x10100] =	vst v63  }
0x39: {  	v3 =	vperm.xlane v3, v2  }
0x3a: {  	[tilespmem:s11], [sflag:$0x1] =	stream.indirect_vreg.gather [hbm4b:s4+s2], $0x80, v4, vm0, $0xb8;
	[tilespmem:$0x10100] =	vst v63  }
0x3b: {  	v3 =	vadd.s32 v1, v3  }
0x3c: {  	[tilespmem:s12], [sflag:$0x1] =	stream.indirect_vreg.gather [hbm4b:s5+s2], $0x80, v4, vm0, $0xb8;
	[tilespmem:$0x10100] =	vst v63  }
0x3d: {  	_ = 	snop  }
0x3e: {  	[tilespmem:s13], [sflag:$0x1] =	stream.indirect_vreg.gather [hbm4b:s6+s2], $0x80, v4, vm0, $0xb8;
	[tilespmem:$0x10100] =	vst v63  }
0x3f: {  	_ = 	snop  }
0x40: {  	[tilespmem:s14], [sflag:$0x1] =	stream.indirect_vreg.gather [hbm4b:s3+s2], $0x80, v3, vm0, $0xb8;
	[tilespmem:$0x10100] =	vst v63  }
0x41: {  	_ = 	snop  }
0x42: {  	[tilespmem:s15], [sflag:$0x1] =	stream.indirect_vreg.gather [hbm4b:s4+s2], $0x80, v3, vm0, $0xb8;
	[tilespmem:$0x10100] =	vst v63  }
0x43: {  	_ = 	snop  }
0x44: {  	[tilespmem:s16], [sflag:$0x1] =	stream.indirect_vreg.gather [hbm4b:s5+s2], $0x80, v3, vm0, $0xb8;
	[tilespmem:$0x10100] =	vst v63  }
0x45: {  	s0 =	simm.s32 $0x1  }
0x46: {  	[tilespmem:s17], [sflag:$0x1] =	stream.indirect_vreg.gather [hbm4b:s6+s2], $0x80, v3, vm0, $0xb8;
	[tilespmem:$0x10100] =	vst v63  }
0x47: {  	_ =	swait.ge [sflag:s0], $0x8000  }
0x48: {  	[sflag:s0] =	ssyncset.done $0x0  }
0x49: {  	s22 =	rddreg [dreg:$0x3];
	[sflag:s0] =	ssyncadd.s32 $0xFFFF8000  }
0x4a: {  	[hbm4b:s22+s2] =	stream.linear.scatter [tilespmem:s2], [sflag:$0x3], $0x8000, $0x38;
	[tilespmem:$0x10100] =	vst v63  }
0x4b: {  	s23 =	rddreg [dreg:$0x4];
	s22 =	simm.s32 $0x10080  }
0x4c: {  	[tilespmem:s22], [sflag:$0x5] =	stream.linear.gather [hbm4b:s23+s2], $0x20, $0x38;
	[tilespmem:$0x10100] =	vst v63  }
0x4d: {  	_ =	swait.ge [sflag:s9], $0x20  }
0x4e: {  	[sflag:s9] =	ssyncset.done $0x0  }
0x4f: {  	[sflag:s9] =	ssyncadd.s32 $0xFFFFFFE0  }
0x50: {  	v3 =	vld [tilespmem:$0x10080];
	_ =	sdelay $0x4  }
0x51: {  	v58 =	vshll.u32 v3, $0x3  }
0x52: {  	v3 =	vand.u32 $0x7, v3;
	v4 =	vand.u32 $0xFFFFFFC0, v58  }
0x53: {  	v3 =	vor.u32 v3, v4  }
0x54: {  	v4 =	vperm.xlane v3, v0;
	_ =	sdelay $0x1  }
0x55: {  	v4 =	vadd.s32 v1, v4;
	_ =	sdelay $0x4  }
0x56: {  	[tilespmem:s25], [sflag:$0x2] =	stream.indirect_vreg.gather [hbm4b:s3+s2], $0x80, v4, vm0, $0xb8;
	[tilespmem:$0x10100] =	vst v63  }
0x57: {  	s23 =	simm.s32 $0x8800;
	v3 =	vperm.xlane v3, v2  }
0x58: {  	[tilespmem:s23], [sflag:$0x2] =	stream.indirect_vreg.gather [hbm4b:s4+s2], $0x80, v4, vm0, $0xb8;
	[tilespmem:$0x10100] =	vst v63  }
0x59: {  	v3 =	vadd.s32 v1, v3  }
0x5a: {  	[tilespmem:s28], [sflag:$0x2] =	stream.indirect_vreg.gather [hbm4b:s5+s2], $0x80, v4, vm0, $0xb8;
	[tilespmem:$0x10100] =	vst v63  }
0x5b: {  	s22 =	simm.s32 $0x9800  }
0x5c: {  	[tilespmem:s22], [sflag:$0x2] =	stream.indirect_vreg.gather [hbm4b:s6+s2], $0x80, v4, vm0, $0xb8;
	[tilespmem:$0x10100] =	vst v63  }
0x5d: {  	s22 =	simm.s32 $0xA000  }
0x5e: {  	[tilespmem:s22], [sflag:$0x2] =	stream.indirect_vreg.gather [hbm4b:s3+s2], $0x80, v3, vm0, $0xb8;
	[tilespmem:$0x10100] =	vst v63  }
0x5f: {  	s22 =	simm.s32 $0xA800  }
0x60: {  	[tilespmem:s22], [sflag:$0x2] =	stream.indirect_vreg.gather [hbm4b:s4+s2], $0x80, v3, vm0, $0xb8;
	[tilespmem:$0x10100] =	vst v63  }
0x61: {  	s22 =	simm.s32 $0xB000  }
0x62: {  	[tilespmem:s22], [sflag:$0x2] =	stream.indirect_vreg.gather [hbm4b:s5+s2], $0x80, v3, vm0, $0xb8;
	[tilespmem:$0x10100] =	vst v63  }
0x63: {  	s22 =	simm.s32 $0xB800  }
0x64: {  	[tilespmem:s22], [sflag:$0x2] =	stream.indirect_vreg.gather [hbm4b:s6+s2], $0x80, v3, vm0, $0xb8;
	[tilespmem:$0x10100] =	vst v63  }
0x65: {  	v3 =	vld [tilespmem:$0x10090];
	_ =	sdelay $0x4  }
0x66: {  	v59 =	vshll.u32 v3, $0x3  }
0x67: {  	v3 =	vand.u32 $0x7, v3;
	v4 =	vand.u32 $0xFFFFFFC0, v59  }
0x68: {  	v3 =	vor.u32 v3, v4  }
0x69: {  	v4 =	vperm.xlane v3, v0;
	_ =	sdelay $0x1  }
0x6a: {  	v4 =	vadd.s32 v1, v4;
	_ =	sdelay $0x3  }
0x6b: {  	s22 =	simm.s32 $0xC000  }
0x6c: {  	[tilespmem:s22], [sflag:$0x2] =	stream.indirect_vreg.gather [hbm4b:s3+s2], $0x80, v4, vm0, $0xb8;
	[tilespmem:$0x10100] =	vst v63  }
0x6d: {  	v3 =	vperm.xlane v3, v2;
	s22 =	simm.s32 $0xC800  }
0x6e: {  	[tilespmem:s22], [sflag:$0x2] =	stream.indirect_vreg.gather [hbm4b:s4+s2], $0x80, v4, vm0, $0xb8;
	[tilespmem:$0x10100] =	vst v63  }
0x6f: {  	v3 =	vadd.s32 v1, v3;
	s22 =	simm.s32 $0xD000  }
0x70: {  	[tilespmem:s22], [sflag:$0x2] =	stream.indirect_vreg.gather [hbm4b:s5+s2], $0x80, v4, vm0, $0xb8;
	[tilespmem:$0x10100] =	vst v63  }
0x71: {  	s22 =	simm.s32 $0xD800  }
0x72: {  	[tilespmem:s22], [sflag:$0x2] =	stream.indirect_vreg.gather [hbm4b:s6+s2], $0x80, v4, vm0, $0xb8;
	[tilespmem:$0x10100] =	vst v63  }
0x73: {  	s22 =	simm.s32 $0xE000  }
0x74: {  	[tilespmem:s22], [sflag:$0x2] =	stream.indirect_vreg.gather [hbm4b:s3+s2], $0x80, v3, vm0, $0xb8;
	[tilespmem:$0x10100] =	vst v63  }
0x75: {  	s22 =	simm.s32 $0xE800  }
0x76: {  	[tilespmem:s22], [sflag:$0x2] =	stream.indirect_vreg.gather [hbm4b:s4+s2], $0x80, v3, vm0, $0xb8;
	[tilespmem:$0x10100] =	vst v63  }
0x77: {  	s22 =	simm.s32 $0xF000  }
0x78: {  	[tilespmem:s22], [sflag:$0x2] =	stream.indirect_vreg.gather [hbm4b:s5+s2], $0x80, v3, vm0, $0xb8;
	[tilespmem:$0x10100] =	vst v63  }
0x79: {  	s22 =	simm.s32 $0xF800  }
0x7a: {  	[tilespmem:s22], [sflag:$0x2] =	stream.indirect_vreg.gather [hbm4b:s6+s2], $0x80, v3, vm0, $0xb8;
	[tilespmem:$0x10100] =	vst v63  }
0x7b: {  	_ =	swait.ge [sflag:s19], $0x8000  }
0x7c: {  	[sflag:s19] =	ssyncset.done $0x0  }
0x7d: {  	s22 =	rddreg [dreg:$0x5];
	[sflag:s19] =	ssyncadd.s32 $0xFFFF8000  }
0x7e: {  	[hbm4b:s22+s2] =	stream.linear.scatter [tilespmem:s25], [sflag:$0x4], $0x8000, $0x38;
	[tilespmem:$0x10100] =	vst v63  }
0x7f: {  	_ =	swait.ge [sflag:s20], $0x8000  }
0x80: {  	[sflag:s20] =	ssyncset.done $0x0  }
0x81: {  	s22 =	rddreg [dreg:$0x6];
	[sflag:s20] =	ssyncadd.s32 $0xFFFF8000  }
0x82: {  	[tilespmem:s24], [sflag:$0x5] =	stream.linear.gather [hbm4b:s22+s2], $0x20, $0x38;
	[tilespmem:$0x10100] =	vst v63  }
0x83: {  	_ =	swait.ge [sflag:s9], $0x20  }
0x84: {  	[sflag:s9] =	ssyncset.done $0x0  }
0x85: {  	[sflag:s9] =	ssyncadd.s32 $0xFFFFFFE0  }
0x86: {  	v3 =	vld [tilespmem:$0x10000];
	_ =	sdelay $0x4  }
0x87: {  	v60 =	vshll.u32 v3, $0x3  }
0x88: {  	v3 =	vand.u32 $0x7, v3;
	v4 =	vand.u32 $0xFFFFFFC0, v60  }
0x89: {  	v3 =	vor.u32 v3, v4  }
0x8a: {  	v4 =	vperm.xlane v3, v0;
	_ =	sdelay $0x1  }
0x8b: {  	v4 =	vadd.s32 v1, v4;
	_ =	sdelay $0x4  }
0x8c: {  	[tilespmem:s2], [sflag:$0x1] =	stream.indirect_vreg.gather [hbm4b:s3+s2], $0x80, v4, vm0, $0xb8;
	[tilespmem:$0x10100] =	vst v63  }
0x8d: {  	v3 =	vperm.xlane v3, v2  }
0x8e: {  	[tilespmem:s26], [sflag:$0x1] =	stream.indirect_vreg.gather [hbm4b:s4+s2], $0x80, v4, vm0, $0xb8;
	[tilespmem:$0x10100] =	vst v63  }
0x8f: {  	v3 =	vadd.s32 v1, v3  }
0x90: {  	[tilespmem:s29], [sflag:$0x1] =	stream.indirect_vreg.gather [hbm4b:s5+s2], $0x80, v4, vm0, $0xb8;
	[tilespmem:$0x10100] =	vst v63  }
0x91: {  	_ = 	snop  }
0x92: {  	[tilespmem:s30], [sflag:$0x1] =	stream.indirect_vreg.gather [hbm4b:s6+s2], $0x80, v4, vm0, $0xb8;
	[tilespmem:$0x10100] =	vst v63  }
0x93: {  	_ = 	snop  }
0x94: {  	[tilespmem:s31], [sflag:$0x1] =	stream.indirect_vreg.gather [hbm4b:s3+s2], $0x80, v3, vm0, $0xb8;
	[tilespmem:$0x10100] =	vst v63  }
0x95: {  	_ = 	snop  }
0x96: {  	[tilespmem:s18], [sflag:$0x1] =	stream.indirect_vreg.gather [hbm4b:s4+s2], $0x80, v3, vm0, $0xb8;
	[tilespmem:$0x10100] =	vst v63  }
0x97: {  	_ = 	snop  }
0x98: {  	[tilespmem:s1], [sflag:$0x1] =	stream.indirect_vreg.gather [hbm4b:s5+s2], $0x80, v3, vm0, $0xb8;
	[tilespmem:$0x10100] =	vst v63  }
0x99: {  	_ = 	snop  }
0x9a: {  	[tilespmem:s8], [sflag:$0x1] =	stream.indirect_vreg.gather [hbm4b:s6+s2], $0x80, v3, vm0, $0xb8;
	[tilespmem:$0x10100] =	vst v63  }
0x9b: {  	v3 =	vld [tilespmem:$0x10010];
	_ =	sdelay $0x4  }
0x9c: {  	v61 =	vshll.u32 v3, $0x3  }
0x9d: {  	v3 =	vand.u32 $0x7, v3;
	v4 =	vand.u32 $0xFFFFFFC0, v61  }
0x9e: {  	v3 =	vor.u32 v3, v4  }
0x9f: {  	v4 =	vperm.xlane v3, v0;
	_ =	sdelay $0x1  }
0xa0: {  	v4 =	vadd.s32 v1, v4;
	_ =	sdelay $0x4  }
0xa1: {  	[tilespmem:s10], [sflag:$0x1] =	stream.indirect_vreg.gather [hbm4b:s3+s2], $0x80, v4, vm0, $0xb8;
	[tilespmem:$0x10100] =	vst v63  }
0xa2: {  	v3 =	vperm.xlane v3, v2  }
0xa3: {  	[tilespmem:s11], [sflag:$0x1] =	stream.indirect_vreg.gather [hbm4b:s4+s2], $0x80, v4, vm0, $0xb8;
	[tilespmem:$0x10100] =	vst v63  }
0xa4: {  	v3 =	vadd.s32 v1, v3  }
0xa5: {  	[tilespmem:s12], [sflag:$0x1] =	stream.indirect_vreg.gather [hbm4b:s5+s2], $0x80, v4, vm0, $0xb8;
	[tilespmem:$0x10100] =	vst v63  }
0xa6: {  	_ = 	snop  }
0xa7: {  	[tilespmem:s13], [sflag:$0x1] =	stream.indirect_vreg.gather [hbm4b:s6+s2], $0x80, v4, vm0, $0xb8;
	[tilespmem:$0x10100] =	vst v63  }
0xa8: {  	_ = 	snop  }
0xa9: {  	[tilespmem:s14], [sflag:$0x1] =	stream.indirect_vreg.gather [hbm4b:s3+s2], $0x80, v3, vm0, $0xb8;
	[tilespmem:$0x10100] =	vst v63  }
0xaa: {  	_ = 	snop  }
0xab: {  	[tilespmem:s15], [sflag:$0x1] =	stream.indirect_vreg.gather [hbm4b:s4+s2], $0x80, v3, vm0, $0xb8;
	[tilespmem:$0x10100] =	vst v63  }
0xac: {  	_ = 	snop  }
0xad: {  	[tilespmem:s16], [sflag:$0x1] =	stream.indirect_vreg.gather [hbm4b:s5+s2], $0x80, v3, vm0, $0xb8;
	[tilespmem:$0x10100] =	vst v63  }
0xae: {  	_ = 	snop  }
0xaf: {  	[tilespmem:s17], [sflag:$0x1] =	stream.indirect_vreg.gather [hbm4b:s6+s2], $0x80, v3, vm0, $0xb8;
	[tilespmem:$0x10100] =	vst v63  }
0xb0: {  	_ =	swait.ge [sflag:s0], $0x8000  }
0xb1: {  	[sflag:s0] =	ssyncset.done $0x0  }
0xb2: {  	s22 =	rddreg [dreg:$0x7];
	[sflag:s0] =	ssyncadd.s32 $0xFFFF8000  }
0xb3: {  	[hbm4b:s22+s2] =	stream.linear.scatter [tilespmem:s2], [sflag:$0x3], $0x8000, $0x38;
	[tilespmem:$0x10100] =	vst v63  }
0xb4: {  	_ =	swait.ge [sflag:s21], $0x8000  }
0xb5: {  	[sflag:s21] =	ssyncset.done $0x0  }
0xb6: {  	s0 =	simm.s32 $0x10080;
	s22 =	rddreg [dreg:$0x8];
	[sflag:s21] =	ssyncadd.s32 $0xFFFF8000  }
0xb7: {  	[tilespmem:s0], [sflag:$0x5] =	stream.linear.gather [hbm4b:s22+s2], $0x20, $0x38;
	[tilespmem:$0x10100] =	vst v63  }
0xb8: {  	_ =	swait.ge [sflag:s9], $0x20  }
0xb9: {  	[sflag:s9] =	ssyncset.done $0x0  }
0xba: {  	[sflag:s9] =	ssyncadd.s32 $0xFFFFFFE0  }
0xbb: {  	v3 =	vld [tilespmem:$0x10080];
	_ =	sdelay $0x4  }
0xbc: {  	v62 =	vshll.u32 v3, $0x3  }
0xbd: {  	v3 =	vand.u32 $0x7, v3;
	v4 =	vand.u32 $0xFFFFFFC0, v62  }
0xbe: {  	v3 =	vor.u32 v3, v4  }
0xbf: {  	v4 =	vperm.xlane v3, v0;
	_ =	sdelay $0x1  }
0xc0: {  	v4 =	vadd.s32 v1, v4;
	_ =	sdelay $0x4  }
0xc1: {  	[tilespmem:s25], [sflag:$0x2] =	stream.indirect_vreg.gather [hbm4b:s3+s2], $0x80, v4, vm0, $0xb8;
	[tilespmem:$0x10100] =	vst v63  }
0xc2: {  	v3 =	vperm.xlane v3, v2  }
0xc3: {  	[tilespmem:s23], [sflag:$0x2] =	stream.indirect_vreg.gather [hbm4b:s4+s2], $0x80, v4, vm0, $0xb8;
	[tilespmem:$0x10100] =	vst v63  }
0xc4: {  	v3 =	vadd.s32 v1, v3  }
0xc5: {  	[tilespmem:s28], [sflag:$0x2] =	stream.indirect_vreg.gather [hbm4b:s5+s2], $0x80, v4, vm0, $0xb8;
	[tilespmem:$0x10100] =	vst v63  }
0xc6: {  	s22 =	simm.s32 $0x9800  }
0xc7: {  	[tilespmem:s22], [sflag:$0x2] =	stream.indirect_vreg.gather [hbm4b:s6+s2], $0x80, v4, vm0, $0xb8;
	[tilespmem:$0x10100] =	vst v63  }
0xc8: {  	s23 =	simm.s32 $0xA000  }
0xc9: {  	[tilespmem:s23], [sflag:$0x2] =	stream.indirect_vreg.gather [hbm4b:s3+s2], $0x80, v3, vm0, $0xb8;
	[tilespmem:$0x10100] =	vst v63  }
0xca: {  	s22 =	simm.s32 $0xA800  }
0xcb: {  	[tilespmem:s22], [sflag:$0x2] =	stream.indirect_vreg.gather [hbm4b:s4+s2], $0x80, v3, vm0, $0xb8;
	[tilespmem:$0x10100] =	vst v63  }
0xcc: {  	s23 =	simm.s32 $0xB000  }
0xcd: {  	[tilespmem:s23], [sflag:$0x2] =	stream.indirect_vreg.gather [hbm4b:s5+s2], $0x80, v3, vm0, $0xb8;
	[tilespmem:$0x10100] =	vst v63  }
0xce: {  	s22 =	simm.s32 $0xB800  }
0xcf: {  	[tilespmem:s22], [sflag:$0x2] =	stream.indirect_vreg.gather [hbm4b:s6+s2], $0x80, v3, vm0, $0xb8;
	[tilespmem:$0x10100] =	vst v63  }
0xd0: {  	v3 =	vld [tilespmem:$0x10090];
	_ =	sdelay $0x4  }
0xd1: {  	v63 =	vshll.u32 v3, $0x3  }
0xd2: {  	v3 =	vand.u32 $0x7, v3;
	v4 =	vand.u32 $0xFFFFFFC0, v63  }
0xd3: {  	v3 =	vor.u32 v3, v4  }
0xd4: {  	v4 =	vperm.xlane v3, v0;
	_ =	sdelay $0x1  }
0xd5: {  	v4 =	vadd.s32 v1, v4;
	_ =	sdelay $0x3  }
0xd6: {  	s23 =	simm.s32 $0xC000  }
0xd7: {  	[tilespmem:s23], [sflag:$0x2] =	stream.indirect_vreg.gather [hbm4b:s3+s2], $0x80, v4, vm0, $0xb8;
	[tilespmem:$0x10100] =	vst v63  }
0xd8: {  	s22 =	simm.s32 $0xC800;
	v3 =	vperm.xlane v3, v2  }
0xd9: {  	[tilespmem:s22], [sflag:$0x2] =	stream.indirect_vreg.gather [hbm4b:s4+s2], $0x80, v4, vm0, $0xb8;
	[tilespmem:$0x10100] =	vst v63  }
0xda: {  	v3 =	vadd.s32 v1, v3;
	s23 =	simm.s32 $0xD000  }
0xdb: {  	[tilespmem:s23], [sflag:$0x2] =	stream.indirect_vreg.gather [hbm4b:s5+s2], $0x80, v4, vm0, $0xb8;
	[tilespmem:$0x10100] =	vst v63  }
0xdc: {  	s22 =	simm.s32 $0xD800  }
0xdd: {  	[tilespmem:s22], [sflag:$0x2] =	stream.indirect_vreg.gather [hbm4b:s6+s2], $0x80, v4, vm0, $0xb8;
	[tilespmem:$0x10100] =	vst v63  }
0xde: {  	s23 =	simm.s32 $0xE000  }
0xdf: {  	[tilespmem:s23], [sflag:$0x2] =	stream.indirect_vreg.gather [hbm4b:s3+s2], $0x80, v3, vm0, $0xb8;
	[tilespmem:$0x10100] =	vst v63  }
0xe0: {  	s22 =	simm.s32 $0xE800  }
0xe1: {  	[tilespmem:s22], [sflag:$0x2] =	stream.indirect_vreg.gather [hbm4b:s4+s2], $0x80, v3, vm0, $0xb8;
	[tilespmem:$0x10100] =	vst v63  }
0xe2: {  	s23 =	simm.s32 $0xF000  }
0xe3: {  	[tilespmem:s23], [sflag:$0x2] =	stream.indirect_vreg.gather [hbm4b:s5+s2], $0x80, v3, vm0, $0xb8;
	[tilespmem:$0x10100] =	vst v63  }
0xe4: {  	s22 =	simm.s32 $0xF800  }
0xe5: {  	[tilespmem:s22], [sflag:$0x2] =	stream.indirect_vreg.gather [hbm4b:s6+s2], $0x80, v3, vm0, $0xb8;
	[tilespmem:$0x10100] =	vst v63  }
0xe6: {  	_ =	swait.ge [sflag:s19], $0x8000  }
0xe7: {  	[sflag:s19] =	ssyncset.done $0x0  }
0xe8: {  	s23 =	rddreg [dreg:$0x9];
	[sflag:s19] =	ssyncadd.s32 $0xFFFF8000  }
0xe9: {  	[hbm4b:s23+s2] =	stream.linear.scatter [tilespmem:s25], [sflag:$0x4], $0x8000, $0x38;
	[tilespmem:$0x10100] =	vst v63  }
0xea: {  	p0 =	sne.s32 s7, $0x1;
	_ =	swait.ge [sflag:s20], $0x8000  }
.Ltmp0:
0xeb: {  	[sflag:s20] =	ssyncset.done $0x0;
	(pc) =	sbr.rel @p0 .LBB2_1-.Ltmp0, $4  }
0xec: {  	[sflag:s20] =	ssyncadd.s32 $0xFFFF8000  }
0xed: {  	_ =	swait.ge [sflag:s21], $0x8000  }
0xee: {  	[sflag:s21] =	ssyncset.done $0x0  }
0xef: {  	s7 =	sadd.s32 $0xFFFFFFFF, s7;
	[sflag:s21] =	ssyncadd.s32 $0xFFFF8000  }
0xf0: {  	_ =	sfence.sel $0x180000  }
0xf1: {  	[bflag:$0x0] =	sbarrier.arrive $0xFFFF  }
0xf2: {  	_ =	strace $0x90000050  }
0xf3: {  	s0 =	stileid.u32;
	[bflag:$0x2] =	sbarrier.arrive $0xFFFF  }
0xf4: {  	p0 =	sne.s32 s0, $0x0;
	s0 =	rddreg [dreg:$0x1]  }
0xf5: {  	s0 =	sadd.s32 @!p0 $0x100000, s0  }
0xf6: {  	[sflag:s0] =	ssyncadd.tile.s32 @!p0 $0x1;
	_ =	shalt  }
.Lfunc_end2:
_tile_overlayer_lowered:
.L_overlay_start_2:
0xf7: {  	(tag) =	ssettag $0x2  }
0xf8: {  	s0 =	rddreg [dreg:$0x0];
	s2 =	stileid.u32  }
0xf9: {  	s1 =	rddreg [dreg:$0x1];
	p0 =	sne.s32 s2, $0x0  }
0xfa: {  	s3 =	rddreg [dreg:$0x2];
	[bflag:$0x3] =	sbarrier.arrive $0xFFFF;
	s2 =	simm.s32 @!p0 $0x1C05  }
0xfb: {  	[timem:s3], [sflag:s2] =	dma.local @!p0 [hbm:s0], s1  }
0xfc: {  	s0 =	simm.s32 @!p0 $0x5  }
0xfd: {  	_ =	swait.ge @!p0 [sflag:s0], s1  }
0xfe: {  	s1 =	ssub.s32 @!p0 $0x0, s1;
	[sflag:s0] =	ssyncset.done @!p0 $0x0  }
0xff: {  	[sflag:s0] =	ssyncadd.s32 @!p0 s1  }
0x100: {  	[bflag:$0x3] =	sbarrier.arrive $0xFFFF  }
0x101: {  	_ =	shalt  }

</sc_bundles>
